<compile_context>
chip_gen: v7x
topology: tpu7x:2x2x1
jax: 0.10.2.dev20260603
libtpu: 0.0.44.dev20260713+nightly
codegen_flags: <defaults>
</compile_context>

<pallas_src>
import functools

import jax
import jax.numpy as jnp
from jax import lax
from jax.experimental import pallas as pl
from jax.experimental.pallas import tpu as pltpu, tpu_sc as plsc

_NC = 2
_NS = 16
_B = 128
_C = 128


def _sc_agg_body(ch, rpt, xa, xp, row_w, col_w, row_b, col_b, z2, z1,
                 agg_p, deg_p, agg_a, deg_a,
                 acc, deg, rb0, rb1, rb2, rb3, cb0, cb1, cb2, cb3,
                 rows0, rows1, ones_v, deg_stage, sg0, sg1,
                 si0, si1, si2, si3, ss0, ss1):
    c = lax.axis_index("c")
    s = lax.axis_index("s")
    npad = rpt * _NS
    for i in range(_B // 16):
        ones_v[pl.ds(i * 16, 16)] = jnp.ones((16,), jnp.float32)
    r0 = s * rpt
    ibufs = ((rb0, cb0, si0), (rb1, cb1, si1),
             (rb2, cb2, si2), (rb3, cb3, si3))
    gbufs = ((rows0, sg0, ss0), (rows1, sg1, ss1))
    for x_hbm, row_hbm, col_hbm, agg_hbm, deg_hbm in (
        (xa, row_w, col_w, agg_p, deg_p),
        (xp, row_b, col_b, agg_a, deg_a),
    ):
        pltpu.sync_copy(z2, rows0)
        for k in range(rpt // _B):
            pltpu.sync_copy(rows0, acc.at[pl.ds(r0 + k * _B, _B)])
        pltpu.sync_copy(z1, deg_stage)
        pltpu.sync_copy(deg_stage, deg.at[pl.ds(r0, rpt)])
        plsc.subcore_barrier()
        tb = (c * _NS + s) * ch * _B

        def idx_issue(k, q):
            rb, cb, si = ibufs[q]
            pltpu.async_copy(row_hbm.at[pl.ds(tb + k * _B, _B)], rb, si)
            pltpu.async_copy(col_hbm.at[pl.ds(tb + k * _B, _B)], cb, si)

        def idx_wait(q):
            rb, cb, si = ibufs[q]
            pltpu.make_async_copy(row_hbm.at[pl.ds(tb, _B)], rb, si).wait()
            pltpu.make_async_copy(col_hbm.at[pl.ds(tb, _B)], cb, si).wait()

        def gather_issue(q, b):
            pltpu.async_copy(x_hbm.at[ibufs[q][0]], gbufs[b][0], gbufs[b][1])

        def finish(k_q, k_b):
            rb, cb, si = ibufs[k_q]
            rows, sg, ss = gbufs[k_b]
            pltpu.make_async_copy(x_hbm.at[rb], rows, sg).wait()
            pltpu.async_copy(rows, acc.at[cb], ss, add=True)
            pltpu.async_copy(ones_v, deg.at[cb], ss, add=True)

        def drain(k_q, k_b):
            rb, cb, si = ibufs[k_q]
            rows, sg, ss = gbufs[k_b]
            pltpu.make_async_copy(rows, acc.at[cb], ss).wait()
            pltpu.make_async_copy(ones_v, deg.at[cb], ss).wait()

        idx_issue(0, 0)
        idx_issue(1, 1)
        idx_issue(2, 2)
        idx_wait(0)
        gather_issue(0, 0)
        idx_wait(1)
        gather_issue(1, 1)
        finish(0, 0)
        def step(k, d, dr):
            q, b = d % 4, d % 2

            @pl.when(k + 1 < ch)
            def _():
                idx_issue(k + 1, (d + 1) % 4)

            idx_wait(q)
            if dr:
                drain(q, b)
            gather_issue(q, b)
            finish((d + 3) % 4, 1 - b)

        step(2, 2, True)
        step(3, 3, True)

        def quad(g, carry):
            for d in range(4):
                step(4 * g + d, d, True)
            return carry

        lax.fori_loop(1, ch // 4, quad, 0)
        finish((ch + 3) % 4, (ch + 1) % 2)
        drain((ch + 2) % 4, ch % 2)
        drain((ch + 3) % 4, (ch + 1) % 2)
        plsc.subcore_barrier()
        for k in range(rpt // _B):
            pltpu.sync_copy(acc.at[pl.ds(r0 + k * _B, _B)], rows0)
            pltpu.sync_copy(rows0, agg_hbm.at[c, pl.ds(r0 + k * _B, _B)])
        pltpu.sync_copy(deg.at[pl.ds(r0, rpt)], deg_stage)
        pltpu.sync_copy(deg_stage, deg_hbm.at[pl.ds(c * npad + r0, rpt)])


@functools.lru_cache(maxsize=None)
def _make_sc_agg(ch, npad):
    rpt = npad // _NS
    mesh = plsc.VectorSubcoreMesh(core_axis_name="c", subcore_axis_name="s")
    return pl.kernel(
        functools.partial(_sc_agg_body, ch, rpt),
        out_type=[
            jax.ShapeDtypeStruct((_NC, npad, _C), jnp.float32),
            jax.ShapeDtypeStruct((_NC * npad,), jnp.float32),
            jax.ShapeDtypeStruct((_NC, npad, _C), jnp.float32),
            jax.ShapeDtypeStruct((_NC * npad,), jnp.float32),
        ],
        mesh=mesh,
        scratch_types=[
            pltpu.VMEM_SHARED((npad, _C), jnp.float32),
            pltpu.VMEM_SHARED((npad,), jnp.float32),
            pltpu.VMEM((_B,), jnp.int32),
            pltpu.VMEM((_B,), jnp.int32),
            pltpu.VMEM((_B,), jnp.int32),
            pltpu.VMEM((_B,), jnp.int32),
            pltpu.VMEM((_B,), jnp.int32),
            pltpu.VMEM((_B,), jnp.int32),
            pltpu.VMEM((_B,), jnp.int32),
            pltpu.VMEM((_B,), jnp.int32),
            pltpu.VMEM((_B, _C), jnp.float32),
            pltpu.VMEM((_B, _C), jnp.float32),
            pltpu.VMEM((_B,), jnp.float32),
            pltpu.VMEM((rpt,), jnp.float32),
            pltpu.SemaphoreType.DMA,
            pltpu.SemaphoreType.DMA,
            pltpu.SemaphoreType.DMA,
            pltpu.SemaphoreType.DMA,
            pltpu.SemaphoreType.DMA,
            pltpu.SemaphoreType.DMA,
            pltpu.SemaphoreType.DMA,
            pltpu.SemaphoreType.DMA,
        ],
    )


def _tc_body(xa_ref, xp_ref, agg_a_ref, deg_a_ref, agg_p_ref, deg_p_ref,
             wsa_t, bsa, wsp_t, bsp, wrw_t, wrwb_t, wsem_t, bsem, wscore,
             oa_ref, op_ref):
    f32 = jnp.float32

    def fuse(c0, c1):
        h0 = jnp.tanh(jnp.dot(c0, wsem_t[:], preferred_element_type=f32) + bsem[:])
        h1 = jnp.tanh(jnp.dot(c1, wsem_t[:], preferred_element_type=f32) + bsem[:])
        s0 = jnp.dot(h0, wscore[:], preferred_element_type=f32)
        s1 = jnp.dot(h1, wscore[:], preferred_element_type=f32)
        m = jnp.maximum(s0, s1)
        e0 = jnp.exp(s0 - m)
        e1 = jnp.exp(s1 - m)
        return (e0 * c0 + e1 * c1) / (e0 + e1)

    xa = xa_ref[:]
    xp = xp_ref[:]
    self_a = jnp.dot(xa, wsa_t[:], preferred_element_type=f32) + bsa[:]
    self_p = jnp.dot(xp, wsp_t[:], preferred_element_type=f32) + bsp[:]
    agg_a = agg_a_ref[0] + agg_a_ref[1]
    deg_a = jnp.maximum(deg_a_ref[:, 0] + deg_a_ref[:, 1], 1.0)
    rel_a = jnp.dot(agg_a, wrwb_t[:], preferred_element_type=f32) / deg_a[:, None]
    agg_p = agg_p_ref[0] + agg_p_ref[1]
    deg_p = jnp.maximum(deg_p_ref[:, 0] + deg_p_ref[:, 1], 1.0)
    rel_p = jnp.dot(agg_p, wrw_t[:], preferred_element_type=f32) / deg_p[:, None]
    oa_ref[:] = fuse(self_a, rel_a)
    op_ref[:] = fuse(self_p, rel_p)


def _prep_edges(edge_index, n_dst, npad, ch):
    e = edge_index.shape[1]
    epad = _NC * _NS * ch * _B
    row = jnp.concatenate(
        [edge_index[0].astype(jnp.int32), jnp.zeros((epad - e,), jnp.int32)])
    dummy = n_dst + jnp.arange(epad - e, dtype=jnp.int32) % (npad - n_dst)
    col = jnp.concatenate([edge_index[1].astype(jnp.int32), dummy])
    return row, col


def kernel(x_author, x_paper, edge_index_writes, edge_index_written_by,
           W_self_author, b_self_author, W_self_paper, b_self_paper,
           W_rel_writes, W_rel_written_by, W_sem, b_sem, w_score):
    n_author = x_author.shape[0]
    n_paper = x_paper.shape[0]
    e = edge_index_writes.shape[1]
    n_max = max(n_author, n_paper)
    npad = -(-(n_max + 1) // (_NS * _B)) * (_NS * _B)
    ch = 2 * (-(-e // (_NC * _NS * _B * 2)))
    rpt = npad // _NS

    row_w, col_w = _prep_edges(edge_index_writes, n_paper, npad, ch)
    row_b, col_b = _prep_edges(edge_index_written_by, n_author, npad, ch)
    z2 = jnp.zeros((_B, _C), jnp.float32)
    z1 = jnp.zeros((rpt,), jnp.float32)

    agg_p, deg_p, agg_a, deg_a = _make_sc_agg(ch, npad)(
        x_author, x_paper, row_w, col_w, row_b, col_b, z2, z1)

    agg_a2 = agg_a[:, :n_author]
    deg_a2 = deg_a.reshape(_NC, npad)[:, :n_author].T
    agg_p2 = agg_p[:, :n_paper]
    deg_p2 = deg_p.reshape(_NC, npad)[:, :n_paper].T

    r = 1000
    grid = (n_author // r,)
    full = lambda shape: pl.BlockSpec(shape, lambda i: (0,) * len(shape))
    out = pl.pallas_call(
        _tc_body,
        grid=grid,
        in_specs=[
            pl.BlockSpec((r, _C), lambda i: (i, 0)),
            pl.BlockSpec((r, _C), lambda i: (i, 0)),
            pl.BlockSpec((_NC, r, _C), lambda i: (0, i, 0)),
            pl.BlockSpec((r, _NC), lambda i: (i, 0)),
            pl.BlockSpec((_NC, r, _C), lambda i: (0, i, 0)),
            pl.BlockSpec((r, _NC), lambda i: (i, 0)),
            full((_C, _C)), full((1, _C)),
            full((_C, _C)), full((1, _C)),
            full((_C, _C)), full((_C, _C)),
            full((_C, _C)), full((1, _C)), full((_C, 1)),
        ],
        out_specs=[
            pl.BlockSpec((r, _C), lambda i: (i, 0)),
            pl.BlockSpec((r, _C), lambda i: (i, 0)),
        ],
        out_shape=[
            jax.ShapeDtypeStruct((n_author, _C), jnp.float32),
            jax.ShapeDtypeStruct((n_paper, _C), jnp.float32),
        ],
    )(
        x_author, x_paper, agg_a2, deg_a2, agg_p2, deg_p2,
        W_self_author.T, b_self_author.reshape(1, -1),
        W_self_paper.T, b_self_paper.reshape(1, -1),
        W_rel_writes.T, W_rel_written_by.T,
        W_sem.T, b_sem.reshape(1, -1), w_score.reshape(-1, 1),
    )
    return (out[0], out[1])

# --- scband reference (transcript-rebuilt; emitter-appended) ---
"""Pipeline reference for scband-hanconv-64707977282160 (READ-ONLY COPY).

The authoritative reference and input builder live on the scoring server;
editing this copy changes nothing except your own understanding.
"""

import jax, jax.numpy as jnp
import numpy as np

N_AUTHOR = 10000
N_PAPER = 10000
C_IN = 128
C_OUT = 128
E = 320000


def setup_inputs(seed: int = 0):
    key = jax.random.key(seed)
    ks = jax.random.split(key, 13)
    s = 0.05
    return {
        "x_author": jax.random.normal(ks[0], (N_AUTHOR, C_IN), jnp.float32),
        "x_paper": jax.random.normal(ks[1], (N_PAPER, C_IN), jnp.float32),
        "edge_index_writes": jnp.stack([
            jax.random.randint(ks[2], (E,), 0, N_AUTHOR),
            jax.random.randint(ks[3], (E,), 0, N_PAPER)], axis=0),
        "edge_index_written_by": jnp.stack([
            jax.random.randint(ks[4], (E,), 0, N_PAPER),
            jax.random.randint(ks[5], (E,), 0, N_AUTHOR)], axis=0),
        "W_self_author": jax.random.normal(ks[6], (C_OUT, C_IN), jnp.float32) * s,
        "b_self_author": jnp.zeros((C_OUT,), jnp.float32),
        "W_self_paper": jax.random.normal(ks[7], (C_OUT, C_IN), jnp.float32) * s,
        "b_self_paper": jnp.zeros((C_OUT,), jnp.float32),
        "W_rel_writes": jax.random.normal(ks[8], (C_OUT, C_IN), jnp.float32) * s,
        "W_rel_written_by": jax.random.normal(ks[9], (C_OUT, C_IN), jnp.float32) * s,
        "W_sem": jax.random.normal(ks[10], (C_OUT, C_OUT), jnp.float32) * s,
        "b_sem": jnp.zeros((C_OUT,), jnp.float32),
        "w_score": jax.random.normal(ks[11], (C_OUT,), jnp.float32) * s,
    }


def _rel_aggregate(x_src, W_rel, edge_index, n_dst):
    # transformed = Linear(no bias)(x_src); out.index_add_(0, col, transformed[row]); mean by in-degree
    row = edge_index[0]
    col = edge_index[1]
    transformed = x_src @ W_rel.T
    out = jnp.zeros((n_dst, transformed.shape[1]), transformed.dtype).at[col].add(transformed[row])
    deg = jnp.zeros((n_dst,), transformed.dtype).at[col].add(jnp.ones((col.shape[0],), transformed.dtype))
    return out / jnp.maximum(deg, 1.0)[:, None]


def _semantic_fuse(candidates, W_sem, b_sem, w_score):
    stacked = jnp.stack(candidates, axis=1)  # [N, n_cand, C_OUT]
    h = jnp.tanh(stacked @ W_sem.T + b_sem)
    scores = h @ w_score  # [N, n_cand]
    weights = jax.nn.softmax(scores, axis=1)[..., None]
    return jnp.sum(stacked * weights, axis=1)


def reference(x_author, x_paper, edge_index_writes, edge_index_written_by,
              W_self_author, b_self_author, W_self_paper, b_self_paper,
              W_rel_writes, W_rel_written_by, W_sem, b_sem, w_score):
    author_cands = [x_author @ W_self_author.T + b_self_author]
    paper_cands = [x_paper @ W_self_paper.T + b_self_paper]
    # relation (author, writes, paper): dst = paper
    paper_cands.append(_rel_aggregate(x_author, W_rel_writes, edge_index_writes, N_PAPER))
    # relation (paper, written_by, author): dst = author
    author_cands.append(_rel_aggregate(x_paper, W_rel_written_by, edge_index_written_by, N_AUTHOR))
    out_author = _semantic_fuse(author_cands, W_sem, b_sem, w_score)
    out_paper = _semantic_fuse(paper_cands, W_sem, b_sem, w_score)
    return (out_author, out_paper)

if __name__ == "__main__":
    import jax
    _d = setup_inputs()
    print(jax.jit(kernel)(*tuple(_d.values())))

</pallas_src>

<mosaic_0001>
#map = affine_map<(d0, d1) -> (0, 0)>
#map1 = affine_map<(d0, d1) -> (0)>
#map2 = affine_map<(d0, d1) -> (0, 0, 0)>
module attributes {stable_mosaic.version = 14 : i64} {
  func.func @_sc_agg_body(%arg0: i32, %arg1: i32, %arg2: memref<10000x128xf32, #tpu.memory_space<hbm>>, %arg3: memref<10000x128xf32, #tpu.memory_space<hbm>>, %arg4: memref<327680xi32, #tpu.memory_space<hbm>>, %arg5: memref<327680xi32, #tpu.memory_space<hbm>>, %arg6: memref<327680xi32, #tpu.memory_space<hbm>>, %arg7: memref<327680xi32, #tpu.memory_space<hbm>>, %arg8: memref<128x128xf32, #tpu.memory_space<hbm>>, %arg9: memref<640xf32, #tpu.memory_space<hbm>>, %arg10: memref<2x10240x128xf32, #tpu.memory_space<hbm>>, %arg11: memref<20480xf32, #tpu.memory_space<hbm>>, %arg12: memref<2x10240x128xf32, #tpu.memory_space<hbm>>, %arg13: memref<20480xf32, #tpu.memory_space<hbm>>, %arg14: memref<10240x128xf32, #tpu.memory_space<vmem_shared>>, %arg15: memref<10240xf32, #tpu.memory_space<vmem_shared>>, %arg16: memref<128xi32, #tpu.memory_space<vmem>>, %arg17: memref<128xi32, #tpu.memory_space<vmem>>, %arg18: memref<128xi32, #tpu.memory_space<vmem>>, %arg19: memref<128xi32, #tpu.memory_space<vmem>>, %arg20: memref<128xi32, #tpu.memory_space<vmem>>, %arg21: memref<128xi32, #tpu.memory_space<vmem>>, %arg22: memref<128xi32, #tpu.memory_space<vmem>>, %arg23: memref<128xi32, #tpu.memory_space<vmem>>, %arg24: memref<128x128xf32, #tpu.memory_space<vmem>>, %arg25: memref<128x128xf32, #tpu.memory_space<vmem>>, %arg26: memref<128xf32, #tpu.memory_space<vmem>>, %arg27: memref<640xf32, #tpu.memory_space<vmem>>, %arg28: memref<!tpu.dma_semaphore, #tpu.memory_space<semaphore_mem>>, %arg29: memref<!tpu.dma_semaphore, #tpu.memory_space<semaphore_mem>>, %arg30: memref<!tpu.dma_semaphore, #tpu.memory_space<semaphore_mem>>, %arg31: memref<!tpu.dma_semaphore, #tpu.memory_space<semaphore_mem>>, %arg32: memref<!tpu.dma_semaphore, #tpu.memory_space<semaphore_mem>>, %arg33: memref<!tpu.dma_semaphore, #tpu.memory_space<semaphore_mem>>, %arg34: memref<!tpu.dma_semaphore, #tpu.memory_space<semaphore_mem>>, %arg35: memref<!tpu.dma_semaphore, #tpu.memory_space<semaphore_mem>>) attributes {dimension_semantics = [#tpu.dimension_semantics<core_parallel>, #tpu.dimension_semantics<subcore_parallel>], iteration_bounds = array<i64: 2, 16>, scalar_prefetch = 0 : i64, scratch_operands = 22 : i64, tpu.core_type = #tpu.core_type<sc_vector_subcore>, window_params = [{transform_indices = #map}, {transform_indices = #map}, {transform_indices = #map1}, {transform_indices = #map1}, {transform_indices = #map1}, {transform_indices = #map1}, {transform_indices = #map}, {transform_indices = #map1}, {transform_indices = #map2}, {transform_indices = #map1}, {transform_indices = #map2}, {transform_indices = #map1}]} {
    %broadcast_in_dim3A = arith.constant 1.000000e+00 : f32
    %broadcast_in_dim3A_0 = vector.broadcast %broadcast_in_dim3A : f32 to vector<16xf32>
    %swap3A = arith.constant 0 : index
    %swap3A_1 = tpu.vector_load %arg26[%swap3A] {strides = array<i32>} : memref<128xf32, #tpu.memory_space<vmem>>, vector<16xf32>,
    %swap3A_2 = vector.shape_cast %swap3A_1 : vector<16xf32> to vector<16xf32>
    %swap3A_3 = vector.shape_cast %broadcast_in_dim3A_0 : vector<16xf32> to vector<16xf32>
    tpu.vector_store %arg26[%swap3A], %swap3A_3 {strides = array<i32>} : memref<128xf32, #tpu.memory_space<vmem>>, vector<16xf32>,
    %broadcast_in_dim3A_4 = arith.constant 1.000000e+00 : f32
    %broadcast_in_dim3A_5 = vector.broadcast %broadcast_in_dim3A_4 : f32 to vector<16xf32>
    %swap3A_6 = arith.constant 16 : index
    %swap3A_7 = tpu.vector_load %arg26[%swap3A_6] {strides = array<i32>} : memref<128xf32, #tpu.memory_space<vmem>>, vector<16xf32>,
    %swap3A_8 = vector.shape_cast %swap3A_7 : vector<16xf32> to vector<16xf32>
    %swap3A_9 = vector.shape_cast %broadcast_in_dim3A_5 : vector<16xf32> to vector<16xf32>
    tpu.vector_store %arg26[%swap3A_6], %swap3A_9 {strides = array<i32>} : memref<128xf32, #tpu.memory_space<vmem>>, vector<16xf32>,
    %broadcast_in_dim3A_10 = arith.constant 1.000000e+00 : f32
    %broadcast_in_dim3A_11 = vector.broadcast %broadcast_in_dim3A_10 : f32 to vector<16xf32>
    %swap3A_12 = arith.constant 32 : index
    %swap3A_13 = tpu.vector_load %arg26[%swap3A_12] {strides = array<i32>} : memref<128xf32, #tpu.memory_space<vmem>>, vector<16xf32>,
    %swap3A_14 = vector.shape_cast %swap3A_13 : vector<16xf32> to vector<16xf32>
    %swap3A_15 = vector.shape_cast %broadcast_in_dim3A_11 : vector<16xf32> to vector<16xf32>
    tpu.vector_store %arg26[%swap3A_12], %swap3A_15 {strides = array<i32>} : memref<128xf32, #tpu.memory_space<vmem>>, vector<16xf32>,
    %broadcast_in_dim3A_16 = arith.constant 1.000000e+00 : f32
    %broadcast_in_dim3A_17 = vector.broadcast %broadcast_in_dim3A_16 : f32 to vector<16xf32>
    %swap3A_18 = arith.constant 48 : index
    %swap3A_19 = tpu.vector_load %arg26[%swap3A_18] {strides = array<i32>} : memref<128xf32, #tpu.memory_space<vmem>>, vector<16xf32>,
    %swap3A_20 = vector.shape_cast %swap3A_19 : vector<16xf32> to vector<16xf32>
    %swap3A_21 = vector.shape_cast %broadcast_in_dim3A_17 : vector<16xf32> to vector<16xf32>
    tpu.vector_store %arg26[%swap3A_18], %swap3A_21 {strides = array<i32>} : memref<128xf32, #tpu.memory_space<vmem>>, vector<16xf32>,
    %broadcast_in_dim3A_22 = arith.constant 1.000000e+00 : f32
    %broadcast_in_dim3A_23 = vector.broadcast %broadcast_in_dim3A_22 : f32 to vector<16xf32>
    %swap3A_24 = arith.constant 64 : index
    %swap3A_25 = tpu.vector_load %arg26[%swap3A_24] {strides = array<i32>} : memref<128xf32, #tpu.memory_space<vmem>>, vector<16xf32>,
    %swap3A_26 = vector.shape_cast %swap3A_25 : vector<16xf32> to vector<16xf32>
    %swap3A_27 = vector.shape_cast %broadcast_in_dim3A_23 : vector<16xf32> to vector<16xf32>
    tpu.vector_store %arg26[%swap3A_24], %swap3A_27 {strides = array<i32>} : memref<128xf32, #tpu.memory_space<vmem>>, vector<16xf32>,
    %broadcast_in_dim3A_28 = arith.constant 1.000000e+00 : f32
    %broadcast_in_dim3A_29 = vector.broadcast %broadcast_in_dim3A_28 : f32 to vector<16xf32>
    %swap3A_30 = arith.constant 80 : index
    %swap3A_31 = tpu.vector_load %arg26[%swap3A_30] {strides = array<i32>} : memref<128xf32, #tpu.memory_space<vmem>>, vector<16xf32>,
    %swap3A_32 = vector.shape_cast %swap3A_31 : vector<16xf32> to vector<16xf32>
    %swap3A_33 = vector.shape_cast %broadcast_in_dim3A_29 : vector<16xf32> to vector<16xf32>
    tpu.vector_store %arg26[%swap3A_30], %swap3A_33 {strides = array<i32>} : memref<128xf32, #tpu.memory_space<vmem>>, vector<16xf32>,
    %broadcast_in_dim3A_34 = arith.constant 1.000000e+00 : f32
    %broadcast_in_dim3A_35 = vector.broadcast %broadcast_in_dim3A_34 : f32 to vector<16xf32>
    %swap3A_36 = arith.constant 96 : index
    %swap3A_37 = tpu.vector_load %arg26[%swap3A_36] {strides = array<i32>} : memref<128xf32, #tpu.memory_space<vmem>>, vector<16xf32>,
    %swap3A_38 = vector.shape_cast %swap3A_37 : vector<16xf32> to vector<16xf32>
    %swap3A_39 = vector.shape_cast %broadcast_in_dim3A_35 : vector<16xf32> to vector<16xf32>
    tpu.vector_store %arg26[%swap3A_36], %swap3A_39 {strides = array<i32>} : memref<128xf32, #tpu.memory_space<vmem>>, vector<16xf32>,
    %broadcast_in_dim3A_40 = arith.constant 1.000000e+00 : f32
    %broadcast_in_dim3A_41 = vector.broadcast %broadcast_in_dim3A_40 : f32 to vector<16xf32>
    %swap3A_42 = arith.constant 112 : index
    %swap3A_43 = tpu.vector_load %arg26[%swap3A_42] {strides = array<i32>} : memref<128xf32, #tpu.memory_space<vmem>>, vector<16xf32>,
    %swap3A_44 = vector.shape_cast %swap3A_43 : vector<16xf32> to vector<16xf32>
    %swap3A_45 = vector.shape_cast %broadcast_in_dim3A_41 : vector<16xf32> to vector<16xf32>
    tpu.vector_store %arg26[%swap3A_42], %swap3A_45 {strides = array<i32>} : memref<128xf32, #tpu.memory_space<vmem>>, vector<16xf32>,
    %mul3A = arith.constant 640 : i32
    %mul3A_46 = arith.muli %arg1, %mul3A : i32
    "tpu.region"() ({
      %run_scoped3A = tpu.sem_alloc : memref<!tpu.dma_semaphore, #tpu.memory_space<semaphore_mem>>
      tpu.enqueue_dma source(%arg8 : memref<128x128xf32, #tpu.memory_space<hbm>>) target(%arg24 : memref<128x128xf32, #tpu.memory_space<vmem>>) target_semaphore(%run_scoped3A : memref<!tpu.dma_semaphore, #tpu.memory_space<semaphore_mem>>)
      tpu.wait_dma2 semaphore(%run_scoped3A : memref<!tpu.dma_semaphore, #tpu.memory_space<semaphore_mem>>) src(%arg8 : memref<128x128xf32, #tpu.memory_space<hbm>>) dst(%arg24 : memref<128x128xf32, #tpu.memory_space<vmem>>)
      tpu.yield
    }) : () -> ()
    %add3A = arith.constant 0 : i32
    %add3A_47 = arith.addi %mul3A_46, %add3A : i32
    "tpu.region"() ({
      %run_scoped3A = tpu.sem_alloc : memref<!tpu.dma_semaphore, #tpu.memory_space<semaphore_mem>>
      %dma_start3A_378 = arith.constant 0 : i32
      %dma_start3A_379 = tpu.memref_slice %arg14[%add3A_47, %dma_start3A_378] : memref<10240x128xf32, #tpu.memory_space<vmem_shared>> -> memref<128x128xf32, #tpu.memory_space<vmem_shared>>
      %dma_start3A_380 = arith.constant 0 : i32
      %dma_start3A_381 = tpu.memref_slice %arg14[%add3A_47, %dma_start3A_380] : memref<10240x128xf32, #tpu.memory_space<vmem_shared>> -> memref<128x128xf32, #tpu.memory_space<vmem_shared>>
      tpu.enqueue_dma source(%arg24 : memref<128x128xf32, #tpu.memory_space<vmem>>) target(%dma_start3A_381 : memref<128x128xf32, #tpu.memory_space<vmem_shared>>) target_semaphore(%run_scoped3A : memref<!tpu.dma_semaphore, #tpu.memory_space<semaphore_mem>>)
      %dma_wait3A_382 = arith.constant 0 : i32
      %dma_wait3A_383 = tpu.memref_slice %arg14[%add3A_47, %dma_wait3A_382] : memref<10240x128xf32, #tpu.memory_space<vmem_shared>> -> memref<128x128xf32, #tpu.memory_space<vmem_shared>>
      %dma_wait3A_384 = arith.constant 0 : i32
      %dma_wait3A_385 = tpu.memref_slice %arg14[%add3A_47, %dma_wait3A_384] : memref<10240x128xf32, #tpu.memory_space<vmem_shared>> -> memref<128x128xf32, #tpu.memory_space<vmem_shared>>
      tpu.wait_dma2 semaphore(%run_scoped3A : memref<!tpu.dma_semaphore, #tpu.memory_space<semaphore_mem>>) src(%arg24 : memref<128x128xf32, #tpu.memory_space<vmem>>) dst(%dma_wait3A_385 : memref<128x128xf32, #tpu.memory_space<vmem_shared>>)
      tpu.yield
    }) : () -> ()
    %add3A_48 = arith.constant 128 : i32
    %add3A_49 = arith.addi %mul3A_46, %add3A_48 : i32
    "tpu.region"() ({
      %run_scoped3A = tpu.sem_alloc : memref<!tpu.dma_semaphore, #tpu.memory_space<semaphore_mem>>
      %dma_start3A_378 = arith.constant 0 : i32
      %dma_start3A_379 = tpu.memref_slice %arg14[%add3A_49, %dma_start3A_378] : memref<10240x128xf32, #tpu.memory_space<vmem_shared>> -> memref<128x128xf32, #tpu.memory_space<vmem_shared>>
      %dma_start3A_380 = arith.constant 0 : i32
      %dma_start3A_381 = tpu.memref_slice %arg14[%add3A_49, %dma_start3A_380] : memref<10240x128xf32, #tpu.memory_space<vmem_shared>> -> memref<128x128xf32, #tpu.memory_space<vmem_shared>>
      tpu.enqueue_dma source(%arg24 : memref<128x128xf32, #tpu.memory_space<vmem>>) target(%dma_start3A_381 : memref<128x128xf32, #tpu.memory_space<vmem_shared>>) target_semaphore(%run_scoped3A : memref<!tpu.dma_semaphore, #tpu.memory_space<semaphore_mem>>)
      %dma_wait3A_382 = arith.constant 0 : i32
      %dma_wait3A_383 = tpu.memref_slice %arg14[%add3A_49, %dma_wait3A_382] : memref<10240x128xf32, #tpu.memory_space<vmem_shared>> -> memref<128x128xf32, #tpu.memory_space<vmem_shared>>
      %dma_wait3A_384 = arith.constant 0 : i32
      %dma_wait3A_385 = tpu.memref_slice %arg14[%add3A_49, %dma_wait3A_384] : memref<10240x128xf32, #tpu.memory_space<vmem_shared>> -> memref<128x128xf32, #tpu.memory_space<vmem_shared>>
      tpu.wait_dma2 semaphore(%run_scoped3A : memref<!tpu.dma_semaphore, #tpu.memory_space<semaphore_mem>>) src(%arg24 : memref<128x128xf32, #tpu.memory_space<vmem>>) dst(%dma_wait3A_385 : memref<128x128xf32, #tpu.memory_space<vmem_shared>>)
      tpu.yield
    }) : () -> ()
    %add3A_50 = arith.constant 256 : i32
    %add3A_51 = arith.addi %mul3A_46, %add3A_50 : i32
    "tpu.region"() ({
      %run_scoped3A = tpu.sem_alloc : memref<!tpu.dma_semaphore, #tpu.memory_space<semaphore_mem>>
      %dma_start3A_378 = arith.constant 0 : i32
      %dma_start3A_379 = tpu.memref_slice %arg14[%add3A_51, %dma_start3A_378] : memref<10240x128xf32, #tpu.memory_space<vmem_shared>> -> memref<128x128xf32, #tpu.memory_space<vmem_shared>>
      %dma_start3A_380 = arith.constant 0 : i32
      %dma_start3A_381 = tpu.memref_slice %arg14[%add3A_51, %dma_start3A_380] : memref<10240x128xf32, #tpu.memory_space<vmem_shared>> -> memref<128x128xf32, #tpu.memory_space<vmem_shared>>
      tpu.enqueue_dma source(%arg24 : memref<128x128xf32, #tpu.memory_space<vmem>>) target(%dma_start3A_381 : memref<128x128xf32, #tpu.memory_space<vmem_shared>>) target_semaphore(%run_scoped3A : memref<!tpu.dma_semaphore, #tpu.memory_space<semaphore_mem>>)
      %dma_wait3A_382 = arith.constant 0 : i32
      %dma_wait3A_383 = tpu.memref_slice %arg14[%add3A_51, %dma_wait3A_382] : memref<10240x128xf32, #tpu.memory_space<vmem_shared>> -> memref<128x128xf32, #tpu.memory_space<vmem_shared>>
      %dma_wait3A_384 = arith.constant 0 : i32
      %dma_wait3A_385 = tpu.memref_slice %arg14[%add3A_51, %dma_wait3A_384] : memref<10240x128xf32, #tpu.memory_space<vmem_shared>> -> memref<128x128xf32, #tpu.memory_space<vmem_shared>>
      tpu.wait_dma2 semaphore(%run_scoped3A : memref<!tpu.dma_semaphore, #tpu.memory_space<semaphore_mem>>) src(%arg24 : memref<128x128xf32, #tpu.memory_space<vmem>>) dst(%dma_wait3A_385 : memref<128x128xf32, #tpu.memory_space<vmem_shared>>)
      tpu.yield
    }) : () -> ()
    %add3A_52 = arith.constant 384 : i32
    %add3A_53 = arith.addi %mul3A_46, %add3A_52 : i32
    "tpu.region"() ({
      %run_scoped3A = tpu.sem_alloc : memref<!tpu.dma_semaphore, #tpu.memory_space<semaphore_mem>>
      %dma_start3A_378 = arith.constant 0 : i32
      %dma_start3A_379 = tpu.memref_slice %arg14[%add3A_53, %dma_start3A_378] : memref<10240x128xf32, #tpu.memory_space<vmem_shared>> -> memref<128x128xf32, #tpu.memory_space<vmem_shared>>
      %dma_start3A_380 = arith.constant 0 : i32
      %dma_start3A_381 = tpu.memref_slice %arg14[%add3A_53, %dma_start3A_380] : memref<10240x128xf32, #tpu.memory_space<vmem_shared>> -> memref<128x128xf32, #tpu.memory_space<vmem_shared>>
      tpu.enqueue_dma source(%arg24 : memref<128x128xf32, #tpu.memory_space<vmem>>) target(%dma_start3A_381 : memref<128x128xf32, #tpu.memory_space<vmem_shared>>) target_semaphore(%run_scoped3A : memref<!tpu.dma_semaphore, #tpu.memory_space<semaphore_mem>>)
      %dma_wait3A_382 = arith.constant 0 : i32
      %dma_wait3A_383 = tpu.memref_slice %arg14[%add3A_53, %dma_wait3A_382] : memref<10240x128xf32, #tpu.memory_space<vmem_shared>> -> memref<128x128xf32, #tpu.memory_space<vmem_shared>>
      %dma_wait3A_384 = arith.constant 0 : i32
      %dma_wait3A_385 = tpu.memref_slice %arg14[%add3A_53, %dma_wait3A_384] : memref<10240x128xf32, #tpu.memory_space<vmem_shared>> -> memref<128x128xf32, #tpu.memory_space<vmem_shared>>
      tpu.wait_dma2 semaphore(%run_scoped3A : memref<!tpu.dma_semaphore, #tpu.memory_space<semaphore_mem>>) src(%arg24 : memref<128x128xf32, #tpu.memory_space<vmem>>) dst(%dma_wait3A_385 : memref<128x128xf32, #tpu.memory_space<vmem_shared>>)
      tpu.yield
    }) : () -> ()
    %add3A_54 = arith.constant 512 : i32
    %add3A_55 = arith.addi %mul3A_46, %add3A_54 : i32
    "tpu.region"() ({
      %run_scoped3A = tpu.sem_alloc : memref<!tpu.dma_semaphore, #tpu.memory_space<semaphore_mem>>
      %dma_start3A_378 = arith.constant 0 : i32
      %dma_start3A_379 = tpu.memref_slice %arg14[%add3A_55, %dma_start3A_378] : memref<10240x128xf32, #tpu.memory_space<vmem_shared>> -> memref<128x128xf32, #tpu.memory_space<vmem_shared>>
      %dma_start3A_380 = arith.constant 0 : i32
      %dma_start3A_381 = tpu.memref_slice %arg14[%add3A_55, %dma_start3A_380] : memref<10240x128xf32, #tpu.memory_space<vmem_shared>> -> memref<128x128xf32, #tpu.memory_space<vmem_shared>>
      tpu.enqueue_dma source(%arg24 : memref<128x128xf32, #tpu.memory_space<vmem>>) target(%dma_start3A_381 : memref<128x128xf32, #tpu.memory_space<vmem_shared>>) target_semaphore(%run_scoped3A : memref<!tpu.dma_semaphore, #tpu.memory_space<semaphore_mem>>)
      %dma_wait3A_382 = arith.constant 0 : i32
      %dma_wait3A_383 = tpu.memref_slice %arg14[%add3A_55, %dma_wait3A_382] : memref<10240x128xf32, #tpu.memory_space<vmem_shared>> -> memref<128x128xf32, #tpu.memory_space<vmem_shared>>
      %dma_wait3A_384 = arith.constant 0 : i32
      %dma_wait3A_385 = tpu.memref_slice %arg14[%add3A_55, %dma_wait3A_384] : memref<10240x128xf32, #tpu.memory_space<vmem_shared>> -> memref<128x128xf32, #tpu.memory_space<vmem_shared>>
      tpu.wait_dma2 semaphore(%run_scoped3A : memref<!tpu.dma_semaphore, #tpu.memory_space<semaphore_mem>>) src(%arg24 : memref<128x128xf32, #tpu.memory_space<vmem>>) dst(%dma_wait3A_385 : memref<128x128xf32, #tpu.memory_space<vmem_shared>>)
      tpu.yield
    }) : () -> ()
    "tpu.region"() ({
      %run_scoped3A = tpu.sem_alloc : memref<!tpu.dma_semaphore, #tpu.memory_space<semaphore_mem>>
      tpu.enqueue_dma source(%arg9 : memref<640xf32, #tpu.memory_space<hbm>>) target(%arg27 : memref<640xf32, #tpu.memory_space<vmem>>) target_semaphore(%run_scoped3A : memref<!tpu.dma_semaphore, #tpu.memory_space<semaphore_mem>>)
      tpu.wait_dma2 semaphore(%run_scoped3A : memref<!tpu.dma_semaphore, #tpu.memory_space<semaphore_mem>>) src(%arg9 : memref<640xf32, #tpu.memory_space<hbm>>) dst(%arg27 : memref<640xf32, #tpu.memory_space<vmem>>)
      tpu.yield
    }) : () -> ()
    "tpu.region"() ({
      %run_scoped3A = tpu.sem_alloc : memref<!tpu.dma_semaphore, #tpu.memory_space<semaphore_mem>>
      %dma_start3A_378 = tpu.memref_slice %arg15[%mul3A_46] : memref<10240xf32, #tpu.memory_space<vmem_shared>> -> memref<640xf32, #tpu.memory_space<vmem_shared>>
      %dma_start3A_379 = tpu.memref_slice %arg15[%mul3A_46] : memref<10240xf32, #tpu.memory_space<vmem_shared>> -> memref<640xf32, #tpu.memory_space<vmem_shared>>
      tpu.enqueue_dma source(%arg27 : memref<640xf32, #tpu.memory_space<vmem>>) target(%dma_start3A_379 : memref<640xf32, #tpu.memory_space<vmem_shared>>) target_semaphore(%run_scoped3A : memref<!tpu.dma_semaphore, #tpu.memory_space<semaphore_mem>>)
      %dma_wait3A_380 = tpu.memref_slice %arg15[%mul3A_46] : memref<10240xf32, #tpu.memory_space<vmem_shared>> -> memref<640xf32, #tpu.memory_space<vmem_shared>>
      %dma_wait3A_381 = tpu.memref_slice %arg15[%mul3A_46] : memref<10240xf32, #tpu.memory_space<vmem_shared>> -> memref<640xf32, #tpu.memory_space<vmem_shared>>
      tpu.wait_dma2 semaphore(%run_scoped3A : memref<!tpu.dma_semaphore, #tpu.memory_space<semaphore_mem>>) src(%arg27 : memref<640xf32, #tpu.memory_space<vmem>>) dst(%dma_wait3A_381 : memref<640xf32, #tpu.memory_space<vmem_shared>>)
      tpu.yield
    }) : () -> ()
    %barrier3A = arith.constant 0 : index
    tpu.barrier barrier_id(%barrier3A)
    %mul3A_56 = arith.constant 16 : i32
    %mul3A_57 = arith.muli %arg0, %mul3A_56 : i32
    %add3A_58 = arith.addi %mul3A_57, %arg1 : i32
    %mul3A_59 = arith.constant 80 : i32
    %mul3A_60 = arith.muli %add3A_58, %mul3A_59 : i32
    %mul3A_61 = arith.constant 128 : i32
    %mul3A_62 = arith.muli %mul3A_60, %mul3A_61 : i32
    %add3A_63 = arith.constant 0 : i32
    %add3A_64 = arith.addi %mul3A_62, %add3A_63 : i32
    %dma_start3A = tpu.memref_slice %arg4[%add3A_64] : memref<327680xi32, #tpu.memory_space<hbm>> -> memref<128xi32, #tpu.memory_space<hbm>>
    %dma_start3A_65 = tpu.memref_slice %arg4[%add3A_64] : memref<327680xi32, #tpu.memory_space<hbm>> -> memref<128xi32, #tpu.memory_space<hbm>>
    tpu.enqueue_dma source(%dma_start3A_65 : memref<128xi32, #tpu.memory_space<hbm>>) target(%arg16 : memref<128xi32, #tpu.memory_space<vmem>>) target_semaphore(%arg30 : memref<!tpu.dma_semaphore, #tpu.memory_space<semaphore_mem>>)
    %add3A_66 = arith.constant 0 : i32
    %add3A_67 = arith.addi %mul3A_62, %add3A_66 : i32
    %dma_start3A_68 = tpu.memref_slice %arg5[%add3A_67] : memref<327680xi32, #tpu.memory_space<hbm>> -> memref<128xi32, #tpu.memory_space<hbm>>
    %dma_start3A_69 = tpu.memref_slice %arg5[%add3A_67] : memref<327680xi32, #tpu.memory_space<hbm>> -> memref<128xi32, #tpu.memory_space<hbm>>
    tpu.enqueue_dma source(%dma_start3A_69 : memref<128xi32, #tpu.memory_space<hbm>>) target(%arg20 : memref<128xi32, #tpu.memory_space<vmem>>) target_semaphore(%arg30 : memref<!tpu.dma_semaphore, #tpu.memory_space<semaphore_mem>>)
    %add3A_70 = arith.constant 128 : i32
    %add3A_71 = arith.addi %mul3A_62, %add3A_70 : i32
    %dma_start3A_72 = tpu.memref_slice %arg4[%add3A_71] : memref<327680xi32, #tpu.memory_space<hbm>> -> memref<128xi32, #tpu.memory_space<hbm>>
    %dma_start3A_73 = tpu.memref_slice %arg4[%add3A_71] : memref<327680xi32, #tpu.memory_space<hbm>> -> memref<128xi32, #tpu.memory_space<hbm>>
    tpu.enqueue_dma source(%dma_start3A_73 : memref<128xi32, #tpu.memory_space<hbm>>) target(%arg17 : memref<128xi32, #tpu.memory_space<vmem>>) target_semaphore(%arg31 : memref<!tpu.dma_semaphore, #tpu.memory_space<semaphore_mem>>)
    %add3A_74 = arith.constant 128 : i32
    %add3A_75 = arith.addi %mul3A_62, %add3A_74 : i32
    %dma_start3A_76 = tpu.memref_slice %arg5[%add3A_75] : memref<327680xi32, #tpu.memory_space<hbm>> -> memref<128xi32, #tpu.memory_space<hbm>>
    %dma_start3A_77 = tpu.memref_slice %arg5[%add3A_75] : memref<327680xi32, #tpu.memory_space<hbm>> -> memref<128xi32, #tpu.memory_space<hbm>>
    tpu.enqueue_dma source(%dma_start3A_77 : memref<128xi32, #tpu.memory_space<hbm>>) target(%arg21 : memref<128xi32, #tpu.memory_space<vmem>>) target_semaphore(%arg31 : memref<!tpu.dma_semaphore, #tpu.memory_space<semaphore_mem>>)
    %add3A_78 = arith.constant 256 : i32
    %add3A_79 = arith.addi %mul3A_62, %add3A_78 : i32
    %dma_start3A_80 = tpu.memref_slice %arg4[%add3A_79] : memref<327680xi32, #tpu.memory_space<hbm>> -> memref<128xi32, #tpu.memory_space<hbm>>
    %dma_start3A_81 = tpu.memref_slice %arg4[%add3A_79] : memref<327680xi32, #tpu.memory_space<hbm>> -> memref<128xi32, #tpu.memory_space<hbm>>
    tpu.enqueue_dma source(%dma_start3A_81 : memref<128xi32, #tpu.memory_space<hbm>>) target(%arg18 : memref<128xi32, #tpu.memory_space<vmem>>) target_semaphore(%arg32 : memref<!tpu.dma_semaphore, #tpu.memory_space<semaphore_mem>>)
    %add3A_82 = arith.constant 256 : i32
    %add3A_83 = arith.addi %mul3A_62, %add3A_82 : i32
    %dma_start3A_84 = tpu.memref_slice %arg5[%add3A_83] : memref<327680xi32, #tpu.memory_space<hbm>> -> memref<128xi32, #tpu.memory_space<hbm>>
    %dma_start3A_85 = tpu.memref_slice %arg5[%add3A_83] : memref<327680xi32, #tpu.memory_space<hbm>> -> memref<128xi32, #tpu.memory_space<hbm>>
    tpu.enqueue_dma source(%dma_start3A_85 : memref<128xi32, #tpu.memory_space<hbm>>) target(%arg22 : memref<128xi32, #tpu.memory_space<vmem>>) target_semaphore(%arg32 : memref<!tpu.dma_semaphore, #tpu.memory_space<semaphore_mem>>)
    %dma_wait3A = tpu.memref_slice %arg4[%mul3A_62] : memref<327680xi32, #tpu.memory_space<hbm>> -> memref<128xi32, #tpu.memory_space<hbm>>
    %dma_wait3A_86 = tpu.memref_slice %arg4[%mul3A_62] : memref<327680xi32, #tpu.memory_space<hbm>> -> memref<128xi32, #tpu.memory_space<hbm>>
    tpu.wait_dma2 semaphore(%arg30 : memref<!tpu.dma_semaphore, #tpu.memory_space<semaphore_mem>>) src(%dma_wait3A_86 : memref<128xi32, #tpu.memory_space<hbm>>) dst(%arg16 : memref<128xi32, #tpu.memory_space<vmem>>)
    %dma_wait3A_87 = tpu.memref_slice %arg5[%mul3A_62] : memref<327680xi32, #tpu.memory_space<hbm>> -> memref<128xi32, #tpu.memory_space<hbm>>
    %dma_wait3A_88 = tpu.memref_slice %arg5[%mul3A_62] : memref<327680xi32, #tpu.memory_space<hbm>> -> memref<128xi32, #tpu.memory_space<hbm>>
    tpu.wait_dma2 semaphore(%arg30 : memref<!tpu.dma_semaphore, #tpu.memory_space<semaphore_mem>>) src(%dma_wait3A_88 : memref<128xi32, #tpu.memory_space<hbm>>) dst(%arg20 : memref<128xi32, #tpu.memory_space<vmem>>)
    %dma_start3A_89 = arith.constant 0 : i32
    %dma_start3A_90 = arith.constant 0 : i32
    %dma_start3A_91 = tpu.memref_slice %arg2[%dma_start3A_89, %dma_start3A_90] : memref<10000x128xf32, #tpu.memory_space<hbm>> -> memref<10000x128xf32, #tpu.memory_space<hbm>>
    tpu.enqueue_indirect_dma source(%dma_start3A_91 : memref<10000x128xf32, #tpu.memory_space<hbm>>) target(%arg24 : memref<128x128xf32, #tpu.memory_space<vmem>>) offsets(%arg16 : memref<128xi32, #tpu.memory_space<vmem>>) semaphore(%arg28 : memref<!tpu.dma_semaphore, #tpu.memory_space<semaphore_mem>>)
    %dma_wait3A_92 = tpu.memref_slice %arg4[%mul3A_62] : memref<327680xi32, #tpu.memory_space<hbm>> -> memref<128xi32, #tpu.memory_space<hbm>>
    %dma_wait3A_93 = tpu.memref_slice %arg4[%mul3A_62] : memref<327680xi32, #tpu.memory_space<hbm>> -> memref<128xi32, #tpu.memory_space<hbm>>
    tpu.wait_dma2 semaphore(%arg31 : memref<!tpu.dma_semaphore, #tpu.memory_space<semaphore_mem>>) src(%dma_wait3A_93 : memref<128xi32, #tpu.memory_space<hbm>>) dst(%arg17 : memref<128xi32, #tpu.memory_space<vmem>>)
    %dma_wait3A_94 = tpu.memref_slice %arg5[%mul3A_62] : memref<327680xi32, #tpu.memory_space<hbm>> -> memref<128xi32, #tpu.memory_space<hbm>>
    %dma_wait3A_95 = tpu.memref_slice %arg5[%mul3A_62] : memref<327680xi32, #tpu.memory_space<hbm>> -> memref<128xi32, #tpu.memory_space<hbm>>
    tpu.wait_dma2 semaphore(%arg31 : memref<!tpu.dma_semaphore, #tpu.memory_space<semaphore_mem>>) src(%dma_wait3A_95 : memref<128xi32, #tpu.memory_space<hbm>>) dst(%arg21 : memref<128xi32, #tpu.memory_space<vmem>>)
    %dma_start3A_96 = arith.constant 0 : i32
    %dma_start3A_97 = arith.constant 0 : i32
    %dma_start3A_98 = tpu.memref_slice %arg2[%dma_start3A_96, %dma_start3A_97] : memref<10000x128xf32, #tpu.memory_space<hbm>> -> memref<10000x128xf32, #tpu.memory_space<hbm>>
    tpu.enqueue_indirect_dma source(%dma_start3A_98 : memref<10000x128xf32, #tpu.memory_space<hbm>>) target(%arg25 : memref<128x128xf32, #tpu.memory_space<vmem>>) offsets(%arg17 : memref<128xi32, #tpu.memory_space<vmem>>) semaphore(%arg29 : memref<!tpu.dma_semaphore, #tpu.memory_space<semaphore_mem>>)
    %dma_wait3A_99 = arith.constant 0 : i32
    %dma_wait3A_100 = arith.constant 0 : i32
    %dma_wait3A_101 = tpu.memref_slice %arg2[%dma_wait3A_99, %dma_wait3A_100] : memref<10000x128xf32, #tpu.memory_space<hbm>> -> memref<10000x128xf32, #tpu.memory_space<hbm>>
    tpu.wait_indirect_dma semaphore(%arg28 : memref<!tpu.dma_semaphore, #tpu.memory_space<semaphore_mem>>) src(%dma_wait3A_101 : memref<10000x128xf32, #tpu.memory_space<hbm>>) dst(%arg24 : memref<128x128xf32, #tpu.memory_space<vmem>>)
    %dma_start3A_102 = arith.constant 0 : i32
    %dma_start3A_103 = arith.constant 0 : i32
    %dma_start3A_104 = tpu.memref_slice %arg14[%dma_start3A_102, %dma_start3A_103] : memref<10240x128xf32, #tpu.memory_space<vmem_shared>> -> memref<10240x128xf32, #tpu.memory_space<vmem_shared>>
    tpu.enqueue_indirect_dma source(%arg24 : memref<128x128xf32, #tpu.memory_space<vmem>>) target(%dma_start3A_104 : memref<10240x128xf32, #tpu.memory_space<vmem_shared>>) offsets(%arg20 : memref<128xi32, #tpu.memory_space<vmem>>) semaphore(%arg34 : memref<!tpu.dma_semaphore, #tpu.memory_space<semaphore_mem>>) {add = true}
    %dma_start3A_105 = arith.constant 0 : i32
    %dma_start3A_106 = tpu.memref_slice %arg15[%dma_start3A_105] : memref<10240xf32, #tpu.memory_space<vmem_shared>> -> memref<10240xf32, #tpu.memory_space<vmem_shared>>
    tpu.enqueue_indirect_dma source(%arg26 : memref<128xf32, #tpu.memory_space<vmem>>) target(%dma_start3A_106 : memref<10240xf32, #tpu.memory_space<vmem_shared>>) offsets(%arg20 : memref<128xi32, #tpu.memory_space<vmem>>) semaphore(%arg34 : memref<!tpu.dma_semaphore, #tpu.memory_space<semaphore_mem>>) {add = true}
    %add3A_107 = arith.constant 384 : i32
    %add3A_108 = arith.addi %mul3A_62, %add3A_107 : i32
    %dma_start3A_109 = tpu.memref_slice %arg4[%add3A_108] : memref<327680xi32, #tpu.memory_space<hbm>> -> memref<128xi32, #tpu.memory_space<hbm>>
    %dma_start3A_110 = tpu.memref_slice %arg4[%add3A_108] : memref<327680xi32, #tpu.memory_space<hbm>> -> memref<128xi32, #tpu.memory_space<hbm>>
    tpu.enqueue_dma source(%dma_start3A_110 : memref<128xi32, #tpu.memory_space<hbm>>) target(%arg19 : memref<128xi32, #tpu.memory_space<vmem>>) target_semaphore(%arg33 : memref<!tpu.dma_semaphore, #tpu.memory_space<semaphore_mem>>)
    %add3A_111 = arith.constant 384 : i32
    %add3A_112 = arith.addi %mul3A_62, %add3A_111 : i32
    %dma_start3A_113 = tpu.memref_slice %arg5[%add3A_112] : memref<327680xi32, #tpu.memory_space<hbm>> -> memref<128xi32, #tpu.memory_space<hbm>>
    %dma_start3A_114 = tpu.memref_slice %arg5[%add3A_112] : memref<327680xi32, #tpu.memory_space<hbm>> -> memref<128xi32, #tpu.memory_space<hbm>>
    tpu.enqueue_dma source(%dma_start3A_114 : memref<128xi32, #tpu.memory_space<hbm>>) target(%arg23 : memref<128xi32, #tpu.memory_space<vmem>>) target_semaphore(%arg33 : memref<!tpu.dma_semaphore, #tpu.memory_space<semaphore_mem>>)
    %dma_wait3A_115 = tpu.memref_slice %arg4[%mul3A_62] : memref<327680xi32, #tpu.memory_space<hbm>> -> memref<128xi32, #tpu.memory_space<hbm>>
    %dma_wait3A_116 = tpu.memref_slice %arg4[%mul3A_62] : memref<327680xi32, #tpu.memory_space<hbm>> -> memref<128xi32, #tpu.memory_space<hbm>>
    tpu.wait_dma2 semaphore(%arg32 : memref<!tpu.dma_semaphore, #tpu.memory_space<semaphore_mem>>) src(%dma_wait3A_116 : memref<128xi32, #tpu.memory_space<hbm>>) dst(%arg18 : memref<128xi32, #tpu.memory_space<vmem>>)
    %dma_wait3A_117 = tpu.memref_slice %arg5[%mul3A_62] : memref<327680xi32, #tpu.memory_space<hbm>> -> memref<128xi32, #tpu.memory_space<hbm>>
    %dma_wait3A_118 = tpu.memref_slice %arg5[%mul3A_62] : memref<327680xi32, #tpu.memory_space<hbm>> -> memref<128xi32, #tpu.memory_space<hbm>>
    tpu.wait_dma2 semaphore(%arg32 : memref<!tpu.dma_semaphore, #tpu.memory_space<semaphore_mem>>) src(%dma_wait3A_118 : memref<128xi32, #tpu.memory_space<hbm>>) dst(%arg22 : memref<128xi32, #tpu.memory_space<vmem>>)
    %dma_wait3A_119 = arith.constant 0 : i32
    %dma_wait3A_120 = arith.constant 0 : i32
    %dma_wait3A_121 = tpu.memref_slice %arg14[%dma_wait3A_119, %dma_wait3A_120] : memref<10240x128xf32, #tpu.memory_space<vmem_shared>> -> memref<10240x128xf32, #tpu.memory_space<vmem_shared>>
    tpu.wait_indirect_dma semaphore(%arg34 : memref<!tpu.dma_semaphore, #tpu.memory_space<semaphore_mem>>) src(%arg24 : memref<128x128xf32, #tpu.memory_space<vmem>>) dst(%dma_wait3A_121 : memref<10240x128xf32, #tpu.memory_space<vmem_shared>>)
    %dma_wait3A_122 = arith.constant 0 : i32
    %dma_wait3A_123 = tpu.memref_slice %arg15[%dma_wait3A_122] : memref<10240xf32, #tpu.memory_space<vmem_shared>> -> memref<10240xf32, #tpu.memory_space<vmem_shared>>
    tpu.wait_indirect_dma semaphore(%arg34 : memref<!tpu.dma_semaphore, #tpu.memory_space<semaphore_mem>>) src(%arg26 : memref<128xf32, #tpu.memory_space<vmem>>) dst(%dma_wait3A_123 : memref<10240xf32, #tpu.memory_space<vmem_shared>>)
    %dma_start3A_124 = arith.constant 0 : i32
    %dma_start3A_125 = arith.constant 0 : i32
    %dma_start3A_126 = tpu.memref_slice %arg2[%dma_start3A_124, %dma_start3A_125] : memref<10000x128xf32, #tpu.memory_space<hbm>> -> memref<10000x128xf32, #tpu.memory_space<hbm>>
    tpu.enqueue_indirect_dma source(%dma_start3A_126 : memref<10000x128xf32, #tpu.memory_space<hbm>>) target(%arg24 : memref<128x128xf32, #tpu.memory_space<vmem>>) offsets(%arg18 : memref<128xi32, #tpu.memory_space<vmem>>) semaphore(%arg28 : memref<!tpu.dma_semaphore, #tpu.memory_space<semaphore_mem>>)
    %dma_wait3A_127 = arith.constant 0 : i32
    %dma_wait3A_128 = arith.constant 0 : i32
    %dma_wait3A_129 = tpu.memref_slice %arg2[%dma_wait3A_127, %dma_wait3A_128] : memref<10000x128xf32, #tpu.memory_space<hbm>> -> memref<10000x128xf32, #tpu.memory_space<hbm>>
    tpu.wait_indirect_dma semaphore(%arg29 : memref<!tpu.dma_semaphore, #tpu.memory_space<semaphore_mem>>) src(%dma_wait3A_129 : memref<10000x128xf32, #tpu.memory_space<hbm>>) dst(%arg25 : memref<128x128xf32, #tpu.memory_space<vmem>>)
    %dma_start3A_130 = arith.constant 0 : i32
    %dma_start3A_131 = arith.constant 0 : i32
    %dma_start3A_132 = tpu.memref_slice %arg14[%dma_start3A_130, %dma_start3A_131] : memref<10240x128xf32, #tpu.memory_space<vmem_shared>> -> memref<10240x128xf32, #tpu.memory_space<vmem_shared>>
    tpu.enqueue_indirect_dma source(%arg25 : memref<128x128xf32, #tpu.memory_space<vmem>>) target(%dma_start3A_132 : memref<10240x128xf32, #tpu.memory_space<vmem_shared>>) offsets(%arg21 : memref<128xi32, #tpu.memory_space<vmem>>) semaphore(%arg35 : memref<!tpu.dma_semaphore, #tpu.memory_space<semaphore_mem>>) {add = true}
    %dma_start3A_133 = arith.constant 0 : i32
    %dma_start3A_134 = tpu.memref_slice %arg15[%dma_start3A_133] : memref<10240xf32, #tpu.memory_space<vmem_shared>> -> memref<10240xf32, #tpu.memory_space<vmem_shared>>
    tpu.enqueue_indirect_dma source(%arg26 : memref<128xf32, #tpu.memory_space<vmem>>) target(%dma_start3A_134 : memref<10240xf32, #tpu.memory_space<vmem_shared>>) offsets(%arg21 : memref<128xi32, #tpu.memory_space<vmem>>) semaphore(%arg35 : memref<!tpu.dma_semaphore, #tpu.memory_space<semaphore_mem>>) {add = true}
    %add3A_135 = arith.constant 512 : i32
    %add3A_136 = arith.addi %mul3A_62, %add3A_135 : i32
    %dma_start3A_137 = tpu.memref_slice %arg4[%add3A_136] : memref<327680xi32, #tpu.memory_space<hbm>> -> memref<128xi32, #tpu.memory_space<hbm>>
    %dma_start3A_138 = tpu.memref_slice %arg4[%add3A_136] : memref<327680xi32, #tpu.memory_space<hbm>> -> memref<128xi32, #tpu.memory_space<hbm>>
    tpu.enqueue_dma source(%dma_start3A_138 : memref<128xi32, #tpu.memory_space<hbm>>) target(%arg16 : memref<128xi32, #tpu.memory_space<vmem>>) target_semaphore(%arg30 : memref<!tpu.dma_semaphore, #tpu.memory_space<semaphore_mem>>)
    %add3A_139 = arith.constant 512 : i32
    %add3A_140 = arith.addi %mul3A_62, %add3A_139 : i32
    %dma_start3A_141 = tpu.memref_slice %arg5[%add3A_140] : memref<327680xi32, #tpu.memory_space<hbm>> -> memref<128xi32, #tpu.memory_space<hbm>>
    %dma_start3A_142 = tpu.memref_slice %arg5[%add3A_140] : memref<327680xi32, #tpu.memory_space<hbm>> -> memref<128xi32, #tpu.memory_space<hbm>>
    tpu.enqueue_dma source(%dma_start3A_142 : memref<128xi32, #tpu.memory_space<hbm>>) target(%arg20 : memref<128xi32, #tpu.memory_space<vmem>>) target_semaphore(%arg30 : memref<!tpu.dma_semaphore, #tpu.memory_space<semaphore_mem>>)
    %dma_wait3A_143 = tpu.memref_slice %arg4[%mul3A_62] : memref<327680xi32, #tpu.memory_space<hbm>> -> memref<128xi32, #tpu.memory_space<hbm>>
    %dma_wait3A_144 = tpu.memref_slice %arg4[%mul3A_62] : memref<327680xi32, #tpu.memory_space<hbm>> -> memref<128xi32, #tpu.memory_space<hbm>>
    tpu.wait_dma2 semaphore(%arg33 : memref<!tpu.dma_semaphore, #tpu.memory_space<semaphore_mem>>) src(%dma_wait3A_144 : memref<128xi32, #tpu.memory_space<hbm>>) dst(%arg19 : memref<128xi32, #tpu.memory_space<vmem>>)
    %dma_wait3A_145 = tpu.memref_slice %arg5[%mul3A_62] : memref<327680xi32, #tpu.memory_space<hbm>> -> memref<128xi32, #tpu.memory_space<hbm>>
    %dma_wait3A_146 = tpu.memref_slice %arg5[%mul3A_62] : memref<327680xi32, #tpu.memory_space<hbm>> -> memref<128xi32, #tpu.memory_space<hbm>>
    tpu.wait_dma2 semaphore(%arg33 : memref<!tpu.dma_semaphore, #tpu.memory_space<semaphore_mem>>) src(%dma_wait3A_146 : memref<128xi32, #tpu.memory_space<hbm>>) dst(%arg23 : memref<128xi32, #tpu.memory_space<vmem>>)
    %dma_wait3A_147 = arith.constant 0 : i32
    %dma_wait3A_148 = arith.constant 0 : i32
    %dma_wait3A_149 = tpu.memref_slice %arg14[%dma_wait3A_147, %dma_wait3A_148] : memref<10240x128xf32, #tpu.memory_space<vmem_shared>> -> memref<10240x128xf32, #tpu.memory_space<vmem_shared>>
    tpu.wait_indirect_dma semaphore(%arg35 : memref<!tpu.dma_semaphore, #tpu.memory_space<semaphore_mem>>) src(%arg25 : memref<128x128xf32, #tpu.memory_space<vmem>>) dst(%dma_wait3A_149 : memref<10240x128xf32, #tpu.memory_space<vmem_shared>>)
    %dma_wait3A_150 = arith.constant 0 : i32
    %dma_wait3A_151 = tpu.memref_slice %arg15[%dma_wait3A_150] : memref<10240xf32, #tpu.memory_space<vmem_shared>> -> memref<10240xf32, #tpu.memory_space<vmem_shared>>
    tpu.wait_indirect_dma semaphore(%arg35 : memref<!tpu.dma_semaphore, #tpu.memory_space<semaphore_mem>>) src(%arg26 : memref<128xf32, #tpu.memory_space<vmem>>) dst(%dma_wait3A_151 : memref<10240xf32, #tpu.memory_space<vmem_shared>>)
    %dma_start3A_152 = arith.constant 0 : i32
    %dma_start3A_153 = arith.constant 0 : i32
    %dma_start3A_154 = tpu.memref_slice %arg2[%dma_start3A_152, %dma_start3A_153] : memref<10000x128xf32, #tpu.memory_space<hbm>> -> memref<10000x128xf32, #tpu.memory_space<hbm>>
    tpu.enqueue_indirect_dma source(%dma_start3A_154 : memref<10000x128xf32, #tpu.memory_space<hbm>>) target(%arg25 : memref<128x128xf32, #tpu.memory_space<vmem>>) offsets(%arg19 : memref<128xi32, #tpu.memory_space<vmem>>) semaphore(%arg29 : memref<!tpu.dma_semaphore, #tpu.memory_space<semaphore_mem>>)
    %dma_wait3A_155 = arith.constant 0 : i32
    %dma_wait3A_156 = arith.constant 0 : i32
    %dma_wait3A_157 = tpu.memref_slice %arg2[%dma_wait3A_155, %dma_wait3A_156] : memref<10000x128xf32, #tpu.memory_space<hbm>> -> memref<10000x128xf32, #tpu.memory_space<hbm>>
    tpu.wait_indirect_dma semaphore(%arg28 : memref<!tpu.dma_semaphore, #tpu.memory_space<semaphore_mem>>) src(%dma_wait3A_157 : memref<10000x128xf32, #tpu.memory_space<hbm>>) dst(%arg24 : memref<128x128xf32, #tpu.memory_space<vmem>>)
    %dma_start3A_158 = arith.constant 0 : i32
    %dma_start3A_159 = arith.constant 0 : i32
    %dma_start3A_160 = tpu.memref_slice %arg14[%dma_start3A_158, %dma_start3A_159] : memref<10240x128xf32, #tpu.memory_space<vmem_shared>> -> memref<10240x128xf32, #tpu.memory_space<vmem_shared>>
    tpu.enqueue_indirect_dma source(%arg24 : memref<128x128xf32, #tpu.memory_space<vmem>>) target(%dma_start3A_160 : memref<10240x128xf32, #tpu.memory_space<vmem_shared>>) offsets(%arg22 : memref<128xi32, #tpu.memory_space<vmem>>) semaphore(%arg34 : memref<!tpu.dma_semaphore, #tpu.memory_space<semaphore_mem>>) {add = true}
    %dma_start3A_161 = arith.constant 0 : i32
    %dma_start3A_162 = tpu.memref_slice %arg15[%dma_start3A_161] : memref<10240xf32, #tpu.memory_space<vmem_shared>> -> memref<10240xf32, #tpu.memory_space<vmem_shared>>
    tpu.enqueue_indirect_dma source(%arg26 : memref<128xf32, #tpu.memory_space<vmem>>) target(%dma_start3A_162 : memref<10240xf32, #tpu.memory_space<vmem_shared>>) offsets(%arg22 : memref<128xi32, #tpu.memory_space<vmem>>) semaphore(%arg34 : memref<!tpu.dma_semaphore, #tpu.memory_space<semaphore_mem>>) {add = true}
    %scan3A = arith.constant 0 : i32
    %scan3A_163 = arith.constant 1 : i32
    %scan3A_164 = arith.constant 19 : i32
    %scan3A_165 = arith.addi %scan3A_163, %scan3A_164 : i32
    %scan3A_166 = arith.constant 1 : i32
    scf.for %scan3A_378 = %scan3A_163 to %scan3A_165 step %scan3A_166  : i32 {
      %mul3A_379 = arith.constant 4 : i32
      %mul3A_380 = arith.muli %mul3A_379, %scan3A_378 : i32
      %add3A_381 = arith.constant 0 : i32
      %add3A_382 = arith.addi %mul3A_380, %add3A_381 : i32
      %add3A_383 = arith.constant 1 : i32
      %add3A_384 = arith.addi %add3A_382, %add3A_383 : i32
      %lt3A = arith.constant 80 : i32
      %lt3A_385 = arith.cmpi slt, %add3A_384, %lt3A : i32
      %convert_element_type3A = arith.extui %lt3A_385 : i1 to i32
      %cond3A = arith.constant 0 : i32
      %cond3A_386 = arith.cmpi ne, %convert_element_type3A, %cond3A : i32
      scf.if %cond3A_386 {
        %add3A_500 = arith.constant 1 : i32
        %add3A_501 = arith.addi %add3A_382, %add3A_500 : i32
        %mul3A_502 = arith.constant 128 : i32
        %mul3A_503 = arith.muli %add3A_501, %mul3A_502 : i32
        %add3A_504 = arith.addi %mul3A_62, %mul3A_503 : i32
        %dma_start3A_505 = tpu.memref_slice %arg4[%add3A_504] : memref<327680xi32, #tpu.memory_space<hbm>> -> memref<128xi32, #tpu.memory_space<hbm>>
        %dma_start3A_506 = tpu.memref_slice %arg4[%add3A_504] : memref<327680xi32, #tpu.memory_space<hbm>> -> memref<128xi32, #tpu.memory_space<hbm>>
        tpu.enqueue_dma source(%dma_start3A_506 : memref<128xi32, #tpu.memory_space<hbm>>) target(%arg17 : memref<128xi32, #tpu.memory_space<vmem>>) target_semaphore(%arg31 : memref<!tpu.dma_semaphore, #tpu.memory_space<semaphore_mem>>)
        %mul3A_507 = arith.constant 128 : i32
        %mul3A_508 = arith.muli %add3A_501, %mul3A_507 : i32
        %add3A_509 = arith.addi %mul3A_62, %mul3A_508 : i32
        %dma_start3A_510 = tpu.memref_slice %arg5[%add3A_509] : memref<327680xi32, #tpu.memory_space<hbm>> -> memref<128xi32, #tpu.memory_space<hbm>>
        %dma_start3A_511 = tpu.memref_slice %arg5[%add3A_509] : memref<327680xi32, #tpu.memory_space<hbm>> -> memref<128xi32, #tpu.memory_space<hbm>>
        tpu.enqueue_dma source(%dma_start3A_511 : memref<128xi32, #tpu.memory_space<hbm>>) target(%arg21 : memref<128xi32, #tpu.memory_space<vmem>>) target_semaphore(%arg31 : memref<!tpu.dma_semaphore, #tpu.memory_space<semaphore_mem>>)
      } else {
      }
      %dma_wait3A_387 = tpu.memref_slice %arg4[%mul3A_62] : memref<327680xi32, #tpu.memory_space<hbm>> -> memref<128xi32, #tpu.memory_space<hbm>>
      %dma_wait3A_388 = tpu.memref_slice %arg4[%mul3A_62] : memref<327680xi32, #tpu.memory_space<hbm>> -> memref<128xi32, #tpu.memory_space<hbm>>
      tpu.wait_dma2 semaphore(%arg30 : memref<!tpu.dma_semaphore, #tpu.memory_space<semaphore_mem>>) src(%dma_wait3A_388 : memref<128xi32, #tpu.memory_space<hbm>>) dst(%arg16 : memref<128xi32, #tpu.memory_space<vmem>>)
      %dma_wait3A_389 = tpu.memref_slice %arg5[%mul3A_62] : memref<327680xi32, #tpu.memory_space<hbm>> -> memref<128xi32, #tpu.memory_space<hbm>>
      %dma_wait3A_390 = tpu.memref_slice %arg5[%mul3A_62] : memref<327680xi32, #tpu.memory_space<hbm>> -> memref<128xi32, #tpu.memory_space<hbm>>
      tpu.wait_dma2 semaphore(%arg30 : memref<!tpu.dma_semaphore, #tpu.memory_space<semaphore_mem>>) src(%dma_wait3A_390 : memref<128xi32, #tpu.memory_space<hbm>>) dst(%arg20 : memref<128xi32, #tpu.memory_space<vmem>>)
      %dma_wait3A_391 = arith.constant 0 : i32
      %dma_wait3A_392 = arith.constant 0 : i32
      %dma_wait3A_393 = tpu.memref_slice %arg14[%dma_wait3A_391, %dma_wait3A_392] : memref<10240x128xf32, #tpu.memory_space<vmem_shared>> -> memref<10240x128xf32, #tpu.memory_space<vmem_shared>>
      tpu.wait_indirect_dma semaphore(%arg34 : memref<!tpu.dma_semaphore, #tpu.memory_space<semaphore_mem>>) src(%arg24 : memref<128x128xf32, #tpu.memory_space<vmem>>) dst(%dma_wait3A_393 : memref<10240x128xf32, #tpu.memory_space<vmem_shared>>)
      %dma_wait3A_394 = arith.constant 0 : i32
      %dma_wait3A_395 = tpu.memref_slice %arg15[%dma_wait3A_394] : memref<10240xf32, #tpu.memory_space<vmem_shared>> -> memref<10240xf32, #tpu.memory_space<vmem_shared>>
      tpu.wait_indirect_dma semaphore(%arg34 : memref<!tpu.dma_semaphore, #tpu.memory_space<semaphore_mem>>) src(%arg26 : memref<128xf32, #tpu.memory_space<vmem>>) dst(%dma_wait3A_395 : memref<10240xf32, #tpu.memory_space<vmem_shared>>)
      %dma_start3A_396 = arith.constant 0 : i32
      %dma_start3A_397 = arith.constant 0 : i32
      %dma_start3A_398 = tpu.memref_slice %arg2[%dma_start3A_396, %dma_start3A_397] : memref<10000x128xf32, #tpu.memory_space<hbm>> -> memref<10000x128xf32, #tpu.memory_space<hbm>>
      tpu.enqueue_indirect_dma source(%dma_start3A_398 : memref<10000x128xf32, #tpu.memory_space<hbm>>) target(%arg24 : memref<128x128xf32, #tpu.memory_space<vmem>>) offsets(%arg16 : memref<128xi32, #tpu.memory_space<vmem>>) semaphore(%arg28 : memref<!tpu.dma_semaphore, #tpu.memory_space<semaphore_mem>>)
      %dma_wait3A_399 = arith.constant 0 : i32
      %dma_wait3A_400 = arith.constant 0 : i32
      %dma_wait3A_401 = tpu.memref_slice %arg2[%dma_wait3A_399, %dma_wait3A_400] : memref<10000x128xf32, #tpu.memory_space<hbm>> -> memref<10000x128xf32, #tpu.memory_space<hbm>>
      tpu.wait_indirect_dma semaphore(%arg29 : memref<!tpu.dma_semaphore, #tpu.memory_space<semaphore_mem>>) src(%dma_wait3A_401 : memref<10000x128xf32, #tpu.memory_space<hbm>>) dst(%arg25 : memref<128x128xf32, #tpu.memory_space<vmem>>)
      %dma_start3A_402 = arith.constant 0 : i32
      %dma_start3A_403 = arith.constant 0 : i32
      %dma_start3A_404 = tpu.memref_slice %arg14[%dma_start3A_402, %dma_start3A_403] : memref<10240x128xf32, #tpu.memory_space<vmem_shared>> -> memref<10240x128xf32, #tpu.memory_space<vmem_shared>>
      tpu.enqueue_indirect_dma source(%arg25 : memref<128x128xf32, #tpu.memory_space<vmem>>) target(%dma_start3A_404 : memref<10240x128xf32, #tpu.memory_space<vmem_shared>>) offsets(%arg23 : memref<128xi32, #tpu.memory_space<vmem>>) semaphore(%arg35 : memref<!tpu.dma_semaphore, #tpu.memory_space<semaphore_mem>>) {add = true}
      %dma_start3A_405 = arith.constant 0 : i32
      %dma_start3A_406 = tpu.memref_slice %arg15[%dma_start3A_405] : memref<10240xf32, #tpu.memory_space<vmem_shared>> -> memref<10240xf32, #tpu.memory_space<vmem_shared>>
      tpu.enqueue_indirect_dma source(%arg26 : memref<128xf32, #tpu.memory_space<vmem>>) target(%dma_start3A_406 : memref<10240xf32, #tpu.memory_space<vmem_shared>>) offsets(%arg23 : memref<128xi32, #tpu.memory_space<vmem>>) semaphore(%arg35 : memref<!tpu.dma_semaphore, #tpu.memory_space<semaphore_mem>>) {add = true}
      %mul3A_407 = arith.constant 4 : i32
      %mul3A_408 = arith.muli %mul3A_407, %scan3A_378 : i32
      %add3A_409 = arith.constant 1 : i32
      %add3A_410 = arith.addi %mul3A_408, %add3A_409 : i32
      %add3A_411 = arith.constant 1 : i32
      %add3A_412 = arith.addi %add3A_410, %add3A_411 : i32
      %lt3A_413 = arith.constant 80 : i32
      %lt3A_414 = arith.cmpi slt, %add3A_412, %lt3A_413 : i32
      %convert_element_type3A_415 = arith.extui %lt3A_414 : i1 to i32
      %cond3A_416 = arith.constant 0 : i32
      %cond3A_417 = arith.cmpi ne, %convert_element_type3A_415, %cond3A_416 : i32
      scf.if %cond3A_417 {
        %add3A_500 = arith.constant 1 : i32
        %add3A_501 = arith.addi %add3A_410, %add3A_500 : i32
        %mul3A_502 = arith.constant 128 : i32
        %mul3A_503 = arith.muli %add3A_501, %mul3A_502 : i32
        %add3A_504 = arith.addi %mul3A_62, %mul3A_503 : i32
        %dma_start3A_505 = tpu.memref_slice %arg4[%add3A_504] : memref<327680xi32, #tpu.memory_space<hbm>> -> memref<128xi32, #tpu.memory_space<hbm>>
        %dma_start3A_506 = tpu.memref_slice %arg4[%add3A_504] : memref<327680xi32, #tpu.memory_space<hbm>> -> memref<128xi32, #tpu.memory_space<hbm>>
        tpu.enqueue_dma source(%dma_start3A_506 : memref<128xi32, #tpu.memory_space<hbm>>) target(%arg18 : memref<128xi32, #tpu.memory_space<vmem>>) target_semaphore(%arg32 : memref<!tpu.dma_semaphore, #tpu.memory_space<semaphore_mem>>)
        %mul3A_507 = arith.constant 128 : i32
        %mul3A_508 = arith.muli %add3A_501, %mul3A_507 : i32
        %add3A_509 = arith.addi %mul3A_62, %mul3A_508 : i32
        %dma_start3A_510 = tpu.memref_slice %arg5[%add3A_509] : memref<327680xi32, #tpu.memory_space<hbm>> -> memref<128xi32, #tpu.memory_space<hbm>>
        %dma_start3A_511 = tpu.memref_slice %arg5[%add3A_509] : memref<327680xi32, #tpu.memory_space<hbm>> -> memref<128xi32, #tpu.memory_space<hbm>>
        tpu.enqueue_dma source(%dma_start3A_511 : memref<128xi32, #tpu.memory_space<hbm>>) target(%arg22 : memref<128xi32, #tpu.memory_space<vmem>>) target_semaphore(%arg32 : memref<!tpu.dma_semaphore, #tpu.memory_space<semaphore_mem>>)
      } else {
      }
      %dma_wait3A_418 = tpu.memref_slice %arg4[%mul3A_62] : memref<327680xi32, #tpu.memory_space<hbm>> -> memref<128xi32, #tpu.memory_space<hbm>>
      %dma_wait3A_419 = tpu.memref_slice %arg4[%mul3A_62] : memref<327680xi32, #tpu.memory_space<hbm>> -> memref<128xi32, #tpu.memory_space<hbm>>
      tpu.wait_dma2 semaphore(%arg31 : memref<!tpu.dma_semaphore, #tpu.memory_space<semaphore_mem>>) src(%dma_wait3A_419 : memref<128xi32, #tpu.memory_space<hbm>>) dst(%arg17 : memref<128xi32, #tpu.memory_space<vmem>>)
      %dma_wait3A_420 = tpu.memref_slice %arg5[%mul3A_62] : memref<327680xi32, #tpu.memory_space<hbm>> -> memref<128xi32, #tpu.memory_space<hbm>>
      %dma_wait3A_421 = tpu.memref_slice %arg5[%mul3A_62] : memref<327680xi32, #tpu.memory_space<hbm>> -> memref<128xi32, #tpu.memory_space<hbm>>
      tpu.wait_dma2 semaphore(%arg31 : memref<!tpu.dma_semaphore, #tpu.memory_space<semaphore_mem>>) src(%dma_wait3A_421 : memref<128xi32, #tpu.memory_space<hbm>>) dst(%arg21 : memref<128xi32, #tpu.memory_space<vmem>>)
      %dma_wait3A_422 = arith.constant 0 : i32
      %dma_wait3A_423 = arith.constant 0 : i32
      %dma_wait3A_424 = tpu.memref_slice %arg14[%dma_wait3A_422, %dma_wait3A_423] : memref<10240x128xf32, #tpu.memory_space<vmem_shared>> -> memref<10240x128xf32, #tpu.memory_space<vmem_shared>>
      tpu.wait_indirect_dma semaphore(%arg35 : memref<!tpu.dma_semaphore, #tpu.memory_space<semaphore_mem>>) src(%arg25 : memref<128x128xf32, #tpu.memory_space<vmem>>) dst(%dma_wait3A_424 : memref<10240x128xf32, #tpu.memory_space<vmem_shared>>)
      %dma_wait3A_425 = arith.constant 0 : i32
      %dma_wait3A_426 = tpu.memref_slice %arg15[%dma_wait3A_425] : memref<10240xf32, #tpu.memory_space<vmem_shared>> -> memref<10240xf32, #tpu.memory_space<vmem_shared>>
      tpu.wait_indirect_dma semaphore(%arg35 : memref<!tpu.dma_semaphore, #tpu.memory_space<semaphore_mem>>) src(%arg26 : memref<128xf32, #tpu.memory_space<vmem>>) dst(%dma_wait3A_426 : memref<10240xf32, #tpu.memory_space<vmem_shared>>)
      %dma_start3A_427 = arith.constant 0 : i32
      %dma_start3A_428 = arith.constant 0 : i32
      %dma_start3A_429 = tpu.memref_slice %arg2[%dma_start3A_427, %dma_start3A_428] : memref<10000x128xf32, #tpu.memory_space<hbm>> -> memref<10000x128xf32, #tpu.memory_space<hbm>>
      tpu.enqueue_indirect_dma source(%dma_start3A_429 : memref<10000x128xf32, #tpu.memory_space<hbm>>) target(%arg25 : memref<128x128xf32, #tpu.memory_space<vmem>>) offsets(%arg17 : memref<128xi32, #tpu.memory_space<vmem>>) semaphore(%arg29 : memref<!tpu.dma_semaphore, #tpu.memory_space<semaphore_mem>>)
      %dma_wait3A_430 = arith.constant 0 : i32
      %dma_wait3A_431 = arith.constant 0 : i32
      %dma_wait3A_432 = tpu.memref_slice %arg2[%dma_wait3A_430, %dma_wait3A_431] : memref<10000x128xf32, #tpu.memory_space<hbm>> -> memref<10000x128xf32, #tpu.memory_space<hbm>>
      tpu.wait_indirect_dma semaphore(%arg28 : memref<!tpu.dma_semaphore, #tpu.memory_space<semaphore_mem>>) src(%dma_wait3A_432 : memref<10000x128xf32, #tpu.memory_space<hbm>>) dst(%arg24 : memref<128x128xf32, #tpu.memory_space<vmem>>)
      %dma_start3A_433 = arith.constant 0 : i32
      %dma_start3A_434 = arith.constant 0 : i32
      %dma_start3A_435 = tpu.memref_slice %arg14[%dma_start3A_433, %dma_start3A_434] : memref<10240x128xf32, #tpu.memory_space<vmem_shared>> -> memref<10240x128xf32, #tpu.memory_space<vmem_shared>>
      tpu.enqueue_indirect_dma source(%arg24 : memref<128x128xf32, #tpu.memory_space<vmem>>) target(%dma_start3A_435 : memref<10240x128xf32, #tpu.memory_space<vmem_shared>>) offsets(%arg20 : memref<128xi32, #tpu.memory_space<vmem>>) semaphore(%arg34 : memref<!tpu.dma_semaphore, #tpu.memory_space<semaphore_mem>>) {add = true}
      %dma_start3A_436 = arith.constant 0 : i32
      %dma_start3A_437 = tpu.memref_slice %arg15[%dma_start3A_436] : memref<10240xf32, #tpu.memory_space<vmem_shared>> -> memref<10240xf32, #tpu.memory_space<vmem_shared>>
      tpu.enqueue_indirect_dma source(%arg26 : memref<128xf32, #tpu.memory_space<vmem>>) target(%dma_start3A_437 : memref<10240xf32, #tpu.memory_space<vmem_shared>>) offsets(%arg20 : memref<128xi32, #tpu.memory_space<vmem>>) semaphore(%arg34 : memref<!tpu.dma_semaphore, #tpu.memory_space<semaphore_mem>>) {add = true}
      %mul3A_438 = arith.constant 4 : i32
      %mul3A_439 = arith.muli %mul3A_438, %scan3A_378 : i32
      %add3A_440 = arith.constant 2 : i32
      %add3A_441 = arith.addi %mul3A_439, %add3A_440 : i32
      %add3A_442 = arith.constant 1 : i32
      %add3A_443 = arith.addi %add3A_441, %add3A_442 : i32
      %lt3A_444 = arith.constant 80 : i32
      %lt3A_445 = arith.cmpi slt, %add3A_443, %lt3A_444 : i32
      %convert_element_type3A_446 = arith.extui %lt3A_445 : i1 to i32
      %cond3A_447 = arith.constant 0 : i32
      %cond3A_448 = arith.cmpi ne, %convert_element_type3A_446, %cond3A_447 : i32
      scf.if %cond3A_448 {
        %add3A_500 = arith.constant 1 : i32
        %add3A_501 = arith.addi %add3A_441, %add3A_500 : i32
        %mul3A_502 = arith.constant 128 : i32
        %mul3A_503 = arith.muli %add3A_501, %mul3A_502 : i32
        %add3A_504 = arith.addi %mul3A_62, %mul3A_503 : i32
        %dma_start3A_505 = tpu.memref_slice %arg4[%add3A_504] : memref<327680xi32, #tpu.memory_space<hbm>> -> memref<128xi32, #tpu.memory_space<hbm>>
        %dma_start3A_506 = tpu.memref_slice %arg4[%add3A_504] : memref<327680xi32, #tpu.memory_space<hbm>> -> memref<128xi32, #tpu.memory_space<hbm>>
        tpu.enqueue_dma source(%dma_start3A_506 : memref<128xi32, #tpu.memory_space<hbm>>) target(%arg19 : memref<128xi32, #tpu.memory_space<vmem>>) target_semaphore(%arg33 : memref<!tpu.dma_semaphore, #tpu.memory_space<semaphore_mem>>)
        %mul3A_507 = arith.constant 128 : i32
        %mul3A_508 = arith.muli %add3A_501, %mul3A_507 : i32
        %add3A_509 = arith.addi %mul3A_62, %mul3A_508 : i32
        %dma_start3A_510 = tpu.memref_slice %arg5[%add3A_509] : memref<327680xi32, #tpu.memory_space<hbm>> -> memref<128xi32, #tpu.memory_space<hbm>>
        %dma_start3A_511 = tpu.memref_slice %arg5[%add3A_509] : memref<327680xi32, #tpu.memory_space<hbm>> -> memref<128xi32, #tpu.memory_space<hbm>>
        tpu.enqueue_dma source(%dma_start3A_511 : memref<128xi32, #tpu.memory_space<hbm>>) target(%arg23 : memref<128xi32, #tpu.memory_space<vmem>>) target_semaphore(%arg33 : memref<!tpu.dma_semaphore, #tpu.memory_space<semaphore_mem>>)
      } else {
      }
      %dma_wait3A_449 = tpu.memref_slice %arg4[%mul3A_62] : memref<327680xi32, #tpu.memory_space<hbm>> -> memref<128xi32, #tpu.memory_space<hbm>>
      %dma_wait3A_450 = tpu.memref_slice %arg4[%mul3A_62] : memref<327680xi32, #tpu.memory_space<hbm>> -> memref<128xi32, #tpu.memory_space<hbm>>
      tpu.wait_dma2 semaphore(%arg32 : memref<!tpu.dma_semaphore, #tpu.memory_space<semaphore_mem>>) src(%dma_wait3A_450 : memref<128xi32, #tpu.memory_space<hbm>>) dst(%arg18 : memref<128xi32, #tpu.memory_space<vmem>>)
      %dma_wait3A_451 = tpu.memref_slice %arg5[%mul3A_62] : memref<327680xi32, #tpu.memory_space<hbm>> -> memref<128xi32, #tpu.memory_space<hbm>>
      %dma_wait3A_452 = tpu.memref_slice %arg5[%mul3A_62] : memref<327680xi32, #tpu.memory_space<hbm>> -> memref<128xi32, #tpu.memory_space<hbm>>
      tpu.wait_dma2 semaphore(%arg32 : memref<!tpu.dma_semaphore, #tpu.memory_space<semaphore_mem>>) src(%dma_wait3A_452 : memref<128xi32, #tpu.memory_space<hbm>>) dst(%arg22 : memref<128xi32, #tpu.memory_space<vmem>>)
      %dma_wait3A_453 = arith.constant 0 : i32
      %dma_wait3A_454 = arith.constant 0 : i32
      %dma_wait3A_455 = tpu.memref_slice %arg14[%dma_wait3A_453, %dma_wait3A_454] : memref<10240x128xf32, #tpu.memory_space<vmem_shared>> -> memref<10240x128xf32, #tpu.memory_space<vmem_shared>>
      tpu.wait_indirect_dma semaphore(%arg34 : memref<!tpu.dma_semaphore, #tpu.memory_space<semaphore_mem>>) src(%arg24 : memref<128x128xf32, #tpu.memory_space<vmem>>) dst(%dma_wait3A_455 : memref<10240x128xf32, #tpu.memory_space<vmem_shared>>)
      %dma_wait3A_456 = arith.constant 0 : i32
      %dma_wait3A_457 = tpu.memref_slice %arg15[%dma_wait3A_456] : memref<10240xf32, #tpu.memory_space<vmem_shared>> -> memref<10240xf32, #tpu.memory_space<vmem_shared>>
      tpu.wait_indirect_dma semaphore(%arg34 : memref<!tpu.dma_semaphore, #tpu.memory_space<semaphore_mem>>) src(%arg26 : memref<128xf32, #tpu.memory_space<vmem>>) dst(%dma_wait3A_457 : memref<10240xf32, #tpu.memory_space<vmem_shared>>)
      %dma_start3A_458 = arith.constant 0 : i32
      %dma_start3A_459 = arith.constant 0 : i32
      %dma_start3A_460 = tpu.memref_slice %arg2[%dma_start3A_458, %dma_start3A_459] : memref<10000x128xf32, #tpu.memory_space<hbm>> -> memref<10000x128xf32, #tpu.memory_space<hbm>>
      tpu.enqueue_indirect_dma source(%dma_start3A_460 : memref<10000x128xf32, #tpu.memory_space<hbm>>) target(%arg24 : memref<128x128xf32, #tpu.memory_space<vmem>>) offsets(%arg18 : memref<128xi32, #tpu.memory_space<vmem>>) semaphore(%arg28 : memref<!tpu.dma_semaphore, #tpu.memory_space<semaphore_mem>>)
      %dma_wait3A_461 = arith.constant 0 : i32
      %dma_wait3A_462 = arith.constant 0 : i32
      %dma_wait3A_463 = tpu.memref_slice %arg2[%dma_wait3A_461, %dma_wait3A_462] : memref<10000x128xf32, #tpu.memory_space<hbm>> -> memref<10000x128xf32, #tpu.memory_space<hbm>>
      tpu.wait_indirect_dma semaphore(%arg29 : memref<!tpu.dma_semaphore, #tpu.memory_space<semaphore_mem>>) src(%dma_wait3A_463 : memref<10000x128xf32, #tpu.memory_space<hbm>>) dst(%arg25 : memref<128x128xf32, #tpu.memory_space<vmem>>)
      %dma_start3A_464 = arith.constant 0 : i32
      %dma_start3A_465 = arith.constant 0 : i32
      %dma_start3A_466 = tpu.memref_slice %arg14[%dma_start3A_464, %dma_start3A_465] : memref<10240x128xf32, #tpu.memory_space<vmem_shared>> -> memref<10240x128xf32, #tpu.memory_space<vmem_shared>>
      tpu.enqueue_indirect_dma source(%arg25 : memref<128x128xf32, #tpu.memory_space<vmem>>) target(%dma_start3A_466 : memref<10240x128xf32, #tpu.memory_space<vmem_shared>>) offsets(%arg21 : memref<128xi32, #tpu.memory_space<vmem>>) semaphore(%arg35 : memref<!tpu.dma_semaphore, #tpu.memory_space<semaphore_mem>>) {add = true}
      %dma_start3A_467 = arith.constant 0 : i32
      %dma_start3A_468 = tpu.memref_slice %arg15[%dma_start3A_467] : memref<10240xf32, #tpu.memory_space<vmem_shared>> -> memref<10240xf32, #tpu.memory_space<vmem_shared>>
      tpu.enqueue_indirect_dma source(%arg26 : memref<128xf32, #tpu.memory_space<vmem>>) target(%dma_start3A_468 : memref<10240xf32, #tpu.memory_space<vmem_shared>>) offsets(%arg21 : memref<128xi32, #tpu.memory_space<vmem>>) semaphore(%arg35 : memref<!tpu.dma_semaphore, #tpu.memory_space<semaphore_mem>>) {add = true}
      %mul3A_469 = arith.constant 4 : i32
      %mul3A_470 = arith.muli %mul3A_469, %scan3A_378 : i32
      %add3A_471 = arith.constant 3 : i32
      %add3A_472 = arith.addi %mul3A_470, %add3A_471 : i32
      %add3A_473 = arith.constant 1 : i32
      %add3A_474 = arith.addi %add3A_472, %add3A_473 : i32
      %lt3A_475 = arith.constant 80 : i32
      %lt3A_476 = arith.cmpi slt, %add3A_474, %lt3A_475 : i32
      %convert_element_type3A_477 = arith.extui %lt3A_476 : i1 to i32
      %cond3A_478 = arith.constant 0 : i32
      %cond3A_479 = arith.cmpi ne, %convert_element_type3A_477, %cond3A_478 : i32
      scf.if %cond3A_479 {
        %add3A_500 = arith.constant 1 : i32
        %add3A_501 = arith.addi %add3A_472, %add3A_500 : i32
        %mul3A_502 = arith.constant 128 : i32
        %mul3A_503 = arith.muli %add3A_501, %mul3A_502 : i32
        %add3A_504 = arith.addi %mul3A_62, %mul3A_503 : i32
        %dma_start3A_505 = tpu.memref_slice %arg4[%add3A_504] : memref<327680xi32, #tpu.memory_space<hbm>> -> memref<128xi32, #tpu.memory_space<hbm>>
        %dma_start3A_506 = tpu.memref_slice %arg4[%add3A_504] : memref<327680xi32, #tpu.memory_space<hbm>> -> memref<128xi32, #tpu.memory_space<hbm>>
        tpu.enqueue_dma source(%dma_start3A_506 : memref<128xi32, #tpu.memory_space<hbm>>) target(%arg16 : memref<128xi32, #tpu.memory_space<vmem>>) target_semaphore(%arg30 : memref<!tpu.dma_semaphore, #tpu.memory_space<semaphore_mem>>)
        %mul3A_507 = arith.constant 128 : i32
        %mul3A_508 = arith.muli %add3A_501, %mul3A_507 : i32
        %add3A_509 = arith.addi %mul3A_62, %mul3A_508 : i32
        %dma_start3A_510 = tpu.memref_slice %arg5[%add3A_509] : memref<327680xi32, #tpu.memory_space<hbm>> -> memref<128xi32, #tpu.memory_space<hbm>>
        %dma_start3A_511 = tpu.memref_slice %arg5[%add3A_509] : memref<327680xi32, #tpu.memory_space<hbm>> -> memref<128xi32, #tpu.memory_space<hbm>>
        tpu.enqueue_dma source(%dma_start3A_511 : memref<128xi32, #tpu.memory_space<hbm>>) target(%arg20 : memref<128xi32, #tpu.memory_space<vmem>>) target_semaphore(%arg30 : memref<!tpu.dma_semaphore, #tpu.memory_space<semaphore_mem>>)
      } else {
      }
      %dma_wait3A_480 = tpu.memref_slice %arg4[%mul3A_62] : memref<327680xi32, #tpu.memory_space<hbm>> -> memref<128xi32, #tpu.memory_space<hbm>>
      %dma_wait3A_481 = tpu.memref_slice %arg4[%mul3A_62] : memref<327680xi32, #tpu.memory_space<hbm>> -> memref<128xi32, #tpu.memory_space<hbm>>
      tpu.wait_dma2 semaphore(%arg33 : memref<!tpu.dma_semaphore, #tpu.memory_space<semaphore_mem>>) src(%dma_wait3A_481 : memref<128xi32, #tpu.memory_space<hbm>>) dst(%arg19 : memref<128xi32, #tpu.memory_space<vmem>>)
      %dma_wait3A_482 = tpu.memref_slice %arg5[%mul3A_62] : memref<327680xi32, #tpu.memory_space<hbm>> -> memref<128xi32, #tpu.memory_space<hbm>>
      %dma_wait3A_483 = tpu.memref_slice %arg5[%mul3A_62] : memref<327680xi32, #tpu.memory_space<hbm>> -> memref<128xi32, #tpu.memory_space<hbm>>
      tpu.wait_dma2 semaphore(%arg33 : memref<!tpu.dma_semaphore, #tpu.memory_space<semaphore_mem>>) src(%dma_wait3A_483 : memref<128xi32, #tpu.memory_space<hbm>>) dst(%arg23 : memref<128xi32, #tpu.memory_space<vmem>>)
      %dma_wait3A_484 = arith.constant 0 : i32
      %dma_wait3A_485 = arith.constant 0 : i32
      %dma_wait3A_486 = tpu.memref_slice %arg14[%dma_wait3A_484, %dma_wait3A_485] : memref<10240x128xf32, #tpu.memory_space<vmem_shared>> -> memref<10240x128xf32, #tpu.memory_space<vmem_shared>>
      tpu.wait_indirect_dma semaphore(%arg35 : memref<!tpu.dma_semaphore, #tpu.memory_space<semaphore_mem>>) src(%arg25 : memref<128x128xf32, #tpu.memory_space<vmem>>) dst(%dma_wait3A_486 : memref<10240x128xf32, #tpu.memory_space<vmem_shared>>)
      %dma_wait3A_487 = arith.constant 0 : i32
      %dma_wait3A_488 = tpu.memref_slice %arg15[%dma_wait3A_487] : memref<10240xf32, #tpu.memory_space<vmem_shared>> -> memref<10240xf32, #tpu.memory_space<vmem_shared>>
      tpu.wait_indirect_dma semaphore(%arg35 : memref<!tpu.dma_semaphore, #tpu.memory_space<semaphore_mem>>) src(%arg26 : memref<128xf32, #tpu.memory_space<vmem>>) dst(%dma_wait3A_488 : memref<10240xf32, #tpu.memory_space<vmem_shared>>)
      %dma_start3A_489 = arith.constant 0 : i32
      %dma_start3A_490 = arith.constant 0 : i32
      %dma_start3A_491 = tpu.memref_slice %arg2[%dma_start3A_489, %dma_start3A_490] : memref<10000x128xf32, #tpu.memory_space<hbm>> -> memref<10000x128xf32, #tpu.memory_space<hbm>>
      tpu.enqueue_indirect_dma source(%dma_start3A_491 : memref<10000x128xf32, #tpu.memory_space<hbm>>) target(%arg25 : memref<128x128xf32, #tpu.memory_space<vmem>>) offsets(%arg19 : memref<128xi32, #tpu.memory_space<vmem>>) semaphore(%arg29 : memref<!tpu.dma_semaphore, #tpu.memory_space<semaphore_mem>>)
      %dma_wait3A_492 = arith.constant 0 : i32
      %dma_wait3A_493 = arith.constant 0 : i32
      %dma_wait3A_494 = tpu.memref_slice %arg2[%dma_wait3A_492, %dma_wait3A_493] : memref<10000x128xf32, #tpu.memory_space<hbm>> -> memref<10000x128xf32, #tpu.memory_space<hbm>>
      tpu.wait_indirect_dma semaphore(%arg28 : memref<!tpu.dma_semaphore, #tpu.memory_space<semaphore_mem>>) src(%dma_wait3A_494 : memref<10000x128xf32, #tpu.memory_space<hbm>>) dst(%arg24 : memref<128x128xf32, #tpu.memory_space<vmem>>)
      %dma_start3A_495 = arith.constant 0 : i32
      %dma_start3A_496 = arith.constant 0 : i32
      %dma_start3A_497 = tpu.memref_slice %arg14[%dma_start3A_495, %dma_start3A_496] : memref<10240x128xf32, #tpu.memory_space<vmem_shared>> -> memref<10240x128xf32, #tpu.memory_space<vmem_shared>>
      tpu.enqueue_indirect_dma source(%arg24 : memref<128x128xf32, #tpu.memory_space<vmem>>) target(%dma_start3A_497 : memref<10240x128xf32, #tpu.memory_space<vmem_shared>>) offsets(%arg22 : memref<128xi32, #tpu.memory_space<vmem>>) semaphore(%arg34 : memref<!tpu.dma_semaphore, #tpu.memory_space<semaphore_mem>>) {add = true}
      %dma_start3A_498 = arith.constant 0 : i32
      %dma_start3A_499 = tpu.memref_slice %arg15[%dma_start3A_498] : memref<10240xf32, #tpu.memory_space<vmem_shared>> -> memref<10240xf32, #tpu.memory_space<vmem_shared>>
      tpu.enqueue_indirect_dma source(%arg26 : memref<128xf32, #tpu.memory_space<vmem>>) target(%dma_start3A_499 : memref<10240xf32, #tpu.memory_space<vmem_shared>>) offsets(%arg22 : memref<128xi32, #tpu.memory_space<vmem>>) semaphore(%arg34 : memref<!tpu.dma_semaphore, #tpu.memory_space<semaphore_mem>>) {add = true}
    }
    %scan3A_167 = arith.constant 19 : i32
    %dma_wait3A_168 = arith.constant 0 : i32
    %dma_wait3A_169 = arith.constant 0 : i32
    %dma_wait3A_170 = tpu.memref_slice %arg2[%dma_wait3A_168, %dma_wait3A_169] : memref<10000x128xf32, #tpu.memory_space<hbm>> -> memref<10000x128xf32, #tpu.memory_space<hbm>>
    tpu.wait_indirect_dma semaphore(%arg29 : memref<!tpu.dma_semaphore, #tpu.memory_space<semaphore_mem>>) src(%dma_wait3A_170 : memref<10000x128xf32, #tpu.memory_space<hbm>>) dst(%arg25 : memref<128x128xf32, #tpu.memory_space<vmem>>)
    %dma_start3A_171 = arith.constant 0 : i32
    %dma_start3A_172 = arith.constant 0 : i32
    %dma_start3A_173 = tpu.memref_slice %arg14[%dma_start3A_171, %dma_start3A_172] : memref<10240x128xf32, #tpu.memory_space<vmem_shared>> -> memref<10240x128xf32, #tpu.memory_space<vmem_shared>>
    tpu.enqueue_indirect_dma source(%arg25 : memref<128x128xf32, #tpu.memory_space<vmem>>) target(%dma_start3A_173 : memref<10240x128xf32, #tpu.memory_space<vmem_shared>>) offsets(%arg23 : memref<128xi32, #tpu.memory_space<vmem>>) semaphore(%arg35 : memref<!tpu.dma_semaphore, #tpu.memory_space<semaphore_mem>>) {add = true}
    %dma_start3A_174 = arith.constant 0 : i32
    %dma_start3A_175 = tpu.memref_slice %arg15[%dma_start3A_174] : memref<10240xf32, #tpu.memory_space<vmem_shared>> -> memref<10240xf32, #tpu.memory_space<vmem_shared>>
    tpu.enqueue_indirect_dma source(%arg26 : memref<128xf32, #tpu.memory_space<vmem>>) target(%dma_start3A_175 : memref<10240xf32, #tpu.memory_space<vmem_shared>>) offsets(%arg23 : memref<128xi32, #tpu.memory_space<vmem>>) semaphore(%arg35 : memref<!tpu.dma_semaphore, #tpu.memory_space<semaphore_mem>>) {add = true}
    %dma_wait3A_176 = arith.constant 0 : i32
    %dma_wait3A_177 = arith.constant 0 : i32
    %dma_wait3A_178 = tpu.memref_slice %arg14[%dma_wait3A_176, %dma_wait3A_177] : memref<10240x128xf32, #tpu.memory_space<vmem_shared>> -> memref<10240x128xf32, #tpu.memory_space<vmem_shared>>
    tpu.wait_indirect_dma semaphore(%arg34 : memref<!tpu.dma_semaphore, #tpu.memory_space<semaphore_mem>>) src(%arg24 : memref<128x128xf32, #tpu.memory_space<vmem>>) dst(%dma_wait3A_178 : memref<10240x128xf32, #tpu.memory_space<vmem_shared>>)
    %dma_wait3A_179 = arith.constant 0 : i32
    %dma_wait3A_180 = tpu.memref_slice %arg15[%dma_wait3A_179] : memref<10240xf32, #tpu.memory_space<vmem_shared>> -> memref<10240xf32, #tpu.memory_space<vmem_shared>>
    tpu.wait_indirect_dma semaphore(%arg34 : memref<!tpu.dma_semaphore, #tpu.memory_space<semaphore_mem>>) src(%arg26 : memref<128xf32, #tpu.memory_space<vmem>>) dst(%dma_wait3A_180 : memref<10240xf32, #tpu.memory_space<vmem_shared>>)
    %dma_wait3A_181 = arith.constant 0 : i32
    %dma_wait3A_182 = arith.constant 0 : i32
    %dma_wait3A_183 = tpu.memref_slice %arg14[%dma_wait3A_181, %dma_wait3A_182] : memref<10240x128xf32, #tpu.memory_space<vmem_shared>> -> memref<10240x128xf32, #tpu.memory_space<vmem_shared>>
    tpu.wait_indirect_dma semaphore(%arg35 : memref<!tpu.dma_semaphore, #tpu.memory_space<semaphore_mem>>) src(%arg25 : memref<128x128xf32, #tpu.memory_space<vmem>>) dst(%dma_wait3A_183 : memref<10240x128xf32, #tpu.memory_space<vmem_shared>>)
    %dma_wait3A_184 = arith.constant 0 : i32
    %dma_wait3A_185 = tpu.memref_slice %arg15[%dma_wait3A_184] : memref<10240xf32, #tpu.memory_space<vmem_shared>> -> memref<10240xf32, #tpu.memory_space<vmem_shared>>
    tpu.wait_indirect_dma semaphore(%arg35 : memref<!tpu.dma_semaphore, #tpu.memory_space<semaphore_mem>>) src(%arg26 : memref<128xf32, #tpu.memory_space<vmem>>) dst(%dma_wait3A_185 : memref<10240xf32, #tpu.memory_space<vmem_shared>>)
    %barrier3A_186 = arith.constant 0 : index
    tpu.barrier barrier_id(%barrier3A_186)
    %add3A_187 = arith.constant 0 : i32
    %add3A_188 = arith.addi %mul3A_46, %add3A_187 : i32
    "tpu.region"() ({
      %run_scoped3A = tpu.sem_alloc : memref<!tpu.dma_semaphore, #tpu.memory_space<semaphore_mem>>
      %dma_start3A_378 = arith.constant 0 : i32
      %dma_start3A_379 = tpu.memref_slice %arg14[%add3A_188, %dma_start3A_378] : memref<10240x128xf32, #tpu.memory_space<vmem_shared>> -> memref<128x128xf32, #tpu.memory_space<vmem_shared>>
      %dma_start3A_380 = arith.constant 0 : i32
      %dma_start3A_381 = tpu.memref_slice %arg14[%add3A_188, %dma_start3A_380] : memref<10240x128xf32, #tpu.memory_space<vmem_shared>> -> memref<128x128xf32, #tpu.memory_space<vmem_shared>>
      tpu.enqueue_dma source(%dma_start3A_381 : memref<128x128xf32, #tpu.memory_space<vmem_shared>>) target(%arg24 : memref<128x128xf32, #tpu.memory_space<vmem>>) target_semaphore(%run_scoped3A : memref<!tpu.dma_semaphore, #tpu.memory_space<semaphore_mem>>)
      %dma_wait3A_382 = arith.constant 0 : i32
      %dma_wait3A_383 = tpu.memref_slice %arg14[%add3A_188, %dma_wait3A_382] : memref<10240x128xf32, #tpu.memory_space<vmem_shared>> -> memref<128x128xf32, #tpu.memory_space<vmem_shared>>
      %dma_wait3A_384 = arith.constant 0 : i32
      %dma_wait3A_385 = tpu.memref_slice %arg14[%add3A_188, %dma_wait3A_384] : memref<10240x128xf32, #tpu.memory_space<vmem_shared>> -> memref<128x128xf32, #tpu.memory_space<vmem_shared>>
      tpu.wait_dma2 semaphore(%run_scoped3A : memref<!tpu.dma_semaphore, #tpu.memory_space<semaphore_mem>>) src(%dma_wait3A_385 : memref<128x128xf32, #tpu.memory_space<vmem_shared>>) dst(%arg24 : memref<128x128xf32, #tpu.memory_space<vmem>>)
      tpu.yield
    }) : () -> ()
    %add3A_189 = arith.constant 0 : i32
    %add3A_190 = arith.addi %mul3A_46, %add3A_189 : i32
    "tpu.region"() ({
      %run_scoped3A = tpu.sem_alloc : memref<!tpu.dma_semaphore, #tpu.memory_space<semaphore_mem>>
      %dma_start3A_378 = arith.constant 0 : i32
      %dma_start3A_379 = tpu.memref_slice %arg10[%arg0, %add3A_190, %dma_start3A_378] : memref<2x10240x128xf32, #tpu.memory_space<hbm>> -> memref<1x128x128xf32, #tpu.memory_space<hbm>>
      %dma_start3A_380 = tpu.memref_squeeze %dma_start3A_379 : memref<1x128x128xf32, #tpu.memory_space<hbm>> -> memref<128x128xf32, #tpu.memory_space<hbm>>
      %dma_start3A_381 = arith.constant 0 : i32
      %dma_start3A_382 = tpu.memref_slice %arg10[%arg0, %add3A_190, %dma_start3A_381] : memref<2x10240x128xf32, #tpu.memory_space<hbm>> -> memref<1x128x128xf32, #tpu.memory_space<hbm>>
      %dma_start3A_383 = tpu.memref_squeeze %dma_start3A_382 : memref<1x128x128xf32, #tpu.memory_space<hbm>> -> memref<128x128xf32, #tpu.memory_space<hbm>>
      tpu.enqueue_dma source(%arg24 : memref<128x128xf32, #tpu.memory_space<vmem>>) target(%dma_start3A_383 : memref<128x128xf32, #tpu.memory_space<hbm>>) target_semaphore(%run_scoped3A : memref<!tpu.dma_semaphore, #tpu.memory_space<semaphore_mem>>)
      %dma_wait3A_384 = arith.constant 0 : i32
      %dma_wait3A_385 = tpu.memref_slice %arg10[%arg0, %add3A_190, %dma_wait3A_384] : memref<2x10240x128xf32, #tpu.memory_space<hbm>> -> memref<1x128x128xf32, #tpu.memory_space<hbm>>
      %dma_wait3A_386 = tpu.memref_squeeze %dma_wait3A_385 : memref<1x128x128xf32, #tpu.memory_space<hbm>> -> memref<128x128xf32, #tpu.memory_space<hbm>>
      %dma_wait3A_387 = arith.constant 0 : i32
      %dma_wait3A_388 = tpu.memref_slice %arg10[%arg0, %add3A_190, %dma_wait3A_387] : memref<2x10240x128xf32, #tpu.memory_space<hbm>> -> memref<1x128x128xf32, #tpu.memory_space<hbm>>
      %dma_wait3A_389 = tpu.memref_squeeze %dma_wait3A_388 : memref<1x128x128xf32, #tpu.memory_space<hbm>> -> memref<128x128xf32, #tpu.memory_space<hbm>>
      tpu.wait_dma2 semaphore(%run_scoped3A : memref<!tpu.dma_semaphore, #tpu.memory_space<semaphore_mem>>) src(%arg24 : memref<128x128xf32, #tpu.memory_space<vmem>>) dst(%dma_wait3A_389 : memref<128x128xf32, #tpu.memory_space<hbm>>)
      tpu.yield
    }) : () -> ()
    %add3A_191 = arith.constant 128 : i32
    %add3A_192 = arith.addi %mul3A_46, %add3A_191 : i32
    "tpu.region"() ({
      %run_scoped3A = tpu.sem_alloc : memref<!tpu.dma_semaphore, #tpu.memory_space<semaphore_mem>>
      %dma_start3A_378 = arith.constant 0 : i32
      %dma_start3A_379 = tpu.memref_slice %arg14[%add3A_192, %dma_start3A_378] : memref<10240x128xf32, #tpu.memory_space<vmem_shared>> -> memref<128x128xf32, #tpu.memory_space<vmem_shared>>
      %dma_start3A_380 = arith.constant 0 : i32
      %dma_start3A_381 = tpu.memref_slice %arg14[%add3A_192, %dma_start3A_380] : memref<10240x128xf32, #tpu.memory_space<vmem_shared>> -> memref<128x128xf32, #tpu.memory_space<vmem_shared>>
      tpu.enqueue_dma source(%dma_start3A_381 : memref<128x128xf32, #tpu.memory_space<vmem_shared>>) target(%arg24 : memref<128x128xf32, #tpu.memory_space<vmem>>) target_semaphore(%run_scoped3A : memref<!tpu.dma_semaphore, #tpu.memory_space<semaphore_mem>>)
      %dma_wait3A_382 = arith.constant 0 : i32
      %dma_wait3A_383 = tpu.memref_slice %arg14[%add3A_192, %dma_wait3A_382] : memref<10240x128xf32, #tpu.memory_space<vmem_shared>> -> memref<128x128xf32, #tpu.memory_space<vmem_shared>>
      %dma_wait3A_384 = arith.constant 0 : i32
      %dma_wait3A_385 = tpu.memref_slice %arg14[%add3A_192, %dma_wait3A_384] : memref<10240x128xf32, #tpu.memory_space<vmem_shared>> -> memref<128x128xf32, #tpu.memory_space<vmem_shared>>
      tpu.wait_dma2 semaphore(%run_scoped3A : memref<!tpu.dma_semaphore, #tpu.memory_space<semaphore_mem>>) src(%dma_wait3A_385 : memref<128x128xf32, #tpu.memory_space<vmem_shared>>) dst(%arg24 : memref<128x128xf32, #tpu.memory_space<vmem>>)
      tpu.yield
    }) : () -> ()
    %add3A_193 = arith.constant 128 : i32
    %add3A_194 = arith.addi %mul3A_46, %add3A_193 : i32
    "tpu.region"() ({
      %run_scoped3A = tpu.sem_alloc : memref<!tpu.dma_semaphore, #tpu.memory_space<semaphore_mem>>
      %dma_start3A_378 = arith.constant 0 : i32
      %dma_start3A_379 = tpu.memref_slice %arg10[%arg0, %add3A_194, %dma_start3A_378] : memref<2x10240x128xf32, #tpu.memory_space<hbm>> -> memref<1x128x128xf32, #tpu.memory_space<hbm>>
      %dma_start3A_380 = tpu.memref_squeeze %dma_start3A_379 : memref<1x128x128xf32, #tpu.memory_space<hbm>> -> memref<128x128xf32, #tpu.memory_space<hbm>>
      %dma_start3A_381 = arith.constant 0 : i32
      %dma_start3A_382 = tpu.memref_slice %arg10[%arg0, %add3A_194, %dma_start3A_381] : memref<2x10240x128xf32, #tpu.memory_space<hbm>> -> memref<1x128x128xf32, #tpu.memory_space<hbm>>
      %dma_start3A_383 = tpu.memref_squeeze %dma_start3A_382 : memref<1x128x128xf32, #tpu.memory_space<hbm>> -> memref<128x128xf32, #tpu.memory_space<hbm>>
      tpu.enqueue_dma source(%arg24 : memref<128x128xf32, #tpu.memory_space<vmem>>) target(%dma_start3A_383 : memref<128x128xf32, #tpu.memory_space<hbm>>) target_semaphore(%run_scoped3A : memref<!tpu.dma_semaphore, #tpu.memory_space<semaphore_mem>>)
      %dma_wait3A_384 = arith.constant 0 : i32
      %dma_wait3A_385 = tpu.memref_slice %arg10[%arg0, %add3A_194, %dma_wait3A_384] : memref<2x10240x128xf32, #tpu.memory_space<hbm>> -> memref<1x128x128xf32, #tpu.memory_space<hbm>>
      %dma_wait3A_386 = tpu.memref_squeeze %dma_wait3A_385 : memref<1x128x128xf32, #tpu.memory_space<hbm>> -> memref<128x128xf32, #tpu.memory_space<hbm>>
      %dma_wait3A_387 = arith.constant 0 : i32
      %dma_wait3A_388 = tpu.memref_slice %arg10[%arg0, %add3A_194, %dma_wait3A_387] : memref<2x10240x128xf32, #tpu.memory_space<hbm>> -> memref<1x128x128xf32, #tpu.memory_space<hbm>>
      %dma_wait3A_389 = tpu.memref_squeeze %dma_wait3A_388 : memref<1x128x128xf32, #tpu.memory_space<hbm>> -> memref<128x128xf32, #tpu.memory_space<hbm>>
      tpu.wait_dma2 semaphore(%run_scoped3A : memref<!tpu.dma_semaphore, #tpu.memory_space<semaphore_mem>>) src(%arg24 : memref<128x128xf32, #tpu.memory_space<vmem>>) dst(%dma_wait3A_389 : memref<128x128xf32, #tpu.memory_space<hbm>>)
      tpu.yield
    }) : () -> ()
    %add3A_195 = arith.constant 256 : i32
    %add3A_196 = arith.addi %mul3A_46, %add3A_195 : i32
    "tpu.region"() ({
      %run_scoped3A = tpu.sem_alloc : memref<!tpu.dma_semaphore, #tpu.memory_space<semaphore_mem>>
      %dma_start3A_378 = arith.constant 0 : i32
      %dma_start3A_379 = tpu.memref_slice %arg14[%add3A_196, %dma_start3A_378] : memref<10240x128xf32, #tpu.memory_space<vmem_shared>> -> memref<128x128xf32, #tpu.memory_space<vmem_shared>>
      %dma_start3A_380 = arith.constant 0 : i32
      %dma_start3A_381 = tpu.memref_slice %arg14[%add3A_196, %dma_start3A_380] : memref<10240x128xf32, #tpu.memory_space<vmem_shared>> -> memref<128x128xf32, #tpu.memory_space<vmem_shared>>
      tpu.enqueue_dma source(%dma_start3A_381 : memref<128x128xf32, #tpu.memory_space<vmem_shared>>) target(%arg24 : memref<128x128xf32, #tpu.memory_space<vmem>>) target_semaphore(%run_scoped3A : memref<!tpu.dma_semaphore, #tpu.memory_space<semaphore_mem>>)
      %dma_wait3A_382 = arith.constant 0 : i32
      %dma_wait3A_383 = tpu.memref_slice %arg14[%add3A_196, %dma_wait3A_382] : memref<10240x128xf32, #tpu.memory_space<vmem_shared>> -> memref<128x128xf32, #tpu.memory_space<vmem_shared>>
      %dma_wait3A_384 = arith.constant 0 : i32
      %dma_wait3A_385 = tpu.memref_slice %arg14[%add3A_196, %dma_wait3A_384] : memref<10240x128xf32, #tpu.memory_space<vmem_shared>> -> memref<128x128xf32, #tpu.memory_space<vmem_shared>>
      tpu.wait_dma2 semaphore(%run_scoped3A : memref<!tpu.dma_semaphore, #tpu.memory_space<semaphore_mem>>) src(%dma_wait3A_385 : memref<128x128xf32, #tpu.memory_space<vmem_shared>>) dst(%arg24 : memref<128x128xf32, #tpu.memory_space<vmem>>)
      tpu.yield
    }) : () -> ()
    %add3A_197 = arith.constant 256 : i32
    %add3A_198 = arith.addi %mul3A_46, %add3A_197 : i32
    "tpu.region"() ({
      %run_scoped3A = tpu.sem_alloc : memref<!tpu.dma_semaphore, #tpu.memory_space<semaphore_mem>>
      %dma_start3A_378 = arith.constant 0 : i32
      %dma_start3A_379 = tpu.memref_slice %arg10[%arg0, %add3A_198, %dma_start3A_378] : memref<2x10240x128xf32, #tpu.memory_space<hbm>> -> memref<1x128x128xf32, #tpu.memory_space<hbm>>
      %dma_start3A_380 = tpu.memref_squeeze %dma_start3A_379 : memref<1x128x128xf32, #tpu.memory_space<hbm>> -> memref<128x128xf32, #tpu.memory_space<hbm>>
      %dma_start3A_381 = arith.constant 0 : i32
      %dma_start3A_382 = tpu.memref_slice %arg10[%arg0, %add3A_198, %dma_start3A_381] : memref<2x10240x128xf32, #tpu.memory_space<hbm>> -> memref<1x128x128xf32, #tpu.memory_space<hbm>>
      %dma_start3A_383 = tpu.memref_squeeze %dma_start3A_382 : memref<1x128x128xf32, #tpu.memory_space<hbm>> -> memref<128x128xf32, #tpu.memory_space<hbm>>
      tpu.enqueue_dma source(%arg24 : memref<128x128xf32, #tpu.memory_space<vmem>>) target(%dma_start3A_383 : memref<128x128xf32, #tpu.memory_space<hbm>>) target_semaphore(%run_scoped3A : memref<!tpu.dma_semaphore, #tpu.memory_space<semaphore_mem>>)
      %dma_wait3A_384 = arith.constant 0 : i32
      %dma_wait3A_385 = tpu.memref_slice %arg10[%arg0, %add3A_198, %dma_wait3A_384] : memref<2x10240x128xf32, #tpu.memory_space<hbm>> -> memref<1x128x128xf32, #tpu.memory_space<hbm>>
      %dma_wait3A_386 = tpu.memref_squeeze %dma_wait3A_385 : memref<1x128x128xf32, #tpu.memory_space<hbm>> -> memref<128x128xf32, #tpu.memory_space<hbm>>
      %dma_wait3A_387 = arith.constant 0 : i32
      %dma_wait3A_388 = tpu.memref_slice %arg10[%arg0, %add3A_198, %dma_wait3A_387] : memref<2x10240x128xf32, #tpu.memory_space<hbm>> -> memref<1x128x128xf32, #tpu.memory_space<hbm>>
      %dma_wait3A_389 = tpu.memref_squeeze %dma_wait3A_388 : memref<1x128x128xf32, #tpu.memory_space<hbm>> -> memref<128x128xf32, #tpu.memory_space<hbm>>
      tpu.wait_dma2 semaphore(%run_scoped3A : memref<!tpu.dma_semaphore, #tpu.memory_space<semaphore_mem>>) src(%arg24 : memref<128x128xf32, #tpu.memory_space<vmem>>) dst(%dma_wait3A_389 : memref<128x128xf32, #tpu.memory_space<hbm>>)
      tpu.yield
    }) : () -> ()
    %add3A_199 = arith.constant 384 : i32
    %add3A_200 = arith.addi %mul3A_46, %add3A_199 : i32
    "tpu.region"() ({
      %run_scoped3A = tpu.sem_alloc : memref<!tpu.dma_semaphore, #tpu.memory_space<semaphore_mem>>
      %dma_start3A_378 = arith.constant 0 : i32
      %dma_start3A_379 = tpu.memref_slice %arg14[%add3A_200, %dma_start3A_378] : memref<10240x128xf32, #tpu.memory_space<vmem_shared>> -> memref<128x128xf32, #tpu.memory_space<vmem_shared>>
      %dma_start3A_380 = arith.constant 0 : i32
      %dma_start3A_381 = tpu.memref_slice %arg14[%add3A_200, %dma_start3A_380] : memref<10240x128xf32, #tpu.memory_space<vmem_shared>> -> memref<128x128xf32, #tpu.memory_space<vmem_shared>>
      tpu.enqueue_dma source(%dma_start3A_381 : memref<128x128xf32, #tpu.memory_space<vmem_shared>>) target(%arg24 : memref<128x128xf32, #tpu.memory_space<vmem>>) target_semaphore(%run_scoped3A : memref<!tpu.dma_semaphore, #tpu.memory_space<semaphore_mem>>)
      %dma_wait3A_382 = arith.constant 0 : i32
      %dma_wait3A_383 = tpu.memref_slice %arg14[%add3A_200, %dma_wait3A_382] : memref<10240x128xf32, #tpu.memory_space<vmem_shared>> -> memref<128x128xf32, #tpu.memory_space<vmem_shared>>
      %dma_wait3A_384 = arith.constant 0 : i32
      %dma_wait3A_385 = tpu.memref_slice %arg14[%add3A_200, %dma_wait3A_384] : memref<10240x128xf32, #tpu.memory_space<vmem_shared>> -> memref<128x128xf32, #tpu.memory_space<vmem_shared>>
      tpu.wait_dma2 semaphore(%run_scoped3A : memref<!tpu.dma_semaphore, #tpu.memory_space<semaphore_mem>>) src(%dma_wait3A_385 : memref<128x128xf32, #tpu.memory_space<vmem_shared>>) dst(%arg24 : memref<128x128xf32, #tpu.memory_space<vmem>>)
      tpu.yield
    }) : () -> ()
    %add3A_201 = arith.constant 384 : i32
    %add3A_202 = arith.addi %mul3A_46, %add3A_201 : i32
    "tpu.region"() ({
      %run_scoped3A = tpu.sem_alloc : memref<!tpu.dma_semaphore, #tpu.memory_space<semaphore_mem>>
      %dma_start3A_378 = arith.constant 0 : i32
      %dma_start3A_379 = tpu.memref_slice %arg10[%arg0, %add3A_202, %dma_start3A_378] : memref<2x10240x128xf32, #tpu.memory_space<hbm>> -> memref<1x128x128xf32, #tpu.memory_space<hbm>>
      %dma_start3A_380 = tpu.memref_squeeze %dma_start3A_379 : memref<1x128x128xf32, #tpu.memory_space<hbm>> -> memref<128x128xf32, #tpu.memory_space<hbm>>
      %dma_start3A_381 = arith.constant 0 : i32
      %dma_start3A_382 = tpu.memref_slice %arg10[%arg0, %add3A_202, %dma_start3A_381] : memref<2x10240x128xf32, #tpu.memory_space<hbm>> -> memref<1x128x128xf32, #tpu.memory_space<hbm>>
      %dma_start3A_383 = tpu.memref_squeeze %dma_start3A_382 : memref<1x128x128xf32, #tpu.memory_space<hbm>> -> memref<128x128xf32, #tpu.memory_space<hbm>>
      tpu.enqueue_dma source(%arg24 : memref<128x128xf32, #tpu.memory_space<vmem>>) target(%dma_start3A_383 : memref<128x128xf32, #tpu.memory_space<hbm>>) target_semaphore(%run_scoped3A : memref<!tpu.dma_semaphore, #tpu.memory_space<semaphore_mem>>)
      %dma_wait3A_384 = arith.constant 0 : i32
      %dma_wait3A_385 = tpu.memref_slice %arg10[%arg0, %add3A_202, %dma_wait3A_384] : memref<2x10240x128xf32, #tpu.memory_space<hbm>> -> memref<1x128x128xf32, #tpu.memory_space<hbm>>
      %dma_wait3A_386 = tpu.memref_squeeze %dma_wait3A_385 : memref<1x128x128xf32, #tpu.memory_space<hbm>> -> memref<128x128xf32, #tpu.memory_space<hbm>>
      %dma_wait3A_387 = arith.constant 0 : i32
      %dma_wait3A_388 = tpu.memref_slice %arg10[%arg0, %add3A_202, %dma_wait3A_387] : memref<2x10240x128xf32, #tpu.memory_space<hbm>> -> memref<1x128x128xf32, #tpu.memory_space<hbm>>
      %dma_wait3A_389 = tpu.memref_squeeze %dma_wait3A_388 : memref<1x128x128xf32, #tpu.memory_space<hbm>> -> memref<128x128xf32, #tpu.memory_space<hbm>>
      tpu.wait_dma2 semaphore(%run_scoped3A : memref<!tpu.dma_semaphore, #tpu.memory_space<semaphore_mem>>) src(%arg24 : memref<128x128xf32, #tpu.memory_space<vmem>>) dst(%dma_wait3A_389 : memref<128x128xf32, #tpu.memory_space<hbm>>)
      tpu.yield
    }) : () -> ()
    %add3A_203 = arith.constant 512 : i32
    %add3A_204 = arith.addi %mul3A_46, %add3A_203 : i32
    "tpu.region"() ({
      %run_scoped3A = tpu.sem_alloc : memref<!tpu.dma_semaphore, #tpu.memory_space<semaphore_mem>>
      %dma_start3A_378 = arith.constant 0 : i32
      %dma_start3A_379 = tpu.memref_slice %arg14[%add3A_204, %dma_start3A_378] : memref<10240x128xf32, #tpu.memory_space<vmem_shared>> -> memref<128x128xf32, #tpu.memory_space<vmem_shared>>
      %dma_start3A_380 = arith.constant 0 : i32
      %dma_start3A_381 = tpu.memref_slice %arg14[%add3A_204, %dma_start3A_380] : memref<10240x128xf32, #tpu.memory_space<vmem_shared>> -> memref<128x128xf32, #tpu.memory_space<vmem_shared>>
      tpu.enqueue_dma source(%dma_start3A_381 : memref<128x128xf32, #tpu.memory_space<vmem_shared>>) target(%arg24 : memref<128x128xf32, #tpu.memory_space<vmem>>) target_semaphore(%run_scoped3A : memref<!tpu.dma_semaphore, #tpu.memory_space<semaphore_mem>>)
      %dma_wait3A_382 = arith.constant 0 : i32
      %dma_wait3A_383 = tpu.memref_slice %arg14[%add3A_204, %dma_wait3A_382] : memref<10240x128xf32, #tpu.memory_space<vmem_shared>> -> memref<128x128xf32, #tpu.memory_space<vmem_shared>>
      %dma_wait3A_384 = arith.constant 0 : i32
      %dma_wait3A_385 = tpu.memref_slice %arg14[%add3A_204, %dma_wait3A_384] : memref<10240x128xf32, #tpu.memory_space<vmem_shared>> -> memref<128x128xf32, #tpu.memory_space<vmem_shared>>
      tpu.wait_dma2 semaphore(%run_scoped3A : memref<!tpu.dma_semaphore, #tpu.memory_space<semaphore_mem>>) src(%dma_wait3A_385 : memref<128x128xf32, #tpu.memory_space<vmem_shared>>) dst(%arg24 : memref<128x128xf32, #tpu.memory_space<vmem>>)
      tpu.yield
    }) : () -> ()
    %add3A_205 = arith.constant 512 : i32
    %add3A_206 = arith.addi %mul3A_46, %add3A_205 : i32
    "tpu.region"() ({
      %run_scoped3A = tpu.sem_alloc : memref<!tpu.dma_semaphore, #tpu.memory_space<semaphore_mem>>
      %dma_start3A_378 = arith.constant 0 : i32
      %dma_start3A_379 = tpu.memref_slice %arg10[%arg0, %add3A_206, %dma_start3A_378] : memref<2x10240x128xf32, #tpu.memory_space<hbm>> -> memref<1x128x128xf32, #tpu.memory_space<hbm>>
      %dma_start3A_380 = tpu.memref_squeeze %dma_start3A_379 : memref<1x128x128xf32, #tpu.memory_space<hbm>> -> memref<128x128xf32, #tpu.memory_space<hbm>>
      %dma_start3A_381 = arith.constant 0 : i32
      %dma_start3A_382 = tpu.memref_slice %arg10[%arg0, %add3A_206, %dma_start3A_381] : memref<2x10240x128xf32, #tpu.memory_space<hbm>> -> memref<1x128x128xf32, #tpu.memory_space<hbm>>
      %dma_start3A_383 = tpu.memref_squeeze %dma_start3A_382 : memref<1x128x128xf32, #tpu.memory_space<hbm>> -> memref<128x128xf32, #tpu.memory_space<hbm>>
      tpu.enqueue_dma source(%arg24 : memref<128x128xf32, #tpu.memory_space<vmem>>) target(%dma_start3A_383 : memref<128x128xf32, #tpu.memory_space<hbm>>) target_semaphore(%run_scoped3A : memref<!tpu.dma_semaphore, #tpu.memory_space<semaphore_mem>>)
      %dma_wait3A_384 = arith.constant 0 : i32
      %dma_wait3A_385 = tpu.memref_slice %arg10[%arg0, %add3A_206, %dma_wait3A_384] : memref<2x10240x128xf32, #tpu.memory_space<hbm>> -> memref<1x128x128xf32, #tpu.memory_space<hbm>>
      %dma_wait3A_386 = tpu.memref_squeeze %dma_wait3A_385 : memref<1x128x128xf32, #tpu.memory_space<hbm>> -> memref<128x128xf32, #tpu.memory_space<hbm>>
      %dma_wait3A_387 = arith.constant 0 : i32
      %dma_wait3A_388 = tpu.memref_slice %arg10[%arg0, %add3A_206, %dma_wait3A_387] : memref<2x10240x128xf32, #tpu.memory_space<hbm>> -> memref<1x128x128xf32, #tpu.memory_space<hbm>>
      %dma_wait3A_389 = tpu.memref_squeeze %dma_wait3A_388 : memref<1x128x128xf32, #tpu.memory_space<hbm>> -> memref<128x128xf32, #tpu.memory_space<hbm>>
      tpu.wait_dma2 semaphore(%run_scoped3A : memref<!tpu.dma_semaphore, #tpu.memory_space<semaphore_mem>>) src(%arg24 : memref<128x128xf32, #tpu.memory_space<vmem>>) dst(%dma_wait3A_389 : memref<128x128xf32, #tpu.memory_space<hbm>>)
      tpu.yield
    }) : () -> ()
    "tpu.region"() ({
      %run_scoped3A = tpu.sem_alloc : memref<!tpu.dma_semaphore, #tpu.memory_space<semaphore_mem>>
      %dma_start3A_378 = tpu.memref_slice %arg15[%mul3A_46] : memref<10240xf32, #tpu.memory_space<vmem_shared>> -> memref<640xf32, #tpu.memory_space<vmem_shared>>
      %dma_start3A_379 = tpu.memref_slice %arg15[%mul3A_46] : memref<10240xf32, #tpu.memory_space<vmem_shared>> -> memref<640xf32, #tpu.memory_space<vmem_shared>>
      tpu.enqueue_dma source(%dma_start3A_379 : memref<640xf32, #tpu.memory_space<vmem_shared>>) target(%arg27 : memref<640xf32, #tpu.memory_space<vmem>>) target_semaphore(%run_scoped3A : memref<!tpu.dma_semaphore, #tpu.memory_space<semaphore_mem>>)
      %dma_wait3A_380 = tpu.memref_slice %arg15[%mul3A_46] : memref<10240xf32, #tpu.memory_space<vmem_shared>> -> memref<640xf32, #tpu.memory_space<vmem_shared>>
      %dma_wait3A_381 = tpu.memref_slice %arg15[%mul3A_46] : memref<10240xf32, #tpu.memory_space<vmem_shared>> -> memref<640xf32, #tpu.memory_space<vmem_shared>>
      tpu.wait_dma2 semaphore(%run_scoped3A : memref<!tpu.dma_semaphore, #tpu.memory_space<semaphore_mem>>) src(%dma_wait3A_381 : memref<640xf32, #tpu.memory_space<vmem_shared>>) dst(%arg27 : memref<640xf32, #tpu.memory_space<vmem>>)
      tpu.yield
    }) : () -> ()
    %mul3A_207 = arith.constant 10240 : i32
    %mul3A_208 = arith.muli %arg0, %mul3A_207 : i32
    %add3A_209 = arith.addi %mul3A_208, %mul3A_46 : i32
    "tpu.region"() ({
      %run_scoped3A = tpu.sem_alloc : memref<!tpu.dma_semaphore, #tpu.memory_space<semaphore_mem>>
      %dma_start3A_378 = tpu.memref_slice %arg11[%add3A_209] : memref<20480xf32, #tpu.memory_space<hbm>> -> memref<640xf32, #tpu.memory_space<hbm>>
      %dma_start3A_379 = tpu.memref_slice %arg11[%add3A_209] : memref<20480xf32, #tpu.memory_space<hbm>> -> memref<640xf32, #tpu.memory_space<hbm>>
      tpu.enqueue_dma source(%arg27 : memref<640xf32, #tpu.memory_space<vmem>>) target(%dma_start3A_379 : memref<640xf32, #tpu.memory_space<hbm>>) target_semaphore(%run_scoped3A : memref<!tpu.dma_semaphore, #tpu.memory_space<semaphore_mem>>)
      %dma_wait3A_380 = tpu.memref_slice %arg11[%add3A_209] : memref<20480xf32, #tpu.memory_space<hbm>> -> memref<640xf32, #tpu.memory_space<hbm>>
      %dma_wait3A_381 = tpu.memref_slice %arg11[%add3A_209] : memref<20480xf32, #tpu.memory_space<hbm>> -> memref<640xf32, #tpu.memory_space<hbm>>
      tpu.wait_dma2 semaphore(%run_scoped3A : memref<!tpu.dma_semaphore, #tpu.memory_space<semaphore_mem>>) src(%arg27 : memref<640xf32, #tpu.memory_space<vmem>>) dst(%dma_wait3A_381 : memref<640xf32, #tpu.memory_space<hbm>>)
      tpu.yield
    }) : () -> ()
    "tpu.region"() ({
      %run_scoped3A = tpu.sem_alloc : memref<!tpu.dma_semaphore, #tpu.memory_space<semaphore_mem>>
      tpu.enqueue_dma source(%arg8 : memref<128x128xf32, #tpu.memory_space<hbm>>) target(%arg24 : memref<128x128xf32, #tpu.memory_space<vmem>>) target_semaphore(%run_scoped3A : memref<!tpu.dma_semaphore, #tpu.memory_space<semaphore_mem>>)
      tpu.wait_dma2 semaphore(%run_scoped3A : memref<!tpu.dma_semaphore, #tpu.memory_space<semaphore_mem>>) src(%arg8 : memref<128x128xf32, #tpu.memory_space<hbm>>) dst(%arg24 : memref<128x128xf32, #tpu.memory_space<vmem>>)
      tpu.yield
    }) : () -> ()
    %add3A_210 = arith.constant 0 : i32
    %add3A_211 = arith.addi %mul3A_46, %add3A_210 : i32
    "tpu.region"() ({
      %run_scoped3A = tpu.sem_alloc : memref<!tpu.dma_semaphore, #tpu.memory_space<semaphore_mem>>
      %dma_start3A_378 = arith.constant 0 : i32
      %dma_start3A_379 = tpu.memref_slice %arg14[%add3A_211, %dma_start3A_378] : memref<10240x128xf32, #tpu.memory_space<vmem_shared>> -> memref<128x128xf32, #tpu.memory_space<vmem_shared>>
      %dma_start3A_380 = arith.constant 0 : i32
      %dma_start3A_381 = tpu.memref_slice %arg14[%add3A_211, %dma_start3A_380] : memref<10240x128xf32, #tpu.memory_space<vmem_shared>> -> memref<128x128xf32, #tpu.memory_space<vmem_shared>>
      tpu.enqueue_dma source(%arg24 : memref<128x128xf32, #tpu.memory_space<vmem>>) target(%dma_start3A_381 : memref<128x128xf32, #tpu.memory_space<vmem_shared>>) target_semaphore(%run_scoped3A : memref<!tpu.dma_semaphore, #tpu.memory_space<semaphore_mem>>)
      %dma_wait3A_382 = arith.constant 0 : i32
      %dma_wait3A_383 = tpu.memref_slice %arg14[%add3A_211, %dma_wait3A_382] : memref<10240x128xf32, #tpu.memory_space<vmem_shared>> -> memref<128x128xf32, #tpu.memory_space<vmem_shared>>
      %dma_wait3A_384 = arith.constant 0 : i32
      %dma_wait3A_385 = tpu.memref_slice %arg14[%add3A_211, %dma_wait3A_384] : memref<10240x128xf32, #tpu.memory_space<vmem_shared>> -> memref<128x128xf32, #tpu.memory_space<vmem_shared>>
      tpu.wait_dma2 semaphore(%run_scoped3A : memref<!tpu.dma_semaphore, #tpu.memory_space<semaphore_mem>>) src(%arg24 : memref<128x128xf32, #tpu.memory_space<vmem>>) dst(%dma_wait3A_385 : memref<128x128xf32, #tpu.memory_space<vmem_shared>>)
      tpu.yield
    }) : () -> ()
    %add3A_212 = arith.constant 128 : i32
    %add3A_213 = arith.addi %mul3A_46, %add3A_212 : i32
    "tpu.region"() ({
      %run_scoped3A = tpu.sem_alloc : memref<!tpu.dma_semaphore, #tpu.memory_space<semaphore_mem>>
      %dma_start3A_378 = arith.constant 0 : i32
      %dma_start3A_379 = tpu.memref_slice %arg14[%add3A_213, %dma_start3A_378] : memref<10240x128xf32, #tpu.memory_space<vmem_shared>> -> memref<128x128xf32, #tpu.memory_space<vmem_shared>>
      %dma_start3A_380 = arith.constant 0 : i32
      %dma_start3A_381 = tpu.memref_slice %arg14[%add3A_213, %dma_start3A_380] : memref<10240x128xf32, #tpu.memory_space<vmem_shared>> -> memref<128x128xf32, #tpu.memory_space<vmem_shared>>
      tpu.enqueue_dma source(%arg24 : memref<128x128xf32, #tpu.memory_space<vmem>>) target(%dma_start3A_381 : memref<128x128xf32, #tpu.memory_space<vmem_shared>>) target_semaphore(%run_scoped3A : memref<!tpu.dma_semaphore, #tpu.memory_space<semaphore_mem>>)
      %dma_wait3A_382 = arith.constant 0 : i32
      %dma_wait3A_383 = tpu.memref_slice %arg14[%add3A_213, %dma_wait3A_382] : memref<10240x128xf32, #tpu.memory_space<vmem_shared>> -> memref<128x128xf32, #tpu.memory_space<vmem_shared>>
      %dma_wait3A_384 = arith.constant 0 : i32
      %dma_wait3A_385 = tpu.memref_slice %arg14[%add3A_213, %dma_wait3A_384] : memref<10240x128xf32, #tpu.memory_space<vmem_shared>> -> memref<128x128xf32, #tpu.memory_space<vmem_shared>>
      tpu.wait_dma2 semaphore(%run_scoped3A : memref<!tpu.dma_semaphore, #tpu.memory_space<semaphore_mem>>) src(%arg24 : memref<128x128xf32, #tpu.memory_space<vmem>>) dst(%dma_wait3A_385 : memref<128x128xf32, #tpu.memory_space<vmem_shared>>)
      tpu.yield
    }) : () -> ()
    %add3A_214 = arith.constant 256 : i32
    %add3A_215 = arith.addi %mul3A_46, %add3A_214 : i32
    "tpu.region"() ({
      %run_scoped3A = tpu.sem_alloc : memref<!tpu.dma_semaphore, #tpu.memory_space<semaphore_mem>>
      %dma_start3A_378 = arith.constant 0 : i32
      %dma_start3A_379 = tpu.memref_slice %arg14[%add3A_215, %dma_start3A_378] : memref<10240x128xf32, #tpu.memory_space<vmem_shared>> -> memref<128x128xf32, #tpu.memory_space<vmem_shared>>
      %dma_start3A_380 = arith.constant 0 : i32
      %dma_start3A_381 = tpu.memref_slice %arg14[%add3A_215, %dma_start3A_380] : memref<10240x128xf32, #tpu.memory_space<vmem_shared>> -> memref<128x128xf32, #tpu.memory_space<vmem_shared>>
      tpu.enqueue_dma source(%arg24 : memref<128x128xf32, #tpu.memory_space<vmem>>) target(%dma_start3A_381 : memref<128x128xf32, #tpu.memory_space<vmem_shared>>) target_semaphore(%run_scoped3A : memref<!tpu.dma_semaphore, #tpu.memory_space<semaphore_mem>>)
      %dma_wait3A_382 = arith.constant 0 : i32
      %dma_wait3A_383 = tpu.memref_slice %arg14[%add3A_215, %dma_wait3A_382] : memref<10240x128xf32, #tpu.memory_space<vmem_shared>> -> memref<128x128xf32, #tpu.memory_space<vmem_shared>>
      %dma_wait3A_384 = arith.constant 0 : i32
      %dma_wait3A_385 = tpu.memref_slice %arg14[%add3A_215, %dma_wait3A_384] : memref<10240x128xf32, #tpu.memory_space<vmem_shared>> -> memref<128x128xf32, #tpu.memory_space<vmem_shared>>
      tpu.wait_dma2 semaphore(%run_scoped3A : memref<!tpu.dma_semaphore, #tpu.memory_space<semaphore_mem>>) src(%arg24 : memref<128x128xf32, #tpu.memory_space<vmem>>) dst(%dma_wait3A_385 : memref<128x128xf32, #tpu.memory_space<vmem_shared>>)
      tpu.yield
    }) : () -> ()
    %add3A_216 = arith.constant 384 : i32
    %add3A_217 = arith.addi %mul3A_46, %add3A_216 : i32
    "tpu.region"() ({
      %run_scoped3A = tpu.sem_alloc : memref<!tpu.dma_semaphore, #tpu.memory_space<semaphore_mem>>
      %dma_start3A_378 = arith.constant 0 : i32
      %dma_start3A_379 = tpu.memref_slice %arg14[%add3A_217, %dma_start3A_378] : memref<10240x128xf32, #tpu.memory_space<vmem_shared>> -> memref<128x128xf32, #tpu.memory_space<vmem_shared>>
      %dma_start3A_380 = arith.constant 0 : i32
      %dma_start3A_381 = tpu.memref_slice %arg14[%add3A_217, %dma_start3A_380] : memref<10240x128xf32, #tpu.memory_space<vmem_shared>> -> memref<128x128xf32, #tpu.memory_space<vmem_shared>>
      tpu.enqueue_dma source(%arg24 : memref<128x128xf32, #tpu.memory_space<vmem>>) target(%dma_start3A_381 : memref<128x128xf32, #tpu.memory_space<vmem_shared>>) target_semaphore(%run_scoped3A : memref<!tpu.dma_semaphore, #tpu.memory_space<semaphore_mem>>)
      %dma_wait3A_382 = arith.constant 0 : i32
      %dma_wait3A_383 = tpu.memref_slice %arg14[%add3A_217, %dma_wait3A_382] : memref<10240x128xf32, #tpu.memory_space<vmem_shared>> -> memref<128x128xf32, #tpu.memory_space<vmem_shared>>
      %dma_wait3A_384 = arith.constant 0 : i32
      %dma_wait3A_385 = tpu.memref_slice %arg14[%add3A_217, %dma_wait3A_384] : memref<10240x128xf32, #tpu.memory_space<vmem_shared>> -> memref<128x128xf32, #tpu.memory_space<vmem_shared>>
      tpu.wait_dma2 semaphore(%run_scoped3A : memref<!tpu.dma_semaphore, #tpu.memory_space<semaphore_mem>>) src(%arg24 : memref<128x128xf32, #tpu.memory_space<vmem>>) dst(%dma_wait3A_385 : memref<128x128xf32, #tpu.memory_space<vmem_shared>>)
      tpu.yield
    }) : () -> ()
    %add3A_218 = arith.constant 512 : i32
    %add3A_219 = arith.addi %mul3A_46, %add3A_218 : i32
    "tpu.region"() ({
      %run_scoped3A = tpu.sem_alloc : memref<!tpu.dma_semaphore, #tpu.memory_space<semaphore_mem>>
      %dma_start3A_378 = arith.constant 0 : i32
      %dma_start3A_379 = tpu.memref_slice %arg14[%add3A_219, %dma_start3A_378] : memref<10240x128xf32, #tpu.memory_space<vmem_shared>> -> memref<128x128xf32, #tpu.memory_space<vmem_shared>>
      %dma_start3A_380 = arith.constant 0 : i32
      %dma_start3A_381 = tpu.memref_slice %arg14[%add3A_219, %dma_start3A_380] : memref<10240x128xf32, #tpu.memory_space<vmem_shared>> -> memref<128x128xf32, #tpu.memory_space<vmem_shared>>
      tpu.enqueue_dma source(%arg24 : memref<128x128xf32, #tpu.memory_space<vmem>>) target(%dma_start3A_381 : memref<128x128xf32, #tpu.memory_space<vmem_shared>>) target_semaphore(%run_scoped3A : memref<!tpu.dma_semaphore, #tpu.memory_space<semaphore_mem>>)
      %dma_wait3A_382 = arith.constant 0 : i32
      %dma_wait3A_383 = tpu.memref_slice %arg14[%add3A_219, %dma_wait3A_382] : memref<10240x128xf32, #tpu.memory_space<vmem_shared>> -> memref<128x128xf32, #tpu.memory_space<vmem_shared>>
      %dma_wait3A_384 = arith.constant 0 : i32
      %dma_wait3A_385 = tpu.memref_slice %arg14[%add3A_219, %dma_wait3A_384] : memref<10240x128xf32, #tpu.memory_space<vmem_shared>> -> memref<128x128xf32, #tpu.memory_space<vmem_shared>>
      tpu.wait_dma2 semaphore(%run_scoped3A : memref<!tpu.dma_semaphore, #tpu.memory_space<semaphore_mem>>) src(%arg24 : memref<128x128xf32, #tpu.memory_space<vmem>>) dst(%dma_wait3A_385 : memref<128x128xf32, #tpu.memory_space<vmem_shared>>)
      tpu.yield
    }) : () -> ()
    "tpu.region"() ({
      %run_scoped3A = tpu.sem_alloc : memref<!tpu.dma_semaphore, #tpu.memory_space<semaphore_mem>>
      tpu.enqueue_dma source(%arg9 : memref<640xf32, #tpu.memory_space<hbm>>) target(%arg27 : memref<640xf32, #tpu.memory_space<vmem>>) target_semaphore(%run_scoped3A : memref<!tpu.dma_semaphore, #tpu.memory_space<semaphore_mem>>)
      tpu.wait_dma2 semaphore(%run_scoped3A : memref<!tpu.dma_semaphore, #tpu.memory_space<semaphore_mem>>) src(%arg9 : memref<640xf32, #tpu.memory_space<hbm>>) dst(%arg27 : memref<640xf32, #tpu.memory_space<vmem>>)
      tpu.yield
    }) : () -> ()
    "tpu.region"() ({
      %run_scoped3A = tpu.sem_alloc : memref<!tpu.dma_semaphore, #tpu.memory_space<semaphore_mem>>
      %dma_start3A_378 = tpu.memref_slice %arg15[%mul3A_46] : memref<10240xf32, #tpu.memory_space<vmem_shared>> -> memref<640xf32, #tpu.memory_space<vmem_shared>>
      %dma_start3A_379 = tpu.memref_slice %arg15[%mul3A_46] : memref<10240xf32, #tpu.memory_space<vmem_shared>> -> memref<640xf32, #tpu.memory_space<vmem_shared>>
      tpu.enqueue_dma source(%arg27 : memref<640xf32, #tpu.memory_space<vmem>>) target(%dma_start3A_379 : memref<640xf32, #tpu.memory_space<vmem_shared>>) target_semaphore(%run_scoped3A : memref<!tpu.dma_semaphore, #tpu.memory_space<semaphore_mem>>)
      %dma_wait3A_380 = tpu.memref_slice %arg15[%mul3A_46] : memref<10240xf32, #tpu.memory_space<vmem_shared>> -> memref<640xf32, #tpu.memory_space<vmem_shared>>
      %dma_wait3A_381 = tpu.memref_slice %arg15[%mul3A_46] : memref<10240xf32, #tpu.memory_space<vmem_shared>> -> memref<640xf32, #tpu.memory_space<vmem_shared>>
      tpu.wait_dma2 semaphore(%run_scoped3A : memref<!tpu.dma_semaphore, #tpu.memory_space<semaphore_mem>>) src(%arg27 : memref<640xf32, #tpu.memory_space<vmem>>) dst(%dma_wait3A_381 : memref<640xf32, #tpu.memory_space<vmem_shared>>)
      tpu.yield
    }) : () -> ()
    %barrier3A_220 = arith.constant 0 : index
    tpu.barrier barrier_id(%barrier3A_220)
    %mul3A_221 = arith.constant 16 : i32
    %mul3A_222 = arith.muli %arg0, %mul3A_221 : i32
    %add3A_223 = arith.addi %mul3A_222, %arg1 : i32
    %mul3A_224 = arith.constant 80 : i32
    %mul3A_225 = arith.muli %add3A_223, %mul3A_224 : i32
    %mul3A_226 = arith.constant 128 : i32
    %mul3A_227 = arith.muli %mul3A_225, %mul3A_226 : i32
    %add3A_228 = arith.constant 0 : i32
    %add3A_229 = arith.addi %mul3A_227, %add3A_228 : i32
    %dma_start3A_230 = tpu.memref_slice %arg6[%add3A_229] : memref<327680xi32, #tpu.memory_space<hbm>> -> memref<128xi32, #tpu.memory_space<hbm>>
    %dma_start3A_231 = tpu.memref_slice %arg6[%add3A_229] : memref<327680xi32, #tpu.memory_space<hbm>> -> memref<128xi32, #tpu.memory_space<hbm>>
    tpu.enqueue_dma source(%dma_start3A_231 : memref<128xi32, #tpu.memory_space<hbm>>) target(%arg16 : memref<128xi32, #tpu.memory_space<vmem>>) target_semaphore(%arg30 : memref<!tpu.dma_semaphore, #tpu.memory_space<semaphore_mem>>)
    %add3A_232 = arith.constant 0 : i32
    %add3A_233 = arith.addi %mul3A_227, %add3A_232 : i32
    %dma_start3A_234 = tpu.memref_slice %arg7[%add3A_233] : memref<327680xi32, #tpu.memory_space<hbm>> -> memref<128xi32, #tpu.memory_space<hbm>>
    %dma_start3A_235 = tpu.memref_slice %arg7[%add3A_233] : memref<327680xi32, #tpu.memory_space<hbm>> -> memref<128xi32, #tpu.memory_space<hbm>>
    tpu.enqueue_dma source(%dma_start3A_235 : memref<128xi32, #tpu.memory_space<hbm>>) target(%arg20 : memref<128xi32, #tpu.memory_space<vmem>>) target_semaphore(%arg30 : memref<!tpu.dma_semaphore, #tpu.memory_space<semaphore_mem>>)
    %add3A_236 = arith.constant 128 : i32
    %add3A_237 = arith.addi %mul3A_227, %add3A_236 : i32
    %dma_start3A_238 = tpu.memref_slice %arg6[%add3A_237] : memref<327680xi32, #tpu.memory_space<hbm>> -> memref<128xi32, #tpu.memory_space<hbm>>
    %dma_start3A_239 = tpu.memref_slice %arg6[%add3A_237] : memref<327680xi32, #tpu.memory_space<hbm>> -> memref<128xi32, #tpu.memory_space<hbm>>
    tpu.enqueue_dma source(%dma_start3A_239 : memref<128xi32, #tpu.memory_space<hbm>>) target(%arg17 : memref<128xi32, #tpu.memory_space<vmem>>) target_semaphore(%arg31 : memref<!tpu.dma_semaphore, #tpu.memory_space<semaphore_mem>>)
    %add3A_240 = arith.constant 128 : i32
    %add3A_241 = arith.addi %mul3A_227, %add3A_240 : i32
    %dma_start3A_242 = tpu.memref_slice %arg7[%add3A_241] : memref<327680xi32, #tpu.memory_space<hbm>> -> memref<128xi32, #tpu.memory_space<hbm>>
    %dma_start3A_243 = tpu.memref_slice %arg7[%add3A_241] : memref<327680xi32, #tpu.memory_space<hbm>> -> memref<128xi32, #tpu.memory_space<hbm>>
    tpu.enqueue_dma source(%dma_start3A_243 : memref<128xi32, #tpu.memory_space<hbm>>) target(%arg21 : memref<128xi32, #tpu.memory_space<vmem>>) target_semaphore(%arg31 : memref<!tpu.dma_semaphore, #tpu.memory_space<semaphore_mem>>)
    %add3A_244 = arith.constant 256 : i32
    %add3A_245 = arith.addi %mul3A_227, %add3A_244 : i32
    %dma_start3A_246 = tpu.memref_slice %arg6[%add3A_245] : memref<327680xi32, #tpu.memory_space<hbm>> -> memref<128xi32, #tpu.memory_space<hbm>>
    %dma_start3A_247 = tpu.memref_slice %arg6[%add3A_245] : memref<327680xi32, #tpu.memory_space<hbm>> -> memref<128xi32, #tpu.memory_space<hbm>>
    tpu.enqueue_dma source(%dma_start3A_247 : memref<128xi32, #tpu.memory_space<hbm>>) target(%arg18 : memref<128xi32, #tpu.memory_space<vmem>>) target_semaphore(%arg32 : memref<!tpu.dma_semaphore, #tpu.memory_space<semaphore_mem>>)
    %add3A_248 = arith.constant 256 : i32
    %add3A_249 = arith.addi %mul3A_227, %add3A_248 : i32
    %dma_start3A_250 = tpu.memref_slice %arg7[%add3A_249] : memref<327680xi32, #tpu.memory_space<hbm>> -> memref<128xi32, #tpu.memory_space<hbm>>
    %dma_start3A_251 = tpu.memref_slice %arg7[%add3A_249] : memref<327680xi32, #tpu.memory_space<hbm>> -> memref<128xi32, #tpu.memory_space<hbm>>
    tpu.enqueue_dma source(%dma_start3A_251 : memref<128xi32, #tpu.memory_space<hbm>>) target(%arg22 : memref<128xi32, #tpu.memory_space<vmem>>) target_semaphore(%arg32 : memref<!tpu.dma_semaphore, #tpu.memory_space<semaphore_mem>>)
    %dma_wait3A_252 = tpu.memref_slice %arg6[%mul3A_227] : memref<327680xi32, #tpu.memory_space<hbm>> -> memref<128xi32, #tpu.memory_space<hbm>>
    %dma_wait3A_253 = tpu.memref_slice %arg6[%mul3A_227] : memref<327680xi32, #tpu.memory_space<hbm>> -> memref<128xi32, #tpu.memory_space<hbm>>
    tpu.wait_dma2 semaphore(%arg30 : memref<!tpu.dma_semaphore, #tpu.memory_space<semaphore_mem>>) src(%dma_wait3A_253 : memref<128xi32, #tpu.memory_space<hbm>>) dst(%arg16 : memref<128xi32, #tpu.memory_space<vmem>>)
    %dma_wait3A_254 = tpu.memref_slice %arg7[%mul3A_227] : memref<327680xi32, #tpu.memory_space<hbm>> -> memref<128xi32, #tpu.memory_space<hbm>>
    %dma_wait3A_255 = tpu.memref_slice %arg7[%mul3A_227] : memref<327680xi32, #tpu.memory_space<hbm>> -> memref<128xi32, #tpu.memory_space<hbm>>
    tpu.wait_dma2 semaphore(%arg30 : memref<!tpu.dma_semaphore, #tpu.memory_space<semaphore_mem>>) src(%dma_wait3A_255 : memref<128xi32, #tpu.memory_space<hbm>>) dst(%arg20 : memref<128xi32, #tpu.memory_space<vmem>>)
    %dma_start3A_256 = arith.constant 0 : i32
    %dma_start3A_257 = arith.constant 0 : i32
    %dma_start3A_258 = tpu.memref_slice %arg3[%dma_start3A_256, %dma_start3A_257] : memref<10000x128xf32, #tpu.memory_space<hbm>> -> memref<10000x128xf32, #tpu.memory_space<hbm>>
    tpu.enqueue_indirect_dma source(%dma_start3A_258 : memref<10000x128xf32, #tpu.memory_space<hbm>>) target(%arg24 : memref<128x128xf32, #tpu.memory_space<vmem>>) offsets(%arg16 : memref<128xi32, #tpu.memory_space<vmem>>) semaphore(%arg28 : memref<!tpu.dma_semaphore, #tpu.memory_space<semaphore_mem>>)
    %dma_wait3A_259 = tpu.memref_slice %arg6[%mul3A_227] : memref<327680xi32, #tpu.memory_space<hbm>> -> memref<128xi32, #tpu.memory_space<hbm>>
    %dma_wait3A_260 = tpu.memref_slice %arg6[%mul3A_227] : memref<327680xi32, #tpu.memory_space<hbm>> -> memref<128xi32, #tpu.memory_space<hbm>>
    tpu.wait_dma2 semaphore(%arg31 : memref<!tpu.dma_semaphore, #tpu.memory_space<semaphore_mem>>) src(%dma_wait3A_260 : memref<128xi32, #tpu.memory_space<hbm>>) dst(%arg17 : memref<128xi32, #tpu.memory_space<vmem>>)
    %dma_wait3A_261 = tpu.memref_slice %arg7[%mul3A_227] : memref<327680xi32, #tpu.memory_space<hbm>> -> memref<128xi32, #tpu.memory_space<hbm>>
    %dma_wait3A_262 = tpu.memref_slice %arg7[%mul3A_227] : memref<327680xi32, #tpu.memory_space<hbm>> -> memref<128xi32, #tpu.memory_space<hbm>>
    tpu.wait_dma2 semaphore(%arg31 : memref<!tpu.dma_semaphore, #tpu.memory_space<semaphore_mem>>) src(%dma_wait3A_262 : memref<128xi32, #tpu.memory_space<hbm>>) dst(%arg21 : memref<128xi32, #tpu.memory_space<vmem>>)
    %dma_start3A_263 = arith.constant 0 : i32
    %dma_start3A_264 = arith.constant 0 : i32
    %dma_start3A_265 = tpu.memref_slice %arg3[%dma_start3A_263, %dma_start3A_264] : memref<10000x128xf32, #tpu.memory_space<hbm>> -> memref<10000x128xf32, #tpu.memory_space<hbm>>
    tpu.enqueue_indirect_dma source(%dma_start3A_265 : memref<10000x128xf32, #tpu.memory_space<hbm>>) target(%arg25 : memref<128x128xf32, #tpu.memory_space<vmem>>) offsets(%arg17 : memref<128xi32, #tpu.memory_space<vmem>>) semaphore(%arg29 : memref<!tpu.dma_semaphore, #tpu.memory_space<semaphore_mem>>)
    %dma_wait3A_266 = arith.constant 0 : i32
    %dma_wait3A_267 = arith.constant 0 : i32
    %dma_wait3A_268 = tpu.memref_slice %arg3[%dma_wait3A_266, %dma_wait3A_267] : memref<10000x128xf32, #tpu.memory_space<hbm>> -> memref<10000x128xf32, #tpu.memory_space<hbm>>
    tpu.wait_indirect_dma semaphore(%arg28 : memref<!tpu.dma_semaphore, #tpu.memory_space<semaphore_mem>>) src(%dma_wait3A_268 : memref<10000x128xf32, #tpu.memory_space<hbm>>) dst(%arg24 : memref<128x128xf32, #tpu.memory_space<vmem>>)
    %dma_start3A_269 = arith.constant 0 : i32
    %dma_start3A_270 = arith.constant 0 : i32
    %dma_start3A_271 = tpu.memref_slice %arg14[%dma_start3A_269, %dma_start3A_270] : memref<10240x128xf32, #tpu.memory_space<vmem_shared>> -> memref<10240x128xf32, #tpu.memory_space<vmem_shared>>
    tpu.enqueue_indirect_dma source(%arg24 : memref<128x128xf32, #tpu.memory_space<vmem>>) target(%dma_start3A_271 : memref<10240x128xf32, #tpu.memory_space<vmem_shared>>) offsets(%arg20 : memref<128xi32, #tpu.memory_space<vmem>>) semaphore(%arg34 : memref<!tpu.dma_semaphore, #tpu.memory_space<semaphore_mem>>) {add = true}
    %dma_start3A_272 = arith.constant 0 : i32
    %dma_start3A_273 = tpu.memref_slice %arg15[%dma_start3A_272] : memref<10240xf32, #tpu.memory_space<vmem_shared>> -> memref<10240xf32, #tpu.memory_space<vmem_shared>>
    tpu.enqueue_indirect_dma source(%arg26 : memref<128xf32, #tpu.memory_space<vmem>>) target(%dma_start3A_273 : memref<10240xf32, #tpu.memory_space<vmem_shared>>) offsets(%arg20 : memref<128xi32, #tpu.memory_space<vmem>>) semaphore(%arg34 : memref<!tpu.dma_semaphore, #tpu.memory_space<semaphore_mem>>) {add = true}
    %add3A_274 = arith.constant 384 : i32
    %add3A_275 = arith.addi %mul3A_227, %add3A_274 : i32
    %dma_start3A_276 = tpu.memref_slice %arg6[%add3A_275] : memref<327680xi32, #tpu.memory_space<hbm>> -> memref<128xi32, #tpu.memory_space<hbm>>
    %dma_start3A_277 = tpu.memref_slice %arg6[%add3A_275] : memref<327680xi32, #tpu.memory_space<hbm>> -> memref<128xi32, #tpu.memory_space<hbm>>
    tpu.enqueue_dma source(%dma_start3A_277 : memref<128xi32, #tpu.memory_space<hbm>>) target(%arg19 : memref<128xi32, #tpu.memory_space<vmem>>) target_semaphore(%arg33 : memref<!tpu.dma_semaphore, #tpu.memory_space<semaphore_mem>>)
    %add3A_278 = arith.constant 384 : i32
    %add3A_279 = arith.addi %mul3A_227, %add3A_278 : i32
    %dma_start3A_280 = tpu.memref_slice %arg7[%add3A_279] : memref<327680xi32, #tpu.memory_space<hbm>> -> memref<128xi32, #tpu.memory_space<hbm>>
    %dma_start3A_281 = tpu.memref_slice %arg7[%add3A_279] : memref<327680xi32, #tpu.memory_space<hbm>> -> memref<128xi32, #tpu.memory_space<hbm>>
    tpu.enqueue_dma source(%dma_start3A_281 : memref<128xi32, #tpu.memory_space<hbm>>) target(%arg23 : memref<128xi32, #tpu.memory_space<vmem>>) target_semaphore(%arg33 : memref<!tpu.dma_semaphore, #tpu.memory_space<semaphore_mem>>)
    %dma_wait3A_282 = tpu.memref_slice %arg6[%mul3A_227] : memref<327680xi32, #tpu.memory_space<hbm>> -> memref<128xi32, #tpu.memory_space<hbm>>
    %dma_wait3A_283 = tpu.memref_slice %arg6[%mul3A_227] : memref<327680xi32, #tpu.memory_space<hbm>> -> memref<128xi32, #tpu.memory_space<hbm>>
    tpu.wait_dma2 semaphore(%arg32 : memref<!tpu.dma_semaphore, #tpu.memory_space<semaphore_mem>>) src(%dma_wait3A_283 : memref<128xi32, #tpu.memory_space<hbm>>) dst(%arg18 : memref<128xi32, #tpu.memory_space<vmem>>)
    %dma_wait3A_284 = tpu.memref_slice %arg7[%mul3A_227] : memref<327680xi32, #tpu.memory_space<hbm>> -> memref<128xi32, #tpu.memory_space<hbm>>
    %dma_wait3A_285 = tpu.memref_slice %arg7[%mul3A_227] : memref<327680xi32, #tpu.memory_space<hbm>> -> memref<128xi32, #tpu.memory_space<hbm>>
    tpu.wait_dma2 semaphore(%arg32 : memref<!tpu.dma_semaphore, #tpu.memory_space<semaphore_mem>>) src(%dma_wait3A_285 : memref<128xi32, #tpu.memory_space<hbm>>) dst(%arg22 : memref<128xi32, #tpu.memory_space<vmem>>)
    %dma_wait3A_286 = arith.constant 0 : i32
    %dma_wait3A_287 = arith.constant 0 : i32
    %dma_wait3A_288 = tpu.memref_slice %arg14[%dma_wait3A_286, %dma_wait3A_287] : memref<10240x128xf32, #tpu.memory_space<vmem_shared>> -> memref<10240x128xf32, #tpu.memory_space<vmem_shared>>
    tpu.wait_indirect_dma semaphore(%arg34 : memref<!tpu.dma_semaphore, #tpu.memory_space<semaphore_mem>>) src(%arg24 : memref<128x128xf32, #tpu.memory_space<vmem>>) dst(%dma_wait3A_288 : memref<10240x128xf32, #tpu.memory_space<vmem_shared>>)
    %dma_wait3A_289 = arith.constant 0 : i32
    %dma_wait3A_290 = tpu.memref_slice %arg15[%dma_wait3A_289] : memref<10240xf32, #tpu.memory_space<vmem_shared>> -> memref<10240xf32, #tpu.memory_space<vmem_shared>>
    tpu.wait_indirect_dma semaphore(%arg34 : memref<!tpu.dma_semaphore, #tpu.memory_space<semaphore_mem>>) src(%arg26 : memref<128xf32, #tpu.memory_space<vmem>>) dst(%dma_wait3A_290 : memref<10240xf32, #tpu.memory_space<vmem_shared>>)
    %dma_start3A_291 = arith.constant 0 : i32
    %dma_start3A_292 = arith.constant 0 : i32
    %dma_start3A_293 = tpu.memref_slice %arg3[%dma_start3A_291, %dma_start3A_292] : memref<10000x128xf32, #tpu.memory_space<hbm>> -> memref<10000x128xf32, #tpu.memory_space<hbm>>
    tpu.enqueue_indirect_dma source(%dma_start3A_293 : memref<10000x128xf32, #tpu.memory_space<hbm>>) target(%arg24 : memref<128x128xf32, #tpu.memory_space<vmem>>) offsets(%arg18 : memref<128xi32, #tpu.memory_space<vmem>>) semaphore(%arg28 : memref<!tpu.dma_semaphore, #tpu.memory_space<semaphore_mem>>)
    %dma_wait3A_294 = arith.constant 0 : i32
    %dma_wait3A_295 = arith.constant 0 : i32
    %dma_wait3A_296 = tpu.memref_slice %arg3[%dma_wait3A_294, %dma_wait3A_295] : memref<10000x128xf32, #tpu.memory_space<hbm>> -> memref<10000x128xf32, #tpu.memory_space<hbm>>
    tpu.wait_indirect_dma semaphore(%arg29 : memref<!tpu.dma_semaphore, #tpu.memory_space<semaphore_mem>>) src(%dma_wait3A_296 : memref<10000x128xf32, #tpu.memory_space<hbm>>) dst(%arg25 : memref<128x128xf32, #tpu.memory_space<vmem>>)
    %dma_start3A_297 = arith.constant 0 : i32
    %dma_start3A_298 = arith.constant 0 : i32
    %dma_start3A_299 = tpu.memref_slice %arg14[%dma_start3A_297, %dma_start3A_298] : memref<10240x128xf32, #tpu.memory_space<vmem_shared>> -> memref<10240x128xf32, #tpu.memory_space<vmem_shared>>
    tpu.enqueue_indirect_dma source(%arg25 : memref<128x128xf32, #tpu.memory_space<vmem>>) target(%dma_start3A_299 : memref<10240x128xf32, #tpu.memory_space<vmem_shared>>) offsets(%arg21 : memref<128xi32, #tpu.memory_space<vmem>>) semaphore(%arg35 : memref<!tpu.dma_semaphore, #tpu.memory_space<semaphore_mem>>) {add = true}
    %dma_start3A_300 = arith.constant 0 : i32
    %dma_start3A_301 = tpu.memref_slice %arg15[%dma_start3A_300] : memref<10240xf32, #tpu.memory_space<vmem_shared>> -> memref<10240xf32, #tpu.memory_space<vmem_shared>>
    tpu.enqueue_indirect_dma source(%arg26 : memref<128xf32, #tpu.memory_space<vmem>>) target(%dma_start3A_301 : memref<10240xf32, #tpu.memory_space<vmem_shared>>) offsets(%arg21 : memref<128xi32, #tpu.memory_space<vmem>>) semaphore(%arg35 : memref<!tpu.dma_semaphore, #tpu.memory_space<semaphore_mem>>) {add = true}
    %add3A_302 = arith.constant 512 : i32
    %add3A_303 = arith.addi %mul3A_227, %add3A_302 : i32
    %dma_start3A_304 = tpu.memref_slice %arg6[%add3A_303] : memref<327680xi32, #tpu.memory_space<hbm>> -> memref<128xi32, #tpu.memory_space<hbm>>
    %dma_start3A_305 = tpu.memref_slice %arg6[%add3A_303] : memref<327680xi32, #tpu.memory_space<hbm>> -> memref<128xi32, #tpu.memory_space<hbm>>
    tpu.enqueue_dma source(%dma_start3A_305 : memref<128xi32, #tpu.memory_space<hbm>>) target(%arg16 : memref<128xi32, #tpu.memory_space<vmem>>) target_semaphore(%arg30 : memref<!tpu.dma_semaphore, #tpu.memory_space<semaphore_mem>>)
    %add3A_306 = arith.constant 512 : i32
    %add3A_307 = arith.addi %mul3A_227, %add3A_306 : i32
    %dma_start3A_308 = tpu.memref_slice %arg7[%add3A_307] : memref<327680xi32, #tpu.memory_space<hbm>> -> memref<128xi32, #tpu.memory_space<hbm>>
    %dma_start3A_309 = tpu.memref_slice %arg7[%add3A_307] : memref<327680xi32, #tpu.memory_space<hbm>> -> memref<128xi32, #tpu.memory_space<hbm>>
    tpu.enqueue_dma source(%dma_start3A_309 : memref<128xi32, #tpu.memory_space<hbm>>) target(%arg20 : memref<128xi32, #tpu.memory_space<vmem>>) target_semaphore(%arg30 : memref<!tpu.dma_semaphore, #tpu.memory_space<semaphore_mem>>)
    %dma_wait3A_310 = tpu.memref_slice %arg6[%mul3A_227] : memref<327680xi32, #tpu.memory_space<hbm>> -> memref<128xi32, #tpu.memory_space<hbm>>
    %dma_wait3A_311 = tpu.memref_slice %arg6[%mul3A_227] : memref<327680xi32, #tpu.memory_space<hbm>> -> memref<128xi32, #tpu.memory_space<hbm>>
    tpu.wait_dma2 semaphore(%arg33 : memref<!tpu.dma_semaphore, #tpu.memory_space<semaphore_mem>>) src(%dma_wait3A_311 : memref<128xi32, #tpu.memory_space<hbm>>) dst(%arg19 : memref<128xi32, #tpu.memory_space<vmem>>)
    %dma_wait3A_312 = tpu.memref_slice %arg7[%mul3A_227] : memref<327680xi32, #tpu.memory_space<hbm>> -> memref<128xi32, #tpu.memory_space<hbm>>
    %dma_wait3A_313 = tpu.memref_slice %arg7[%mul3A_227] : memref<327680xi32, #tpu.memory_space<hbm>> -> memref<128xi32, #tpu.memory_space<hbm>>
    tpu.wait_dma2 semaphore(%arg33 : memref<!tpu.dma_semaphore, #tpu.memory_space<semaphore_mem>>) src(%dma_wait3A_313 : memref<128xi32, #tpu.memory_space<hbm>>) dst(%arg23 : memref<128xi32, #tpu.memory_space<vmem>>)
    %dma_wait3A_314 = arith.constant 0 : i32
    %dma_wait3A_315 = arith.constant 0 : i32
    %dma_wait3A_316 = tpu.memref_slice %arg14[%dma_wait3A_314, %dma_wait3A_315] : memref<10240x128xf32, #tpu.memory_space<vmem_shared>> -> memref<10240x128xf32, #tpu.memory_space<vmem_shared>>
    tpu.wait_indirect_dma semaphore(%arg35 : memref<!tpu.dma_semaphore, #tpu.memory_space<semaphore_mem>>) src(%arg25 : memref<128x128xf32, #tpu.memory_space<vmem>>) dst(%dma_wait3A_316 : memref<10240x128xf32, #tpu.memory_space<vmem_shared>>)
    %dma_wait3A_317 = arith.constant 0 : i32
    %dma_wait3A_318 = tpu.memref_slice %arg15[%dma_wait3A_317] : memref<10240xf32, #tpu.memory_space<vmem_shared>> -> memref<10240xf32, #tpu.memory_space<vmem_shared>>
    tpu.wait_indirect_dma semaphore(%arg35 : memref<!tpu.dma_semaphore, #tpu.memory_space<semaphore_mem>>) src(%arg26 : memref<128xf32, #tpu.memory_space<vmem>>) dst(%dma_wait3A_318 : memref<10240xf32, #tpu.memory_space<vmem_shared>>)
    %dma_start3A_319 = arith.constant 0 : i32
    %dma_start3A_320 = arith.constant 0 : i32
    %dma_start3A_321 = tpu.memref_slice %arg3[%dma_start3A_319, %dma_start3A_320] : memref<10000x128xf32, #tpu.memory_space<hbm>> -> memref<10000x128xf32, #tpu.memory_space<hbm>>
    tpu.enqueue_indirect_dma source(%dma_start3A_321 : memref<10000x128xf32, #tpu.memory_space<hbm>>) target(%arg25 : memref<128x128xf32, #tpu.memory_space<vmem>>) offsets(%arg19 : memref<128xi32, #tpu.memory_space<vmem>>) semaphore(%arg29 : memref<!tpu.dma_semaphore, #tpu.memory_space<semaphore_mem>>)
    %dma_wait3A_322 = arith.constant 0 : i32
    %dma_wait3A_323 = arith.constant 0 : i32
    %dma_wait3A_324 = tpu.memref_slice %arg3[%dma_wait3A_322, %dma_wait3A_323] : memref<10000x128xf32, #tpu.memory_space<hbm>> -> memref<10000x128xf32, #tpu.memory_space<hbm>>
    tpu.wait_indirect_dma semaphore(%arg28 : memref<!tpu.dma_semaphore, #tpu.memory_space<semaphore_mem>>) src(%dma_wait3A_324 : memref<10000x128xf32, #tpu.memory_space<hbm>>) dst(%arg24 : memref<128x128xf32, #tpu.memory_space<vmem>>)
    %dma_start3A_325 = arith.constant 0 : i32
    %dma_start3A_326 = arith.constant 0 : i32
    %dma_start3A_327 = tpu.memref_slice %arg14[%dma_start3A_325, %dma_start3A_326] : memref<10240x128xf32, #tpu.memory_space<vmem_shared>> -> memref<10240x128xf32, #tpu.memory_space<vmem_shared>>
    tpu.enqueue_indirect_dma source(%arg24 : memref<128x128xf32, #tpu.memory_space<vmem>>) target(%dma_start3A_327 : memref<10240x128xf32, #tpu.memory_space<vmem_shared>>) offsets(%arg22 : memref<128xi32, #tpu.memory_space<vmem>>) semaphore(%arg34 : memref<!tpu.dma_semaphore, #tpu.memory_space<semaphore_mem>>) {add = true}
    %dma_start3A_328 = arith.constant 0 : i32
    %dma_start3A_329 = tpu.memref_slice %arg15[%dma_start3A_328] : memref<10240xf32, #tpu.memory_space<vmem_shared>> -> memref<10240xf32, #tpu.memory_space<vmem_shared>>
    tpu.enqueue_indirect_dma source(%arg26 : memref<128xf32, #tpu.memory_space<vmem>>) target(%dma_start3A_329 : memref<10240xf32, #tpu.memory_space<vmem_shared>>) offsets(%arg22 : memref<128xi32, #tpu.memory_space<vmem>>) semaphore(%arg34 : memref<!tpu.dma_semaphore, #tpu.memory_space<semaphore_mem>>) {add = true}
    %scan3A_330 = arith.constant 0 : i32
    %scan3A_331 = arith.constant 1 : i32
    %scan3A_332 = arith.constant 19 : i32
    %scan3A_333 = arith.addi %scan3A_331, %scan3A_332 : i32
    %scan3A_334 = arith.constant 1 : i32
    scf.for %scan3A_378 = %scan3A_331 to %scan3A_333 step %scan3A_334  : i32 {
      %mul3A_379 = arith.constant 4 : i32
      %mul3A_380 = arith.muli %mul3A_379, %scan3A_378 : i32
      %add3A_381 = arith.constant 0 : i32
      %add3A_382 = arith.addi %mul3A_380, %add3A_381 : i32
      %add3A_383 = arith.constant 1 : i32
      %add3A_384 = arith.addi %add3A_382, %add3A_383 : i32
      %lt3A = arith.constant 80 : i32
      %lt3A_385 = arith.cmpi slt, %add3A_384, %lt3A : i32
      %convert_element_type3A = arith.extui %lt3A_385 : i1 to i32
      %cond3A = arith.constant 0 : i32
      %cond3A_386 = arith.cmpi ne, %convert_element_type3A, %cond3A : i32
      scf.if %cond3A_386 {
        %add3A_500 = arith.constant 1 : i32
        %add3A_501 = arith.addi %add3A_382, %add3A_500 : i32
        %mul3A_502 = arith.constant 128 : i32
        %mul3A_503 = arith.muli %add3A_501, %mul3A_502 : i32
        %add3A_504 = arith.addi %mul3A_227, %mul3A_503 : i32
        %dma_start3A_505 = tpu.memref_slice %arg6[%add3A_504] : memref<327680xi32, #tpu.memory_space<hbm>> -> memref<128xi32, #tpu.memory_space<hbm>>
        %dma_start3A_506 = tpu.memref_slice %arg6[%add3A_504] : memref<327680xi32, #tpu.memory_space<hbm>> -> memref<128xi32, #tpu.memory_space<hbm>>
        tpu.enqueue_dma source(%dma_start3A_506 : memref<128xi32, #tpu.memory_space<hbm>>) target(%arg17 : memref<128xi32, #tpu.memory_space<vmem>>) target_semaphore(%arg31 : memref<!tpu.dma_semaphore, #tpu.memory_space<semaphore_mem>>)
        %mul3A_507 = arith.constant 128 : i32
        %mul3A_508 = arith.muli %add3A_501, %mul3A_507 : i32
        %add3A_509 = arith.addi %mul3A_227, %mul3A_508 : i32
        %dma_start3A_510 = tpu.memref_slice %arg7[%add3A_509] : memref<327680xi32, #tpu.memory_space<hbm>> -> memref<128xi32, #tpu.memory_space<hbm>>
        %dma_start3A_511 = tpu.memref_slice %arg7[%add3A_509] : memref<327680xi32, #tpu.memory_space<hbm>> -> memref<128xi32, #tpu.memory_space<hbm>>
        tpu.enqueue_dma source(%dma_start3A_511 : memref<128xi32, #tpu.memory_space<hbm>>) target(%arg21 : memref<128xi32, #tpu.memory_space<vmem>>) target_semaphore(%arg31 : memref<!tpu.dma_semaphore, #tpu.memory_space<semaphore_mem>>)
      } else {
      }
      %dma_wait3A_387 = tpu.memref_slice %arg6[%mul3A_227] : memref<327680xi32, #tpu.memory_space<hbm>> -> memref<128xi32, #tpu.memory_space<hbm>>
      %dma_wait3A_388 = tpu.memref_slice %arg6[%mul3A_227] : memref<327680xi32, #tpu.memory_space<hbm>> -> memref<128xi32, #tpu.memory_space<hbm>>
      tpu.wait_dma2 semaphore(%arg30 : memref<!tpu.dma_semaphore, #tpu.memory_space<semaphore_mem>>) src(%dma_wait3A_388 : memref<128xi32, #tpu.memory_space<hbm>>) dst(%arg16 : memref<128xi32, #tpu.memory_space<vmem>>)
      %dma_wait3A_389 = tpu.memref_slice %arg7[%mul3A_227] : memref<327680xi32, #tpu.memory_space<hbm>> -> memref<128xi32, #tpu.memory_space<hbm>>
      %dma_wait3A_390 = tpu.memref_slice %arg7[%mul3A_227] : memref<327680xi32, #tpu.memory_space<hbm>> -> memref<128xi32, #tpu.memory_space<hbm>>
      tpu.wait_dma2 semaphore(%arg30 : memref<!tpu.dma_semaphore, #tpu.memory_space<semaphore_mem>>) src(%dma_wait3A_390 : memref<128xi32, #tpu.memory_space<hbm>>) dst(%arg20 : memref<128xi32, #tpu.memory_space<vmem>>)
      %dma_wait3A_391 = arith.constant 0 : i32
      %dma_wait3A_392 = arith.constant 0 : i32
      %dma_wait3A_393 = tpu.memref_slice %arg14[%dma_wait3A_391, %dma_wait3A_392] : memref<10240x128xf32, #tpu.memory_space<vmem_shared>> -> memref<10240x128xf32, #tpu.memory_space<vmem_shared>>
      tpu.wait_indirect_dma semaphore(%arg34 : memref<!tpu.dma_semaphore, #tpu.memory_space<semaphore_mem>>) src(%arg24 : memref<128x128xf32, #tpu.memory_space<vmem>>) dst(%dma_wait3A_393 : memref<10240x128xf32, #tpu.memory_space<vmem_shared>>)
      %dma_wait3A_394 = arith.constant 0 : i32
      %dma_wait3A_395 = tpu.memref_slice %arg15[%dma_wait3A_394] : memref<10240xf32, #tpu.memory_space<vmem_shared>> -> memref<10240xf32, #tpu.memory_space<vmem_shared>>
      tpu.wait_indirect_dma semaphore(%arg34 : memref<!tpu.dma_semaphore, #tpu.memory_space<semaphore_mem>>) src(%arg26 : memref<128xf32, #tpu.memory_space<vmem>>) dst(%dma_wait3A_395 : memref<10240xf32, #tpu.memory_space<vmem_shared>>)
      %dma_start3A_396 = arith.constant 0 : i32
      %dma_start3A_397 = arith.constant 0 : i32
      %dma_start3A_398 = tpu.memref_slice %arg3[%dma_start3A_396, %dma_start3A_397] : memref<10000x128xf32, #tpu.memory_space<hbm>> -> memref<10000x128xf32, #tpu.memory_space<hbm>>
      tpu.enqueue_indirect_dma source(%dma_start3A_398 : memref<10000x128xf32, #tpu.memory_space<hbm>>) target(%arg24 : memref<128x128xf32, #tpu.memory_space<vmem>>) offsets(%arg16 : memref<128xi32, #tpu.memory_space<vmem>>) semaphore(%arg28 : memref<!tpu.dma_semaphore, #tpu.memory_space<semaphore_mem>>)
      %dma_wait3A_399 = arith.constant 0 : i32
      %dma_wait3A_400 = arith.constant 0 : i32
      %dma_wait3A_401 = tpu.memref_slice %arg3[%dma_wait3A_399, %dma_wait3A_400] : memref<10000x128xf32, #tpu.memory_space<hbm>> -> memref<10000x128xf32, #tpu.memory_space<hbm>>
      tpu.wait_indirect_dma semaphore(%arg29 : memref<!tpu.dma_semaphore, #tpu.memory_space<semaphore_mem>>) src(%dma_wait3A_401 : memref<10000x128xf32, #tpu.memory_space<hbm>>) dst(%arg25 : memref<128x128xf32, #tpu.memory_space<vmem>>)
      %dma_start3A_402 = arith.constant 0 : i32
      %dma_start3A_403 = arith.constant 0 : i32
      %dma_start3A_404 = tpu.memref_slice %arg14[%dma_start3A_402, %dma_start3A_403] : memref<10240x128xf32, #tpu.memory_space<vmem_shared>> -> memref<10240x128xf32, #tpu.memory_space<vmem_shared>>
      tpu.enqueue_indirect_dma source(%arg25 : memref<128x128xf32, #tpu.memory_space<vmem>>) target(%dma_start3A_404 : memref<10240x128xf32, #tpu.memory_space<vmem_shared>>) offsets(%arg23 : memref<128xi32, #tpu.memory_space<vmem>>) semaphore(%arg35 : memref<!tpu.dma_semaphore, #tpu.memory_space<semaphore_mem>>) {add = true}
      %dma_start3A_405 = arith.constant 0 : i32
      %dma_start3A_406 = tpu.memref_slice %arg15[%dma_start3A_405] : memref<10240xf32, #tpu.memory_space<vmem_shared>> -> memref<10240xf32, #tpu.memory_space<vmem_shared>>
      tpu.enqueue_indirect_dma source(%arg26 : memref<128xf32, #tpu.memory_space<vmem>>) target(%dma_start3A_406 : memref<10240xf32, #tpu.memory_space<vmem_shared>>) offsets(%arg23 : memref<128xi32, #tpu.memory_space<vmem>>) semaphore(%arg35 : memref<!tpu.dma_semaphore, #tpu.memory_space<semaphore_mem>>) {add = true}
      %mul3A_407 = arith.constant 4 : i32
      %mul3A_408 = arith.muli %mul3A_407, %scan3A_378 : i32
      %add3A_409 = arith.constant 1 : i32
      %add3A_410 = arith.addi %mul3A_408, %add3A_409 : i32
      %add3A_411 = arith.constant 1 : i32
      %add3A_412 = arith.addi %add3A_410, %add3A_411 : i32
      %lt3A_413 = arith.constant 80 : i32
      %lt3A_414 = arith.cmpi slt, %add3A_412, %lt3A_413 : i32
      %convert_element_type3A_415 = arith.extui %lt3A_414 : i1 to i32
      %cond3A_416 = arith.constant 0 : i32
      %cond3A_417 = arith.cmpi ne, %convert_element_type3A_415, %cond3A_416 : i32
      scf.if %cond3A_417 {
        %add3A_500 = arith.constant 1 : i32
        %add3A_501 = arith.addi %add3A_410, %add3A_500 : i32
        %mul3A_502 = arith.constant 128 : i32
        %mul3A_503 = arith.muli %add3A_501, %mul3A_502 : i32
        %add3A_504 = arith.addi %mul3A_227, %mul3A_503 : i32
        %dma_start3A_505 = tpu.memref_slice %arg6[%add3A_504] : memref<327680xi32, #tpu.memory_space<hbm>> -> memref<128xi32, #tpu.memory_space<hbm>>
        %dma_start3A_506 = tpu.memref_slice %arg6[%add3A_504] : memref<327680xi32, #tpu.memory_space<hbm>> -> memref<128xi32, #tpu.memory_space<hbm>>
        tpu.enqueue_dma source(%dma_start3A_506 : memref<128xi32, #tpu.memory_space<hbm>>) target(%arg18 : memref<128xi32, #tpu.memory_space<vmem>>) target_semaphore(%arg32 : memref<!tpu.dma_semaphore, #tpu.memory_space<semaphore_mem>>)
        %mul3A_507 = arith.constant 128 : i32
        %mul3A_508 = arith.muli %add3A_501, %mul3A_507 : i32
        %add3A_509 = arith.addi %mul3A_227, %mul3A_508 : i32
        %dma_start3A_510 = tpu.memref_slice %arg7[%add3A_509] : memref<327680xi32, #tpu.memory_space<hbm>> -> memref<128xi32, #tpu.memory_space<hbm>>
        %dma_start3A_511 = tpu.memref_slice %arg7[%add3A_509] : memref<327680xi32, #tpu.memory_space<hbm>> -> memref<128xi32, #tpu.memory_space<hbm>>
        tpu.enqueue_dma source(%dma_start3A_511 : memref<128xi32, #tpu.memory_space<hbm>>) target(%arg22 : memref<128xi32, #tpu.memory_space<vmem>>) target_semaphore(%arg32 : memref<!tpu.dma_semaphore, #tpu.memory_space<semaphore_mem>>)
      } else {
      }
      %dma_wait3A_418 = tpu.memref_slice %arg6[%mul3A_227] : memref<327680xi32, #tpu.memory_space<hbm>> -> memref<128xi32, #tpu.memory_space<hbm>>
      %dma_wait3A_419 = tpu.memref_slice %arg6[%mul3A_227] : memref<327680xi32, #tpu.memory_space<hbm>> -> memref<128xi32, #tpu.memory_space<hbm>>
      tpu.wait_dma2 semaphore(%arg31 : memref<!tpu.dma_semaphore, #tpu.memory_space<semaphore_mem>>) src(%dma_wait3A_419 : memref<128xi32, #tpu.memory_space<hbm>>) dst(%arg17 : memref<128xi32, #tpu.memory_space<vmem>>)
      %dma_wait3A_420 = tpu.memref_slice %arg7[%mul3A_227] : memref<327680xi32, #tpu.memory_space<hbm>> -> memref<128xi32, #tpu.memory_space<hbm>>
      %dma_wait3A_421 = tpu.memref_slice %arg7[%mul3A_227] : memref<327680xi32, #tpu.memory_space<hbm>> -> memref<128xi32, #tpu.memory_space<hbm>>
      tpu.wait_dma2 semaphore(%arg31 : memref<!tpu.dma_semaphore, #tpu.memory_space<semaphore_mem>>) src(%dma_wait3A_421 : memref<128xi32, #tpu.memory_space<hbm>>) dst(%arg21 : memref<128xi32, #tpu.memory_space<vmem>>)
      %dma_wait3A_422 = arith.constant 0 : i32
      %dma_wait3A_423 = arith.constant 0 : i32
      %dma_wait3A_424 = tpu.memref_slice %arg14[%dma_wait3A_422, %dma_wait3A_423] : memref<10240x128xf32, #tpu.memory_space<vmem_shared>> -> memref<10240x128xf32, #tpu.memory_space<vmem_shared>>
      tpu.wait_indirect_dma semaphore(%arg35 : memref<!tpu.dma_semaphore, #tpu.memory_space<semaphore_mem>>) src(%arg25 : memref<128x128xf32, #tpu.memory_space<vmem>>) dst(%dma_wait3A_424 : memref<10240x128xf32, #tpu.memory_space<vmem_shared>>)
      %dma_wait3A_425 = arith.constant 0 : i32
      %dma_wait3A_426 = tpu.memref_slice %arg15[%dma_wait3A_425] : memref<10240xf32, #tpu.memory_space<vmem_shared>> -> memref<10240xf32, #tpu.memory_space<vmem_shared>>
      tpu.wait_indirect_dma semaphore(%arg35 : memref<!tpu.dma_semaphore, #tpu.memory_space<semaphore_mem>>) src(%arg26 : memref<128xf32, #tpu.memory_space<vmem>>) dst(%dma_wait3A_426 : memref<10240xf32, #tpu.memory_space<vmem_shared>>)
      %dma_start3A_427 = arith.constant 0 : i32
      %dma_start3A_428 = arith.constant 0 : i32
      %dma_start3A_429 = tpu.memref_slice %arg3[%dma_start3A_427, %dma_start3A_428] : memref<10000x128xf32, #tpu.memory_space<hbm>> -> memref<10000x128xf32, #tpu.memory_space<hbm>>
      tpu.enqueue_indirect_dma source(%dma_start3A_429 : memref<10000x128xf32, #tpu.memory_space<hbm>>) target(%arg25 : memref<128x128xf32, #tpu.memory_space<vmem>>) offsets(%arg17 : memref<128xi32, #tpu.memory_space<vmem>>) semaphore(%arg29 : memref<!tpu.dma_semaphore, #tpu.memory_space<semaphore_mem>>)
      %dma_wait3A_430 = arith.constant 0 : i32
      %dma_wait3A_431 = arith.constant 0 : i32
      %dma_wait3A_432 = tpu.memref_slice %arg3[%dma_wait3A_430, %dma_wait3A_431] : memref<10000x128xf32, #tpu.memory_space<hbm>> -> memref<10000x128xf32, #tpu.memory_space<hbm>>
      tpu.wait_indirect_dma semaphore(%arg28 : memref<!tpu.dma_semaphore, #tpu.memory_space<semaphore_mem>>) src(%dma_wait3A_432 : memref<10000x128xf32, #tpu.memory_space<hbm>>) dst(%arg24 : memref<128x128xf32, #tpu.memory_space<vmem>>)
      %dma_start3A_433 = arith.constant 0 : i32
      %dma_start3A_434 = arith.constant 0 : i32
      %dma_start3A_435 = tpu.memref_slice %arg14[%dma_start3A_433, %dma_start3A_434] : memref<10240x128xf32, #tpu.memory_space<vmem_shared>> -> memref<10240x128xf32, #tpu.memory_space<vmem_shared>>
      tpu.enqueue_indirect_dma source(%arg24 : memref<128x128xf32, #tpu.memory_space<vmem>>) target(%dma_start3A_435 : memref<10240x128xf32, #tpu.memory_space<vmem_shared>>) offsets(%arg20 : memref<128xi32, #tpu.memory_space<vmem>>) semaphore(%arg34 : memref<!tpu.dma_semaphore, #tpu.memory_space<semaphore_mem>>) {add = true}
      %dma_start3A_436 = arith.constant 0 : i32
      %dma_start3A_437 = tpu.memref_slice %arg15[%dma_start3A_436] : memref<10240xf32, #tpu.memory_space<vmem_shared>> -> memref<10240xf32, #tpu.memory_space<vmem_shared>>
      tpu.enqueue_indirect_dma source(%arg26 : memref<128xf32, #tpu.memory_space<vmem>>) target(%dma_start3A_437 : memref<10240xf32, #tpu.memory_space<vmem_shared>>) offsets(%arg20 : memref<128xi32, #tpu.memory_space<vmem>>) semaphore(%arg34 : memref<!tpu.dma_semaphore, #tpu.memory_space<semaphore_mem>>) {add = true}
      %mul3A_438 = arith.constant 4 : i32
      %mul3A_439 = arith.muli %mul3A_438, %scan3A_378 : i32
      %add3A_440 = arith.constant 2 : i32
      %add3A_441 = arith.addi %mul3A_439, %add3A_440 : i32
      %add3A_442 = arith.constant 1 : i32
      %add3A_443 = arith.addi %add3A_441, %add3A_442 : i32
      %lt3A_444 = arith.constant 80 : i32
      %lt3A_445 = arith.cmpi slt, %add3A_443, %lt3A_444 : i32
      %convert_element_type3A_446 = arith.extui %lt3A_445 : i1 to i32
      %cond3A_447 = arith.constant 0 : i32
      %cond3A_448 = arith.cmpi ne, %convert_element_type3A_446, %cond3A_447 : i32
      scf.if %cond3A_448 {
        %add3A_500 = arith.constant 1 : i32
        %add3A_501 = arith.addi %add3A_441, %add3A_500 : i32
        %mul3A_502 = arith.constant 128 : i32
        %mul3A_503 = arith.muli %add3A_501, %mul3A_502 : i32
        %add3A_504 = arith.addi %mul3A_227, %mul3A_503 : i32
        %dma_start3A_505 = tpu.memref_slice %arg6[%add3A_504] : memref<327680xi32, #tpu.memory_space<hbm>> -> memref<128xi32, #tpu.memory_space<hbm>>
        %dma_start3A_506 = tpu.memref_slice %arg6[%add3A_504] : memref<327680xi32, #tpu.memory_space<hbm>> -> memref<128xi32, #tpu.memory_space<hbm>>
        tpu.enqueue_dma source(%dma_start3A_506 : memref<128xi32, #tpu.memory_space<hbm>>) target(%arg19 : memref<128xi32, #tpu.memory_space<vmem>>) target_semaphore(%arg33 : memref<!tpu.dma_semaphore, #tpu.memory_space<semaphore_mem>>)
        %mul3A_507 = arith.constant 128 : i32
        %mul3A_508 = arith.muli %add3A_501, %mul3A_507 : i32
        %add3A_509 = arith.addi %mul3A_227, %mul3A_508 : i32
        %dma_start3A_510 = tpu.memref_slice %arg7[%add3A_509] : memref<327680xi32, #tpu.memory_space<hbm>> -> memref<128xi32, #tpu.memory_space<hbm>>
        %dma_start3A_511 = tpu.memref_slice %arg7[%add3A_509] : memref<327680xi32, #tpu.memory_space<hbm>> -> memref<128xi32, #tpu.memory_space<hbm>>
        tpu.enqueue_dma source(%dma_start3A_511 : memref<128xi32, #tpu.memory_space<hbm>>) target(%arg23 : memref<128xi32, #tpu.memory_space<vmem>>) target_semaphore(%arg33 : memref<!tpu.dma_semaphore, #tpu.memory_space<semaphore_mem>>)
      } else {
      }
      %dma_wait3A_449 = tpu.memref_slice %arg6[%mul3A_227] : memref<327680xi32, #tpu.memory_space<hbm>> -> memref<128xi32, #tpu.memory_space<hbm>>
      %dma_wait3A_450 = tpu.memref_slice %arg6[%mul3A_227] : memref<327680xi32, #tpu.memory_space<hbm>> -> memref<128xi32, #tpu.memory_space<hbm>>
      tpu.wait_dma2 semaphore(%arg32 : memref<!tpu.dma_semaphore, #tpu.memory_space<semaphore_mem>>) src(%dma_wait3A_450 : memref<128xi32, #tpu.memory_space<hbm>>) dst(%arg18 : memref<128xi32, #tpu.memory_space<vmem>>)
      %dma_wait3A_451 = tpu.memref_slice %arg7[%mul3A_227] : memref<327680xi32, #tpu.memory_space<hbm>> -> memref<128xi32, #tpu.memory_space<hbm>>
      %dma_wait3A_452 = tpu.memref_slice %arg7[%mul3A_227] : memref<327680xi32, #tpu.memory_space<hbm>> -> memref<128xi32, #tpu.memory_space<hbm>>
      tpu.wait_dma2 semaphore(%arg32 : memref<!tpu.dma_semaphore, #tpu.memory_space<semaphore_mem>>) src(%dma_wait3A_452 : memref<128xi32, #tpu.memory_space<hbm>>) dst(%arg22 : memref<128xi32, #tpu.memory_space<vmem>>)
      %dma_wait3A_453 = arith.constant 0 : i32
      %dma_wait3A_454 = arith.constant 0 : i32
      %dma_wait3A_455 = tpu.memref_slice %arg14[%dma_wait3A_453, %dma_wait3A_454] : memref<10240x128xf32, #tpu.memory_space<vmem_shared>> -> memref<10240x128xf32, #tpu.memory_space<vmem_shared>>
      tpu.wait_indirect_dma semaphore(%arg34 : memref<!tpu.dma_semaphore, #tpu.memory_space<semaphore_mem>>) src(%arg24 : memref<128x128xf32, #tpu.memory_space<vmem>>) dst(%dma_wait3A_455 : memref<10240x128xf32, #tpu.memory_space<vmem_shared>>)
      %dma_wait3A_456 = arith.constant 0 : i32
      %dma_wait3A_457 = tpu.memref_slice %arg15[%dma_wait3A_456] : memref<10240xf32, #tpu.memory_space<vmem_shared>> -> memref<10240xf32, #tpu.memory_space<vmem_shared>>
      tpu.wait_indirect_dma semaphore(%arg34 : memref<!tpu.dma_semaphore, #tpu.memory_space<semaphore_mem>>) src(%arg26 : memref<128xf32, #tpu.memory_space<vmem>>) dst(%dma_wait3A_457 : memref<10240xf32, #tpu.memory_space<vmem_shared>>)
      %dma_start3A_458 = arith.constant 0 : i32
      %dma_start3A_459 = arith.constant 0 : i32
      %dma_start3A_460 = tpu.memref_slice %arg3[%dma_start3A_458, %dma_start3A_459] : memref<10000x128xf32, #tpu.memory_space<hbm>> -> memref<10000x128xf32, #tpu.memory_space<hbm>>
      tpu.enqueue_indirect_dma source(%dma_start3A_460 : memref<10000x128xf32, #tpu.memory_space<hbm>>) target(%arg24 : memref<128x128xf32, #tpu.memory_space<vmem>>) offsets(%arg18 : memref<128xi32, #tpu.memory_space<vmem>>) semaphore(%arg28 : memref<!tpu.dma_semaphore, #tpu.memory_space<semaphore_mem>>)
      %dma_wait3A_461 = arith.constant 0 : i32
      %dma_wait3A_462 = arith.constant 0 : i32
      %dma_wait3A_463 = tpu.memref_slice %arg3[%dma_wait3A_461, %dma_wait3A_462] : memref<10000x128xf32, #tpu.memory_space<hbm>> -> memref<10000x128xf32, #tpu.memory_space<hbm>>
      tpu.wait_indirect_dma semaphore(%arg29 : memref<!tpu.dma_semaphore, #tpu.memory_space<semaphore_mem>>) src(%dma_wait3A_463 : memref<10000x128xf32, #tpu.memory_space<hbm>>) dst(%arg25 : memref<128x128xf32, #tpu.memory_space<vmem>>)
      %dma_start3A_464 = arith.constant 0 : i32
      %dma_start3A_465 = arith.constant 0 : i32
      %dma_start3A_466 = tpu.memref_slice %arg14[%dma_start3A_464, %dma_start3A_465] : memref<10240x128xf32, #tpu.memory_space<vmem_shared>> -> memref<10240x128xf32, #tpu.memory_space<vmem_shared>>
      tpu.enqueue_indirect_dma source(%arg25 : memref<128x128xf32, #tpu.memory_space<vmem>>) target(%dma_start3A_466 : memref<10240x128xf32, #tpu.memory_space<vmem_shared>>) offsets(%arg21 : memref<128xi32, #tpu.memory_space<vmem>>) semaphore(%arg35 : memref<!tpu.dma_semaphore, #tpu.memory_space<semaphore_mem>>) {add = true}
      %dma_start3A_467 = arith.constant 0 : i32
      %dma_start3A_468 = tpu.memref_slice %arg15[%dma_start3A_467] : memref<10240xf32, #tpu.memory_space<vmem_shared>> -> memref<10240xf32, #tpu.memory_space<vmem_shared>>
      tpu.enqueue_indirect_dma source(%arg26 : memref<128xf32, #tpu.memory_space<vmem>>) target(%dma_start3A_468 : memref<10240xf32, #tpu.memory_space<vmem_shared>>) offsets(%arg21 : memref<128xi32, #tpu.memory_space<vmem>>) semaphore(%arg35 : memref<!tpu.dma_semaphore, #tpu.memory_space<semaphore_mem>>) {add = true}
      %mul3A_469 = arith.constant 4 : i32
      %mul3A_470 = arith.muli %mul3A_469, %scan3A_378 : i32
      %add3A_471 = arith.constant 3 : i32
      %add3A_472 = arith.addi %mul3A_470, %add3A_471 : i32
      %add3A_473 = arith.constant 1 : i32
      %add3A_474 = arith.addi %add3A_472, %add3A_473 : i32
      %lt3A_475 = arith.constant 80 : i32
      %lt3A_476 = arith.cmpi slt, %add3A_474, %lt3A_475 : i32
      %convert_element_type3A_477 = arith.extui %lt3A_476 : i1 to i32
      %cond3A_478 = arith.constant 0 : i32
      %cond3A_479 = arith.cmpi ne, %convert_element_type3A_477, %cond3A_478 : i32
      scf.if %cond3A_479 {
        %add3A_500 = arith.constant 1 : i32
        %add3A_501 = arith.addi %add3A_472, %add3A_500 : i32
        %mul3A_502 = arith.constant 128 : i32
        %mul3A_503 = arith.muli %add3A_501, %mul3A_502 : i32
        %add3A_504 = arith.addi %mul3A_227, %mul3A_503 : i32
        %dma_start3A_505 = tpu.memref_slice %arg6[%add3A_504] : memref<327680xi32, #tpu.memory_space<hbm>> -> memref<128xi32, #tpu.memory_space<hbm>>
        %dma_start3A_506 = tpu.memref_slice %arg6[%add3A_504] : memref<327680xi32, #tpu.memory_space<hbm>> -> memref<128xi32, #tpu.memory_space<hbm>>
        tpu.enqueue_dma source(%dma_start3A_506 : memref<128xi32, #tpu.memory_space<hbm>>) target(%arg16 : memref<128xi32, #tpu.memory_space<vmem>>) target_semaphore(%arg30 : memref<!tpu.dma_semaphore, #tpu.memory_space<semaphore_mem>>)
        %mul3A_507 = arith.constant 128 : i32
        %mul3A_508 = arith.muli %add3A_501, %mul3A_507 : i32
        %add3A_509 = arith.addi %mul3A_227, %mul3A_508 : i32
        %dma_start3A_510 = tpu.memref_slice %arg7[%add3A_509] : memref<327680xi32, #tpu.memory_space<hbm>> -> memref<128xi32, #tpu.memory_space<hbm>>
        %dma_start3A_511 = tpu.memref_slice %arg7[%add3A_509] : memref<327680xi32, #tpu.memory_space<hbm>> -> memref<128xi32, #tpu.memory_space<hbm>>
        tpu.enqueue_dma source(%dma_start3A_511 : memref<128xi32, #tpu.memory_space<hbm>>) target(%arg20 : memref<128xi32, #tpu.memory_space<vmem>>) target_semaphore(%arg30 : memref<!tpu.dma_semaphore, #tpu.memory_space<semaphore_mem>>)
      } else {
      }
      %dma_wait3A_480 = tpu.memref_slice %arg6[%mul3A_227] : memref<327680xi32, #tpu.memory_space<hbm>> -> memref<128xi32, #tpu.memory_space<hbm>>
      %dma_wait3A_481 = tpu.memref_slice %arg6[%mul3A_227] : memref<327680xi32, #tpu.memory_space<hbm>> -> memref<128xi32, #tpu.memory_space<hbm>>
      tpu.wait_dma2 semaphore(%arg33 : memref<!tpu.dma_semaphore, #tpu.memory_space<semaphore_mem>>) src(%dma_wait3A_481 : memref<128xi32, #tpu.memory_space<hbm>>) dst(%arg19 : memref<128xi32, #tpu.memory_space<vmem>>)
      %dma_wait3A_482 = tpu.memref_slice %arg7[%mul3A_227] : memref<327680xi32, #tpu.memory_space<hbm>> -> memref<128xi32, #tpu.memory_space<hbm>>
      %dma_wait3A_483 = tpu.memref_slice %arg7[%mul3A_227] : memref<327680xi32, #tpu.memory_space<hbm>> -> memref<128xi32, #tpu.memory_space<hbm>>
      tpu.wait_dma2 semaphore(%arg33 : memref<!tpu.dma_semaphore, #tpu.memory_space<semaphore_mem>>) src(%dma_wait3A_483 : memref<128xi32, #tpu.memory_space<hbm>>) dst(%arg23 : memref<128xi32, #tpu.memory_space<vmem>>)
      %dma_wait3A_484 = arith.constant 0 : i32
      %dma_wait3A_485 = arith.constant 0 : i32
      %dma_wait3A_486 = tpu.memref_slice %arg14[%dma_wait3A_484, %dma_wait3A_485] : memref<10240x128xf32, #tpu.memory_space<vmem_shared>> -> memref<10240x128xf32, #tpu.memory_space<vmem_shared>>
      tpu.wait_indirect_dma semaphore(%arg35 : memref<!tpu.dma_semaphore, #tpu.memory_space<semaphore_mem>>) src(%arg25 : memref<128x128xf32, #tpu.memory_space<vmem>>) dst(%dma_wait3A_486 : memref<10240x128xf32, #tpu.memory_space<vmem_shared>>)
      %dma_wait3A_487 = arith.constant 0 : i32
      %dma_wait3A_488 = tpu.memref_slice %arg15[%dma_wait3A_487] : memref<10240xf32, #tpu.memory_space<vmem_shared>> -> memref<10240xf32, #tpu.memory_space<vmem_shared>>
      tpu.wait_indirect_dma semaphore(%arg35 : memref<!tpu.dma_semaphore, #tpu.memory_space<semaphore_mem>>) src(%arg26 : memref<128xf32, #tpu.memory_space<vmem>>) dst(%dma_wait3A_488 : memref<10240xf32, #tpu.memory_space<vmem_shared>>)
      %dma_start3A_489 = arith.constant 0 : i32
      %dma_start3A_490 = arith.constant 0 : i32
      %dma_start3A_491 = tpu.memref_slice %arg3[%dma_start3A_489, %dma_start3A_490] : memref<10000x128xf32, #tpu.memory_space<hbm>> -> memref<10000x128xf32, #tpu.memory_space<hbm>>
      tpu.enqueue_indirect_dma source(%dma_start3A_491 : memref<10000x128xf32, #tpu.memory_space<hbm>>) target(%arg25 : memref<128x128xf32, #tpu.memory_space<vmem>>) offsets(%arg19 : memref<128xi32, #tpu.memory_space<vmem>>) semaphore(%arg29 : memref<!tpu.dma_semaphore, #tpu.memory_space<semaphore_mem>>)
      %dma_wait3A_492 = arith.constant 0 : i32
      %dma_wait3A_493 = arith.constant 0 : i32
      %dma_wait3A_494 = tpu.memref_slice %arg3[%dma_wait3A_492, %dma_wait3A_493] : memref<10000x128xf32, #tpu.memory_space<hbm>> -> memref<10000x128xf32, #tpu.memory_space<hbm>>
      tpu.wait_indirect_dma semaphore(%arg28 : memref<!tpu.dma_semaphore, #tpu.memory_space<semaphore_mem>>) src(%dma_wait3A_494 : memref<10000x128xf32, #tpu.memory_space<hbm>>) dst(%arg24 : memref<128x128xf32, #tpu.memory_space<vmem>>)
      %dma_start3A_495 = arith.constant 0 : i32
      %dma_start3A_496 = arith.constant 0 : i32
      %dma_start3A_497 = tpu.memref_slice %arg14[%dma_start3A_495, %dma_start3A_496] : memref<10240x128xf32, #tpu.memory_space<vmem_shared>> -> memref<10240x128xf32, #tpu.memory_space<vmem_shared>>
      tpu.enqueue_indirect_dma source(%arg24 : memref<128x128xf32, #tpu.memory_space<vmem>>) target(%dma_start3A_497 : memref<10240x128xf32, #tpu.memory_space<vmem_shared>>) offsets(%arg22 : memref<128xi32, #tpu.memory_space<vmem>>) semaphore(%arg34 : memref<!tpu.dma_semaphore, #tpu.memory_space<semaphore_mem>>) {add = true}
      %dma_start3A_498 = arith.constant 0 : i32
      %dma_start3A_499 = tpu.memref_slice %arg15[%dma_start3A_498] : memref<10240xf32, #tpu.memory_space<vmem_shared>> -> memref<10240xf32, #tpu.memory_space<vmem_shared>>
      tpu.enqueue_indirect_dma source(%arg26 : memref<128xf32, #tpu.memory_space<vmem>>) target(%dma_start3A_499 : memref<10240xf32, #tpu.memory_space<vmem_shared>>) offsets(%arg22 : memref<128xi32, #tpu.memory_space<vmem>>) semaphore(%arg34 : memref<!tpu.dma_semaphore, #tpu.memory_space<semaphore_mem>>) {add = true}
    }
    %scan3A_335 = arith.constant 19 : i32
    %dma_wait3A_336 = arith.constant 0 : i32
    %dma_wait3A_337 = arith.constant 0 : i32
    %dma_wait3A_338 = tpu.memref_slice %arg3[%dma_wait3A_336, %dma_wait3A_337] : memref<10000x128xf32, #tpu.memory_space<hbm>> -> memref<10000x128xf32, #tpu.memory_space<hbm>>
    tpu.wait_indirect_dma semaphore(%arg29 : memref<!tpu.dma_semaphore, #tpu.memory_space<semaphore_mem>>) src(%dma_wait3A_338 : memref<10000x128xf32, #tpu.memory_space<hbm>>) dst(%arg25 : memref<128x128xf32, #tpu.memory_space<vmem>>)
    %dma_start3A_339 = arith.constant 0 : i32
    %dma_start3A_340 = arith.constant 0 : i32
    %dma_start3A_341 = tpu.memref_slice %arg14[%dma_start3A_339, %dma_start3A_340] : memref<10240x128xf32, #tpu.memory_space<vmem_shared>> -> memref<10240x128xf32, #tpu.memory_space<vmem_shared>>
    tpu.enqueue_indirect_dma source(%arg25 : memref<128x128xf32, #tpu.memory_space<vmem>>) target(%dma_start3A_341 : memref<10240x128xf32, #tpu.memory_space<vmem_shared>>) offsets(%arg23 : memref<128xi32, #tpu.memory_space<vmem>>) semaphore(%arg35 : memref<!tpu.dma_semaphore, #tpu.memory_space<semaphore_mem>>) {add = true}
    %dma_start3A_342 = arith.constant 0 : i32
    %dma_start3A_343 = tpu.memref_slice %arg15[%dma_start3A_342] : memref<10240xf32, #tpu.memory_space<vmem_shared>> -> memref<10240xf32, #tpu.memory_space<vmem_shared>>
    tpu.enqueue_indirect_dma source(%arg26 : memref<128xf32, #tpu.memory_space<vmem>>) target(%dma_start3A_343 : memref<10240xf32, #tpu.memory_space<vmem_shared>>) offsets(%arg23 : memref<128xi32, #tpu.memory_space<vmem>>) semaphore(%arg35 : memref<!tpu.dma_semaphore, #tpu.memory_space<semaphore_mem>>) {add = true}
    %dma_wait3A_344 = arith.constant 0 : i32
    %dma_wait3A_345 = arith.constant 0 : i32
    %dma_wait3A_346 = tpu.memref_slice %arg14[%dma_wait3A_344, %dma_wait3A_345] : memref<10240x128xf32, #tpu.memory_space<vmem_shared>> -> memref<10240x128xf32, #tpu.memory_space<vmem_shared>>
    tpu.wait_indirect_dma semaphore(%arg34 : memref<!tpu.dma_semaphore, #tpu.memory_space<semaphore_mem>>) src(%arg24 : memref<128x128xf32, #tpu.memory_space<vmem>>) dst(%dma_wait3A_346 : memref<10240x128xf32, #tpu.memory_space<vmem_shared>>)
    %dma_wait3A_347 = arith.constant 0 : i32
    %dma_wait3A_348 = tpu.memref_slice %arg15[%dma_wait3A_347] : memref<10240xf32, #tpu.memory_space<vmem_shared>> -> memref<10240xf32, #tpu.memory_space<vmem_shared>>
    tpu.wait_indirect_dma semaphore(%arg34 : memref<!tpu.dma_semaphore, #tpu.memory_space<semaphore_mem>>) src(%arg26 : memref<128xf32, #tpu.memory_space<vmem>>) dst(%dma_wait3A_348 : memref<10240xf32, #tpu.memory_space<vmem_shared>>)
    %dma_wait3A_349 = arith.constant 0 : i32
    %dma_wait3A_350 = arith.constant 0 : i32
    %dma_wait3A_351 = tpu.memref_slice %arg14[%dma_wait3A_349, %dma_wait3A_350] : memref<10240x128xf32, #tpu.memory_space<vmem_shared>> -> memref<10240x128xf32, #tpu.memory_space<vmem_shared>>
    tpu.wait_indirect_dma semaphore(%arg35 : memref<!tpu.dma_semaphore, #tpu.memory_space<semaphore_mem>>) src(%arg25 : memref<128x128xf32, #tpu.memory_space<vmem>>) dst(%dma_wait3A_351 : memref<10240x128xf32, #tpu.memory_space<vmem_shared>>)
    %dma_wait3A_352 = arith.constant 0 : i32
    %dma_wait3A_353 = tpu.memref_slice %arg15[%dma_wait3A_352] : memref<10240xf32, #tpu.memory_space<vmem_shared>> -> memref<10240xf32, #tpu.memory_space<vmem_shared>>
    tpu.wait_indirect_dma semaphore(%arg35 : memref<!tpu.dma_semaphore, #tpu.memory_space<semaphore_mem>>) src(%arg26 : memref<128xf32, #tpu.memory_space<vmem>>) dst(%dma_wait3A_353 : memref<10240xf32, #tpu.memory_space<vmem_shared>>)
    %barrier3A_354 = arith.constant 0 : index
    tpu.barrier barrier_id(%barrier3A_354)
    %add3A_355 = arith.constant 0 : i32
    %add3A_356 = arith.addi %mul3A_46, %add3A_355 : i32
    "tpu.region"() ({
      %run_scoped3A = tpu.sem_alloc : memref<!tpu.dma_semaphore, #tpu.memory_space<semaphore_mem>>
      %dma_start3A_378 = arith.constant 0 : i32
      %dma_start3A_379 = tpu.memref_slice %arg14[%add3A_356, %dma_start3A_378] : memref<10240x128xf32, #tpu.memory_space<vmem_shared>> -> memref<128x128xf32, #tpu.memory_space<vmem_shared>>
      %dma_start3A_380 = arith.constant 0 : i32
      %dma_start3A_381 = tpu.memref_slice %arg14[%add3A_356, %dma_start3A_380] : memref<10240x128xf32, #tpu.memory_space<vmem_shared>> -> memref<128x128xf32, #tpu.memory_space<vmem_shared>>
      tpu.enqueue_dma source(%dma_start3A_381 : memref<128x128xf32, #tpu.memory_space<vmem_shared>>) target(%arg24 : memref<128x128xf32, #tpu.memory_space<vmem>>) target_semaphore(%run_scoped3A : memref<!tpu.dma_semaphore, #tpu.memory_space<semaphore_mem>>)
      %dma_wait3A_382 = arith.constant 0 : i32
      %dma_wait3A_383 = tpu.memref_slice %arg14[%add3A_356, %dma_wait3A_382] : memref<10240x128xf32, #tpu.memory_space<vmem_shared>> -> memref<128x128xf32, #tpu.memory_space<vmem_shared>>
      %dma_wait3A_384 = arith.constant 0 : i32
      %dma_wait3A_385 = tpu.memref_slice %arg14[%add3A_356, %dma_wait3A_384] : memref<10240x128xf32, #tpu.memory_space<vmem_shared>> -> memref<128x128xf32, #tpu.memory_space<vmem_shared>>
      tpu.wait_dma2 semaphore(%run_scoped3A : memref<!tpu.dma_semaphore, #tpu.memory_space<semaphore_mem>>) src(%dma_wait3A_385 : memref<128x128xf32, #tpu.memory_space<vmem_shared>>) dst(%arg24 : memref<128x128xf32, #tpu.memory_space<vmem>>)
      tpu.yield
    }) : () -> ()
    %add3A_357 = arith.constant 0 : i32
    %add3A_358 = arith.addi %mul3A_46, %add3A_357 : i32
    "tpu.region"() ({
      %run_scoped3A = tpu.sem_alloc : memref<!tpu.dma_semaphore, #tpu.memory_space<semaphore_mem>>
      %dma_start3A_378 = arith.constant 0 : i32
      %dma_start3A_379 = tpu.memref_slice %arg12[%arg0, %add3A_358, %dma_start3A_378] : memref<2x10240x128xf32, #tpu.memory_space<hbm>> -> memref<1x128x128xf32, #tpu.memory_space<hbm>>
      %dma_start3A_380 = tpu.memref_squeeze %dma_start3A_379 : memref<1x128x128xf32, #tpu.memory_space<hbm>> -> memref<128x128xf32, #tpu.memory_space<hbm>>
      %dma_start3A_381 = arith.constant 0 : i32
      %dma_start3A_382 = tpu.memref_slice %arg12[%arg0, %add3A_358, %dma_start3A_381] : memref<2x10240x128xf32, #tpu.memory_space<hbm>> -> memref<1x128x128xf32, #tpu.memory_space<hbm>>
      %dma_start3A_383 = tpu.memref_squeeze %dma_start3A_382 : memref<1x128x128xf32, #tpu.memory_space<hbm>> -> memref<128x128xf32, #tpu.memory_space<hbm>>
      tpu.enqueue_dma source(%arg24 : memref<128x128xf32, #tpu.memory_space<vmem>>) target(%dma_start3A_383 : memref<128x128xf32, #tpu.memory_space<hbm>>) target_semaphore(%run_scoped3A : memref<!tpu.dma_semaphore, #tpu.memory_space<semaphore_mem>>)
      %dma_wait3A_384 = arith.constant 0 : i32
      %dma_wait3A_385 = tpu.memref_slice %arg12[%arg0, %add3A_358, %dma_wait3A_384] : memref<2x10240x128xf32, #tpu.memory_space<hbm>> -> memref<1x128x128xf32, #tpu.memory_space<hbm>>
      %dma_wait3A_386 = tpu.memref_squeeze %dma_wait3A_385 : memref<1x128x128xf32, #tpu.memory_space<hbm>> -> memref<128x128xf32, #tpu.memory_space<hbm>>
      %dma_wait3A_387 = arith.constant 0 : i32
      %dma_wait3A_388 = tpu.memref_slice %arg12[%arg0, %add3A_358, %dma_wait3A_387] : memref<2x10240x128xf32, #tpu.memory_space<hbm>> -> memref<1x128x128xf32, #tpu.memory_space<hbm>>
      %dma_wait3A_389 = tpu.memref_squeeze %dma_wait3A_388 : memref<1x128x128xf32, #tpu.memory_space<hbm>> -> memref<128x128xf32, #tpu.memory_space<hbm>>
      tpu.wait_dma2 semaphore(%run_scoped3A : memref<!tpu.dma_semaphore, #tpu.memory_space<semaphore_mem>>) src(%arg24 : memref<128x128xf32, #tpu.memory_space<vmem>>) dst(%dma_wait3A_389 : memref<128x128xf32, #tpu.memory_space<hbm>>)
      tpu.yield
    }) : () -> ()
    %add3A_359 = arith.constant 128 : i32
    %add3A_360 = arith.addi %mul3A_46, %add3A_359 : i32
    "tpu.region"() ({
      %run_scoped3A = tpu.sem_alloc : memref<!tpu.dma_semaphore, #tpu.memory_space<semaphore_mem>>
      %dma_start3A_378 = arith.constant 0 : i32
      %dma_start3A_379 = tpu.memref_slice %arg14[%add3A_360, %dma_start3A_378] : memref<10240x128xf32, #tpu.memory_space<vmem_shared>> -> memref<128x128xf32, #tpu.memory_space<vmem_shared>>
      %dma_start3A_380 = arith.constant 0 : i32
      %dma_start3A_381 = tpu.memref_slice %arg14[%add3A_360, %dma_start3A_380] : memref<10240x128xf32, #tpu.memory_space<vmem_shared>> -> memref<128x128xf32, #tpu.memory_space<vmem_shared>>
      tpu.enqueue_dma source(%dma_start3A_381 : memref<128x128xf32, #tpu.memory_space<vmem_shared>>) target(%arg24 : memref<128x128xf32, #tpu.memory_space<vmem>>) target_semaphore(%run_scoped3A : memref<!tpu.dma_semaphore, #tpu.memory_space<semaphore_mem>>)
      %dma_wait3A_382 = arith.constant 0 : i32
      %dma_wait3A_383 = tpu.memref_slice %arg14[%add3A_360, %dma_wait3A_382] : memref<10240x128xf32, #tpu.memory_space<vmem_shared>> -> memref<128x128xf32, #tpu.memory_space<vmem_shared>>
      %dma_wait3A_384 = arith.constant 0 : i32
      %dma_wait3A_385 = tpu.memref_slice %arg14[%add3A_360, %dma_wait3A_384] : memref<10240x128xf32, #tpu.memory_space<vmem_shared>> -> memref<128x128xf32, #tpu.memory_space<vmem_shared>>
      tpu.wait_dma2 semaphore(%run_scoped3A : memref<!tpu.dma_semaphore, #tpu.memory_space<semaphore_mem>>) src(%dma_wait3A_385 : memref<128x128xf32, #tpu.memory_space<vmem_shared>>) dst(%arg24 : memref<128x128xf32, #tpu.memory_space<vmem>>)
      tpu.yield
    }) : () -> ()
    %add3A_361 = arith.constant 128 : i32
    %add3A_362 = arith.addi %mul3A_46, %add3A_361 : i32
    "tpu.region"() ({
      %run_scoped3A = tpu.sem_alloc : memref<!tpu.dma_semaphore, #tpu.memory_space<semaphore_mem>>
      %dma_start3A_378 = arith.constant 0 : i32
      %dma_start3A_379 = tpu.memref_slice %arg12[%arg0, %add3A_362, %dma_start3A_378] : memref<2x10240x128xf32, #tpu.memory_space<hbm>> -> memref<1x128x128xf32, #tpu.memory_space<hbm>>
      %dma_start3A_380 = tpu.memref_squeeze %dma_start3A_379 : memref<1x128x128xf32, #tpu.memory_space<hbm>> -> memref<128x128xf32, #tpu.memory_space<hbm>>
      %dma_start3A_381 = arith.constant 0 : i32
      %dma_start3A_382 = tpu.memref_slice %arg12[%arg0, %add3A_362, %dma_start3A_381] : memref<2x10240x128xf32, #tpu.memory_space<hbm>> -> memref<1x128x128xf32, #tpu.memory_space<hbm>>
      %dma_start3A_383 = tpu.memref_squeeze %dma_start3A_382 : memref<1x128x128xf32, #tpu.memory_space<hbm>> -> memref<128x128xf32, #tpu.memory_space<hbm>>
      tpu.enqueue_dma source(%arg24 : memref<128x128xf32, #tpu.memory_space<vmem>>) target(%dma_start3A_383 : memref<128x128xf32, #tpu.memory_space<hbm>>) target_semaphore(%run_scoped3A : memref<!tpu.dma_semaphore, #tpu.memory_space<semaphore_mem>>)
      %dma_wait3A_384 = arith.constant 0 : i32
      %dma_wait3A_385 = tpu.memref_slice %arg12[%arg0, %add3A_362, %dma_wait3A_384] : memref<2x10240x128xf32, #tpu.memory_space<hbm>> -> memref<1x128x128xf32, #tpu.memory_space<hbm>>
      %dma_wait3A_386 = tpu.memref_squeeze %dma_wait3A_385 : memref<1x128x128xf32, #tpu.memory_space<hbm>> -> memref<128x128xf32, #tpu.memory_space<hbm>>
      %dma_wait3A_387 = arith.constant 0 : i32
      %dma_wait3A_388 = tpu.memref_slice %arg12[%arg0, %add3A_362, %dma_wait3A_387] : memref<2x10240x128xf32, #tpu.memory_space<hbm>> -> memref<1x128x128xf32, #tpu.memory_space<hbm>>
      %dma_wait3A_389 = tpu.memref_squeeze %dma_wait3A_388 : memref<1x128x128xf32, #tpu.memory_space<hbm>> -> memref<128x128xf32, #tpu.memory_space<hbm>>
      tpu.wait_dma2 semaphore(%run_scoped3A : memref<!tpu.dma_semaphore, #tpu.memory_space<semaphore_mem>>) src(%arg24 : memref<128x128xf32, #tpu.memory_space<vmem>>) dst(%dma_wait3A_389 : memref<128x128xf32, #tpu.memory_space<hbm>>)
      tpu.yield
    }) : () -> ()
    %add3A_363 = arith.constant 256 : i32
    %add3A_364 = arith.addi %mul3A_46, %add3A_363 : i32
    "tpu.region"() ({
      %run_scoped3A = tpu.sem_alloc : memref<!tpu.dma_semaphore, #tpu.memory_space<semaphore_mem>>
      %dma_start3A_378 = arith.constant 0 : i32
      %dma_start3A_379 = tpu.memref_slice %arg14[%add3A_364, %dma_start3A_378] : memref<10240x128xf32, #tpu.memory_space<vmem_shared>> -> memref<128x128xf32, #tpu.memory_space<vmem_shared>>
      %dma_start3A_380 = arith.constant 0 : i32
      %dma_start3A_381 = tpu.memref_slice %arg14[%add3A_364, %dma_start3A_380] : memref<10240x128xf32, #tpu.memory_space<vmem_shared>> -> memref<128x128xf32, #tpu.memory_space<vmem_shared>>
      tpu.enqueue_dma source(%dma_start3A_381 : memref<128x128xf32, #tpu.memory_space<vmem_shared>>) target(%arg24 : memref<128x128xf32, #tpu.memory_space<vmem>>) target_semaphore(%run_scoped3A : memref<!tpu.dma_semaphore, #tpu.memory_space<semaphore_mem>>)
      %dma_wait3A_382 = arith.constant 0 : i32
      %dma_wait3A_383 = tpu.memref_slice %arg14[%add3A_364, %dma_wait3A_382] : memref<10240x128xf32, #tpu.memory_space<vmem_shared>> -> memref<128x128xf32, #tpu.memory_space<vmem_shared>>
      %dma_wait3A_384 = arith.constant 0 : i32
      %dma_wait3A_385 = tpu.memref_slice %arg14[%add3A_364, %dma_wait3A_384] : memref<10240x128xf32, #tpu.memory_space<vmem_shared>> -> memref<128x128xf32, #tpu.memory_space<vmem_shared>>
      tpu.wait_dma2 semaphore(%run_scoped3A : memref<!tpu.dma_semaphore, #tpu.memory_space<semaphore_mem>>) src(%dma_wait3A_385 : memref<128x128xf32, #tpu.memory_space<vmem_shared>>) dst(%arg24 : memref<128x128xf32, #tpu.memory_space<vmem>>)
      tpu.yield
    }) : () -> ()
    %add3A_365 = arith.constant 256 : i32
    %add3A_366 = arith.addi %mul3A_46, %add3A_365 : i32
    "tpu.region"() ({
      %run_scoped3A = tpu.sem_alloc : memref<!tpu.dma_semaphore, #tpu.memory_space<semaphore_mem>>
      %dma_start3A_378 = arith.constant 0 : i32
      %dma_start3A_379 = tpu.memref_slice %arg12[%arg0, %add3A_366, %dma_start3A_378] : memref<2x10240x128xf32, #tpu.memory_space<hbm>> -> memref<1x128x128xf32, #tpu.memory_space<hbm>>
      %dma_start3A_380 = tpu.memref_squeeze %dma_start3A_379 : memref<1x128x128xf32, #tpu.memory_space<hbm>> -> memref<128x128xf32, #tpu.memory_space<hbm>>
      %dma_start3A_381 = arith.constant 0 : i32
      %dma_start3A_382 = tpu.memref_slice %arg12[%arg0, %add3A_366, %dma_start3A_381] : memref<2x10240x128xf32, #tpu.memory_space<hbm>> -> memref<1x128x128xf32, #tpu.memory_space<hbm>>
      %dma_start3A_383 = tpu.memref_squeeze %dma_start3A_382 : memref<1x128x128xf32, #tpu.memory_space<hbm>> -> memref<128x128xf32, #tpu.memory_space<hbm>>
      tpu.enqueue_dma source(%arg24 : memref<128x128xf32, #tpu.memory_space<vmem>>) target(%dma_start3A_383 : memref<128x128xf32, #tpu.memory_space<hbm>>) target_semaphore(%run_scoped3A : memref<!tpu.dma_semaphore, #tpu.memory_space<semaphore_mem>>)
      %dma_wait3A_384 = arith.constant 0 : i32
      %dma_wait3A_385 = tpu.memref_slice %arg12[%arg0, %add3A_366, %dma_wait3A_384] : memref<2x10240x128xf32, #tpu.memory_space<hbm>> -> memref<1x128x128xf32, #tpu.memory_space<hbm>>
      %dma_wait3A_386 = tpu.memref_squeeze %dma_wait3A_385 : memref<1x128x128xf32, #tpu.memory_space<hbm>> -> memref<128x128xf32, #tpu.memory_space<hbm>>
      %dma_wait3A_387 = arith.constant 0 : i32
      %dma_wait3A_388 = tpu.memref_slice %arg12[%arg0, %add3A_366, %dma_wait3A_387] : memref<2x10240x128xf32, #tpu.memory_space<hbm>> -> memref<1x128x128xf32, #tpu.memory_space<hbm>>
      %dma_wait3A_389 = tpu.memref_squeeze %dma_wait3A_388 : memref<1x128x128xf32, #tpu.memory_space<hbm>> -> memref<128x128xf32, #tpu.memory_space<hbm>>
      tpu.wait_dma2 semaphore(%run_scoped3A : memref<!tpu.dma_semaphore, #tpu.memory_space<semaphore_mem>>) src(%arg24 : memref<128x128xf32, #tpu.memory_space<vmem>>) dst(%dma_wait3A_389 : memref<128x128xf32, #tpu.memory_space<hbm>>)
      tpu.yield
    }) : () -> ()
    %add3A_367 = arith.constant 384 : i32
    %add3A_368 = arith.addi %mul3A_46, %add3A_367 : i32
    "tpu.region"() ({
      %run_scoped3A = tpu.sem_alloc : memref<!tpu.dma_semaphore, #tpu.memory_space<semaphore_mem>>
      %dma_start3A_378 = arith.constant 0 : i32
      %dma_start3A_379 = tpu.memref_slice %arg14[%add3A_368, %dma_start3A_378] : memref<10240x128xf32, #tpu.memory_space<vmem_shared>> -> memref<128x128xf32, #tpu.memory_space<vmem_shared>>
      %dma_start3A_380 = arith.constant 0 : i32
      %dma_start3A_381 = tpu.memref_slice %arg14[%add3A_368, %dma_start3A_380] : memref<10240x128xf32, #tpu.memory_space<vmem_shared>> -> memref<128x128xf32, #tpu.memory_space<vmem_shared>>
      tpu.enqueue_dma source(%dma_start3A_381 : memref<128x128xf32, #tpu.memory_space<vmem_shared>>) target(%arg24 : memref<128x128xf32, #tpu.memory_space<vmem>>) target_semaphore(%run_scoped3A : memref<!tpu.dma_semaphore, #tpu.memory_space<semaphore_mem>>)
      %dma_wait3A_382 = arith.constant 0 : i32
      %dma_wait3A_383 = tpu.memref_slice %arg14[%add3A_368, %dma_wait3A_382] : memref<10240x128xf32, #tpu.memory_space<vmem_shared>> -> memref<128x128xf32, #tpu.memory_space<vmem_shared>>
      %dma_wait3A_384 = arith.constant 0 : i32
      %dma_wait3A_385 = tpu.memref_slice %arg14[%add3A_368, %dma_wait3A_384] : memref<10240x128xf32, #tpu.memory_space<vmem_shared>> -> memref<128x128xf32, #tpu.memory_space<vmem_shared>>
      tpu.wait_dma2 semaphore(%run_scoped3A : memref<!tpu.dma_semaphore, #tpu.memory_space<semaphore_mem>>) src(%dma_wait3A_385 : memref<128x128xf32, #tpu.memory_space<vmem_shared>>) dst(%arg24 : memref<128x128xf32, #tpu.memory_space<vmem>>)
      tpu.yield
    }) : () -> ()
    %add3A_369 = arith.constant 384 : i32
    %add3A_370 = arith.addi %mul3A_46, %add3A_369 : i32
    "tpu.region"() ({
      %run_scoped3A = tpu.sem_alloc : memref<!tpu.dma_semaphore, #tpu.memory_space<semaphore_mem>>
      %dma_start3A_378 = arith.constant 0 : i32
      %dma_start3A_379 = tpu.memref_slice %arg12[%arg0, %add3A_370, %dma_start3A_378] : memref<2x10240x128xf32, #tpu.memory_space<hbm>> -> memref<1x128x128xf32, #tpu.memory_space<hbm>>
      %dma_start3A_380 = tpu.memref_squeeze %dma_start3A_379 : memref<1x128x128xf32, #tpu.memory_space<hbm>> -> memref<128x128xf32, #tpu.memory_space<hbm>>
      %dma_start3A_381 = arith.constant 0 : i32
      %dma_start3A_382 = tpu.memref_slice %arg12[%arg0, %add3A_370, %dma_start3A_381] : memref<2x10240x128xf32, #tpu.memory_space<hbm>> -> memref<1x128x128xf32, #tpu.memory_space<hbm>>
      %dma_start3A_383 = tpu.memref_squeeze %dma_start3A_382 : memref<1x128x128xf32, #tpu.memory_space<hbm>> -> memref<128x128xf32, #tpu.memory_space<hbm>>
      tpu.enqueue_dma source(%arg24 : memref<128x128xf32, #tpu.memory_space<vmem>>) target(%dma_start3A_383 : memref<128x128xf32, #tpu.memory_space<hbm>>) target_semaphore(%run_scoped3A : memref<!tpu.dma_semaphore, #tpu.memory_space<semaphore_mem>>)
      %dma_wait3A_384 = arith.constant 0 : i32
      %dma_wait3A_385 = tpu.memref_slice %arg12[%arg0, %add3A_370, %dma_wait3A_384] : memref<2x10240x128xf32, #tpu.memory_space<hbm>> -> memref<1x128x128xf32, #tpu.memory_space<hbm>>
      %dma_wait3A_386 = tpu.memref_squeeze %dma_wait3A_385 : memref<1x128x128xf32, #tpu.memory_space<hbm>> -> memref<128x128xf32, #tpu.memory_space<hbm>>
      %dma_wait3A_387 = arith.constant 0 : i32
      %dma_wait3A_388 = tpu.memref_slice %arg12[%arg0, %add3A_370, %dma_wait3A_387] : memref<2x10240x128xf32, #tpu.memory_space<hbm>> -> memref<1x128x128xf32, #tpu.memory_space<hbm>>
      %dma_wait3A_389 = tpu.memref_squeeze %dma_wait3A_388 : memref<1x128x128xf32, #tpu.memory_space<hbm>> -> memref<128x128xf32, #tpu.memory_space<hbm>>
      tpu.wait_dma2 semaphore(%run_scoped3A : memref<!tpu.dma_semaphore, #tpu.memory_space<semaphore_mem>>) src(%arg24 : memref<128x128xf32, #tpu.memory_space<vmem>>) dst(%dma_wait3A_389 : memref<128x128xf32, #tpu.memory_space<hbm>>)
      tpu.yield
    }) : () -> ()
    %add3A_371 = arith.constant 512 : i32
    %add3A_372 = arith.addi %mul3A_46, %add3A_371 : i32
    "tpu.region"() ({
      %run_scoped3A = tpu.sem_alloc : memref<!tpu.dma_semaphore, #tpu.memory_space<semaphore_mem>>
      %dma_start3A_378 = arith.constant 0 : i32
      %dma_start3A_379 = tpu.memref_slice %arg14[%add3A_372, %dma_start3A_378] : memref<10240x128xf32, #tpu.memory_space<vmem_shared>> -> memref<128x128xf32, #tpu.memory_space<vmem_shared>>
      %dma_start3A_380 = arith.constant 0 : i32
      %dma_start3A_381 = tpu.memref_slice %arg14[%add3A_372, %dma_start3A_380] : memref<10240x128xf32, #tpu.memory_space<vmem_shared>> -> memref<128x128xf32, #tpu.memory_space<vmem_shared>>
      tpu.enqueue_dma source(%dma_start3A_381 : memref<128x128xf32, #tpu.memory_space<vmem_shared>>) target(%arg24 : memref<128x128xf32, #tpu.memory_space<vmem>>) target_semaphore(%run_scoped3A : memref<!tpu.dma_semaphore, #tpu.memory_space<semaphore_mem>>)
      %dma_wait3A_382 = arith.constant 0 : i32
      %dma_wait3A_383 = tpu.memref_slice %arg14[%add3A_372, %dma_wait3A_382] : memref<10240x128xf32, #tpu.memory_space<vmem_shared>> -> memref<128x128xf32, #tpu.memory_space<vmem_shared>>
      %dma_wait3A_384 = arith.constant 0 : i32
      %dma_wait3A_385 = tpu.memref_slice %arg14[%add3A_372, %dma_wait3A_384] : memref<10240x128xf32, #tpu.memory_space<vmem_shared>> -> memref<128x128xf32, #tpu.memory_space<vmem_shared>>
      tpu.wait_dma2 semaphore(%run_scoped3A : memref<!tpu.dma_semaphore, #tpu.memory_space<semaphore_mem>>) src(%dma_wait3A_385 : memref<128x128xf32, #tpu.memory_space<vmem_shared>>) dst(%arg24 : memref<128x128xf32, #tpu.memory_space<vmem>>)
      tpu.yield
    }) : () -> ()
    %add3A_373 = arith.constant 512 : i32
    %add3A_374 = arith.addi %mul3A_46, %add3A_373 : i32
    "tpu.region"() ({
      %run_scoped3A = tpu.sem_alloc : memref<!tpu.dma_semaphore, #tpu.memory_space<semaphore_mem>>
      %dma_start3A_378 = arith.constant 0 : i32
      %dma_start3A_379 = tpu.memref_slice %arg12[%arg0, %add3A_374, %dma_start3A_378] : memref<2x10240x128xf32, #tpu.memory_space<hbm>> -> memref<1x128x128xf32, #tpu.memory_space<hbm>>
      %dma_start3A_380 = tpu.memref_squeeze %dma_start3A_379 : memref<1x128x128xf32, #tpu.memory_space<hbm>> -> memref<128x128xf32, #tpu.memory_space<hbm>>
      %dma_start3A_381 = arith.constant 0 : i32
      %dma_start3A_382 = tpu.memref_slice %arg12[%arg0, %add3A_374, %dma_start3A_381] : memref<2x10240x128xf32, #tpu.memory_space<hbm>> -> memref<1x128x128xf32, #tpu.memory_space<hbm>>
      %dma_start3A_383 = tpu.memref_squeeze %dma_start3A_382 : memref<1x128x128xf32, #tpu.memory_space<hbm>> -> memref<128x128xf32, #tpu.memory_space<hbm>>
      tpu.enqueue_dma source(%arg24 : memref<128x128xf32, #tpu.memory_space<vmem>>) target(%dma_start3A_383 : memref<128x128xf32, #tpu.memory_space<hbm>>) target_semaphore(%run_scoped3A : memref<!tpu.dma_semaphore, #tpu.memory_space<semaphore_mem>>)
      %dma_wait3A_384 = arith.constant 0 : i32
      %dma_wait3A_385 = tpu.memref_slice %arg12[%arg0, %add3A_374, %dma_wait3A_384] : memref<2x10240x128xf32, #tpu.memory_space<hbm>> -> memref<1x128x128xf32, #tpu.memory_space<hbm>>
      %dma_wait3A_386 = tpu.memref_squeeze %dma_wait3A_385 : memref<1x128x128xf32, #tpu.memory_space<hbm>> -> memref<128x128xf32, #tpu.memory_space<hbm>>
      %dma_wait3A_387 = arith.constant 0 : i32
      %dma_wait3A_388 = tpu.memref_slice %arg12[%arg0, %add3A_374, %dma_wait3A_387] : memref<2x10240x128xf32, #tpu.memory_space<hbm>> -> memref<1x128x128xf32, #tpu.memory_space<hbm>>
      %dma_wait3A_389 = tpu.memref_squeeze %dma_wait3A_388 : memref<1x128x128xf32, #tpu.memory_space<hbm>> -> memref<128x128xf32, #tpu.memory_space<hbm>>
      tpu.wait_dma2 semaphore(%run_scoped3A : memref<!tpu.dma_semaphore, #tpu.memory_space<semaphore_mem>>) src(%arg24 : memref<128x128xf32, #tpu.memory_space<vmem>>) dst(%dma_wait3A_389 : memref<128x128xf32, #tpu.memory_space<hbm>>)
      tpu.yield
    }) : () -> ()
    "tpu.region"() ({
      %run_scoped3A = tpu.sem_alloc : memref<!tpu.dma_semaphore, #tpu.memory_space<semaphore_mem>>
      %dma_start3A_378 = tpu.memref_slice %arg15[%mul3A_46] : memref<10240xf32, #tpu.memory_space<vmem_shared>> -> memref<640xf32, #tpu.memory_space<vmem_shared>>
      %dma_start3A_379 = tpu.memref_slice %arg15[%mul3A_46] : memref<10240xf32, #tpu.memory_space<vmem_shared>> -> memref<640xf32, #tpu.memory_space<vmem_shared>>
      tpu.enqueue_dma source(%dma_start3A_379 : memref<640xf32, #tpu.memory_space<vmem_shared>>) target(%arg27 : memref<640xf32, #tpu.memory_space<vmem>>) target_semaphore(%run_scoped3A : memref<!tpu.dma_semaphore, #tpu.memory_space<semaphore_mem>>)
      %dma_wait3A_380 = tpu.memref_slice %arg15[%mul3A_46] : memref<10240xf32, #tpu.memory_space<vmem_shared>> -> memref<640xf32, #tpu.memory_space<vmem_shared>>
      %dma_wait3A_381 = tpu.memref_slice %arg15[%mul3A_46] : memref<10240xf32, #tpu.memory_space<vmem_shared>> -> memref<640xf32, #tpu.memory_space<vmem_shared>>
      tpu.wait_dma2 semaphore(%run_scoped3A : memref<!tpu.dma_semaphore, #tpu.memory_space<semaphore_mem>>) src(%dma_wait3A_381 : memref<640xf32, #tpu.memory_space<vmem_shared>>) dst(%arg27 : memref<640xf32, #tpu.memory_space<vmem>>)
      tpu.yield
    }) : () -> ()
    %mul3A_375 = arith.constant 10240 : i32
    %mul3A_376 = arith.muli %arg0, %mul3A_375 : i32
    %add3A_377 = arith.addi %mul3A_376, %mul3A_46 : i32
    "tpu.region"() ({
      %run_scoped3A = tpu.sem_alloc : memref<!tpu.dma_semaphore, #tpu.memory_space<semaphore_mem>>
      %dma_start3A_378 = tpu.memref_slice %arg13[%add3A_377] : memref<20480xf32, #tpu.memory_space<hbm>> -> memref<640xf32, #tpu.memory_space<hbm>>
      %dma_start3A_379 = tpu.memref_slice %arg13[%add3A_377] : memref<20480xf32, #tpu.memory_space<hbm>> -> memref<640xf32, #tpu.memory_space<hbm>>
      tpu.enqueue_dma source(%arg27 : memref<640xf32, #tpu.memory_space<vmem>>) target(%dma_start3A_379 : memref<640xf32, #tpu.memory_space<hbm>>) target_semaphore(%run_scoped3A : memref<!tpu.dma_semaphore, #tpu.memory_space<semaphore_mem>>)
      %dma_wait3A_380 = tpu.memref_slice %arg13[%add3A_377] : memref<20480xf32, #tpu.memory_space<hbm>> -> memref<640xf32, #tpu.memory_space<hbm>>
      %dma_wait3A_381 = tpu.memref_slice %arg13[%add3A_377] : memref<20480xf32, #tpu.memory_space<hbm>> -> memref<640xf32, #tpu.memory_space<hbm>>
      tpu.wait_dma2 semaphore(%run_scoped3A : memref<!tpu.dma_semaphore, #tpu.memory_space<semaphore_mem>>) src(%arg27 : memref<640xf32, #tpu.memory_space<vmem>>) dst(%dma_wait3A_381 : memref<640xf32, #tpu.memory_space<hbm>>)
      tpu.yield
    }) : () -> ()
    return
  }
}

module attributes {stable_mosaic.version = 14 : i64} {
  func.func @_tc_body(%arg0: i32, %arg1: memref<1000x128xf32, #tpu.memory_space<vmem>>, %arg2: memref<1000x128xf32, #tpu.memory_space<vmem>>, %arg3: memref<2x1000x128xf32, #tpu.memory_space<vmem>>, %arg4: memref<1000x2xf32, #tpu.memory_space<vmem>>, %arg5: memref<2x1000x128xf32, #tpu.memory_space<vmem>>, %arg6: memref<1000x2xf32, #tpu.memory_space<vmem>>, %arg7: memref<128x128xf32, #tpu.memory_space<vmem>>, %arg8: memref<1x128xf32, #tpu.memory_space<vmem>>, %arg9: memref<128x128xf32, #tpu.memory_space<vmem>>, %arg10: memref<1x128xf32, #tpu.memory_space<vmem>>, %arg11: memref<128x128xf32, #tpu.memory_space<vmem>>, %arg12: memref<128x128xf32, #tpu.memory_space<vmem>>, %arg13: memref<128x128xf32, #tpu.memory_space<vmem>>, %arg14: memref<1x128xf32, #tpu.memory_space<vmem>>, %arg15: memref<128x1xf32, #tpu.memory_space<vmem>>, %arg16: memref<1000x128xf32, #tpu.memory_space<vmem>>, %arg17: memref<1000x128xf32, #tpu.memory_space<vmem>>) attributes {dimension_semantics = [#tpu.dimension_semantics<arbitrary>], iteration_bounds = array<i64: 10>, scalar_prefetch = 0 : i64, scratch_operands = 0 : i64, tpu.core_type = #tpu.core_type<tc>, window_params = [{transform_indices = @transform_0, window_bounds = array<i64: 1000, 128>}, {transform_indices = @transform_1, window_bounds = array<i64: 1000, 128>}, {transform_indices = @transform_2, window_bounds = array<i64: 2, 1000, 128>}, {transform_indices = @transform_3, window_bounds = array<i64: 1000, 2>}, {transform_indices = @transform_4, window_bounds = array<i64: 2, 1000, 128>}, {transform_indices = @transform_5, window_bounds = array<i64: 1000, 2>}, {pipeline_mode = #tpu.pipeline_mode<synchronous>, transform_indices = @transform_6, window_bounds = array<i64: 128, 128>}, {pipeline_mode = #tpu.pipeline_mode<synchronous>, transform_indices = @transform_7, window_bounds = array<i64: 1, 128>}, {pipeline_mode = #tpu.pipeline_mode<synchronous>, transform_indices = @transform_8, window_bounds = array<i64: 128, 128>}, {pipeline_mode = #tpu.pipeline_mode<synchronous>, transform_indices = @transform_9, window_bounds = array<i64: 1, 128>}, {pipeline_mode = #tpu.pipeline_mode<synchronous>, transform_indices = @transform_10, window_bounds = array<i64: 128, 128>}, {pipeline_mode = #tpu.pipeline_mode<synchronous>, transform_indices = @transform_11, window_bounds = array<i64: 128, 128>}, {pipeline_mode = #tpu.pipeline_mode<synchronous>, transform_indices = @transform_12, window_bounds = array<i64: 128, 128>}, {pipeline_mode = #tpu.pipeline_mode<synchronous>, transform_indices = @transform_13, window_bounds = array<i64: 1, 128>}, {pipeline_mode = #tpu.pipeline_mode<synchronous>, transform_indices = @transform_14, window_bounds = array<i64: 128, 1>}, {transform_indices = @transform_15, window_bounds = array<i64: 1000, 128>}, {transform_indices = @transform_16, window_bounds = array<i64: 1000, 128>}]} {
    %get3A = arith.constant 0 : index
    %get3A_0 = arith.constant 0 : index
    %get3A_1 = vector.load %arg1[%get3A, %get3A_0] : memref<1000x128xf32, #tpu.memory_space<vmem>>, vector<1000x128xf32>
    %get3A_2 = arith.constant 0 : index
    %get3A_3 = arith.constant 0 : index
    %get3A_4 = vector.load %arg2[%get3A_2, %get3A_3] : memref<1000x128xf32, #tpu.memory_space<vmem>>, vector<1000x128xf32>
    %get3A_5 = arith.constant 0 : index
    %get3A_6 = arith.constant 0 : index
    %get3A_7 = vector.load %arg7[%get3A_5, %get3A_6] : memref<128x128xf32, #tpu.memory_space<vmem>>, vector<128x128xf32>
    %dot_general3A = arith.constant dense<0.000000e+00> : vector<1000x128xf32>
    %dot_general3A_8 = tpu.matmul %get3A_1, %get3A_7, %dot_general3A {dimension_numbers = #tpu.dot_dimension_numbers<[1], [0], [0], [1], [0, 0, 1, 1], [], []>, transpose_lhs_hint = false} : vector<1000x128xf32>, vector<128x128xf32>, vector<1000x128xf32> -> vector<1000x128xf32>
    %get3A_9 = arith.constant 0 : index
    %get3A_10 = arith.constant 0 : index
    %get3A_11 = vector.load %arg8[%get3A_9, %get3A_10] : memref<1x128xf32, #tpu.memory_space<vmem>>, vector<1x128xf32>
    %add3A = vector.broadcast %get3A_11 : vector<1x128xf32> to vector<1000x128xf32>
    %add3A_12 = arith.addf %dot_general3A_8, %add3A : vector<1000x128xf32>
    %get3A_13 = arith.constant 0 : index
    %get3A_14 = arith.constant 0 : index
    %get3A_15 = vector.load %arg9[%get3A_13, %get3A_14] : memref<128x128xf32, #tpu.memory_space<vmem>>, vector<128x128xf32>
    %dot_general3A_16 = arith.constant dense<0.000000e+00> : vector<1000x128xf32>
    %dot_general3A_17 = tpu.matmul %get3A_4, %get3A_15, %dot_general3A_16 {dimension_numbers = #tpu.dot_dimension_numbers<[1], [0], [0], [1], [0, 0, 1, 1], [], []>, transpose_lhs_hint = false} : vector<1000x128xf32>, vector<128x128xf32>, vector<1000x128xf32> -> vector<1000x128xf32>
    %get3A_18 = arith.constant 0 : index
    %get3A_19 = arith.constant 0 : index
    %get3A_20 = vector.load %arg10[%get3A_18, %get3A_19] : memref<1x128xf32, #tpu.memory_space<vmem>>, vector<1x128xf32>
    %add3A_21 = vector.broadcast %get3A_20 : vector<1x128xf32> to vector<1000x128xf32>
    %add3A_22 = arith.addf %dot_general3A_17, %add3A_21 : vector<1000x128xf32>
    %get3A_23 = arith.constant 0 : index
    %get3A_24 = arith.constant 0 : index
    %get3A_25 = arith.constant 0 : index
    %get3A_26 = vector.load %arg3[%get3A_23, %get3A_24, %get3A_25] : memref<2x1000x128xf32, #tpu.memory_space<vmem>>, vector<1x1000x128xf32>
    %get3A_27 = vector.shape_cast %get3A_26 : vector<1x1000x128xf32> to vector<1000x128xf32>
    %get3A_28 = arith.constant 1 : index
    %get3A_29 = arith.constant 0 : index
    %get3A_30 = arith.constant 0 : index
    %get3A_31 = vector.load %arg3[%get3A_28, %get3A_29, %get3A_30] : memref<2x1000x128xf32, #tpu.memory_space<vmem>>, vector<1x1000x128xf32>
    %get3A_32 = vector.shape_cast %get3A_31 : vector<1x1000x128xf32> to vector<1000x128xf32>
    %add3A_33 = arith.addf %get3A_27, %get3A_32 : vector<1000x128xf32>
    %get3A_34 = arith.constant 0 : index
    %get3A_35 = arith.constant 0 : index
    %get3A_36 = vector.load %arg4[%get3A_34, %get3A_35] : memref<1000x2xf32, #tpu.memory_space<vmem>>, vector<1000x1xf32>
    %get3A_37 = vector.shape_cast %get3A_36 : vector<1000x1xf32> to vector<1000xf32>
    %get3A_38 = arith.constant 0 : index
    %get3A_39 = arith.constant 1 : index
    %get3A_40 = vector.load %arg4[%get3A_38, %get3A_39] : memref<1000x2xf32, #tpu.memory_space<vmem>>, vector<1000x1xf32>
    %get3A_41 = vector.shape_cast %get3A_40 : vector<1000x1xf32> to vector<1000xf32>
    %add3A_42 = arith.addf %get3A_37, %get3A_41 : vector<1000xf32>
    %max3A = arith.constant 1.000000e+00 : f32
    %max3A_43 = vector.broadcast %max3A : f32 to vector<1000xf32>
    %max3A_44 = arith.maximumf %add3A_42, %max3A_43 : vector<1000xf32>
    %get3A_45 = arith.constant 0 : index
    %get3A_46 = arith.constant 0 : index
    %get3A_47 = vector.load %arg12[%get3A_45, %get3A_46] : memref<128x128xf32, #tpu.memory_space<vmem>>, vector<128x128xf32>
    %dot_general3A_48 = arith.constant dense<0.000000e+00> : vector<1000x128xf32>
    %dot_general3A_49 = tpu.matmul %add3A_33, %get3A_47, %dot_general3A_48 {dimension_numbers = #tpu.dot_dimension_numbers<[1], [0], [0], [1], [0, 0, 1, 1], [], []>, transpose_lhs_hint = false} : vector<1000x128xf32>, vector<128x128xf32>, vector<1000x128xf32> -> vector<1000x128xf32>
    %broadcast_in_dim3A = vector.shape_cast %max3A_44 : vector<1000xf32> to vector<1000x1xf32>
    %div3A = vector.broadcast %broadcast_in_dim3A : vector<1000x1xf32> to vector<1000x128xf32>
    %div3A_50 = arith.divf %dot_general3A_49, %div3A : vector<1000x128xf32>
    %get3A_51 = arith.constant 0 : index
    %get3A_52 = arith.constant 0 : index
    %get3A_53 = arith.constant 0 : index
    %get3A_54 = vector.load %arg5[%get3A_51, %get3A_52, %get3A_53] : memref<2x1000x128xf32, #tpu.memory_space<vmem>>, vector<1x1000x128xf32>
    %get3A_55 = vector.shape_cast %get3A_54 : vector<1x1000x128xf32> to vector<1000x128xf32>
    %get3A_56 = arith.constant 1 : index
    %get3A_57 = arith.constant 0 : index
    %get3A_58 = arith.constant 0 : index
    %get3A_59 = vector.load %arg5[%get3A_56, %get3A_57, %get3A_58] : memref<2x1000x128xf32, #tpu.memory_space<vmem>>, vector<1x1000x128xf32>
    %get3A_60 = vector.shape_cast %get3A_59 : vector<1x1000x128xf32> to vector<1000x128xf32>
    %add3A_61 = arith.addf %get3A_55, %get3A_60 : vector<1000x128xf32>
    %get3A_62 = arith.constant 0 : index
    %get3A_63 = arith.constant 0 : index
    %get3A_64 = vector.load %arg6[%get3A_62, %get3A_63] : memref<1000x2xf32, #tpu.memory_space<vmem>>, vector<1000x1xf32>
    %get3A_65 = vector.shape_cast %get3A_64 : vector<1000x1xf32> to vector<1000xf32>
    %get3A_66 = arith.constant 0 : index
    %get3A_67 = arith.constant 1 : index
    %get3A_68 = vector.load %arg6[%get3A_66, %get3A_67] : memref<1000x2xf32, #tpu.memory_space<vmem>>, vector<1000x1xf32>
    %get3A_69 = vector.shape_cast %get3A_68 : vector<1000x1xf32> to vector<1000xf32>
    %add3A_70 = arith.addf %get3A_65, %get3A_69 : vector<1000xf32>
    %max3A_71 = arith.constant 1.000000e+00 : f32
    %max3A_72 = vector.broadcast %max3A_71 : f32 to vector<1000xf32>
    %max3A_73 = arith.maximumf %add3A_70, %max3A_72 : vector<1000xf32>
    %get3A_74 = arith.constant 0 : index
    %get3A_75 = arith.constant 0 : index
    %get3A_76 = vector.load %arg11[%get3A_74, %get3A_75] : memref<128x128xf32, #tpu.memory_space<vmem>>, vector<128x128xf32>
    %dot_general3A_77 = arith.constant dense<0.000000e+00> : vector<1000x128xf32>
    %dot_general3A_78 = tpu.matmul %add3A_61, %get3A_76, %dot_general3A_77 {dimension_numbers = #tpu.dot_dimension_numbers<[1], [0], [0], [1], [0, 0, 1, 1], [], []>, transpose_lhs_hint = false} : vector<1000x128xf32>, vector<128x128xf32>, vector<1000x128xf32> -> vector<1000x128xf32>
    %broadcast_in_dim3A_79 = vector.shape_cast %max3A_73 : vector<1000xf32> to vector<1000x1xf32>
    %div3A_80 = vector.broadcast %broadcast_in_dim3A_79 : vector<1000x1xf32> to vector<1000x128xf32>
    %div3A_81 = arith.divf %dot_general3A_78, %div3A_80 : vector<1000x128xf32>
    %get3A_82 = arith.constant 0 : index
    %get3A_83 = arith.constant 0 : index
    %get3A_84 = vector.load %arg13[%get3A_82, %get3A_83] : memref<128x128xf32, #tpu.memory_space<vmem>>, vector<128x128xf32>
    %dot_general3A_85 = arith.constant dense<0.000000e+00> : vector<1000x128xf32>
    %dot_general3A_86 = tpu.matmul %add3A_12, %get3A_84, %dot_general3A_85 {dimension_numbers = #tpu.dot_dimension_numbers<[1], [0], [0], [1], [0, 0, 1, 1], [], []>, transpose_lhs_hint = false} : vector<1000x128xf32>, vector<128x128xf32>, vector<1000x128xf32> -> vector<1000x128xf32>
    %get3A_87 = arith.constant 0 : index
    %get3A_88 = arith.constant 0 : index
    %get3A_89 = vector.load %arg14[%get3A_87, %get3A_88] : memref<1x128xf32, #tpu.memory_space<vmem>>, vector<1x128xf32>
    %add3A_90 = vector.broadcast %get3A_89 : vector<1x128xf32> to vector<1000x128xf32>
    %add3A_91 = arith.addf %dot_general3A_86, %add3A_90 : vector<1000x128xf32>
    %tanh3A = math.tanh %add3A_91 : vector<1000x128xf32>
    %get3A_92 = arith.constant 0 : index
    %get3A_93 = arith.constant 0 : index
    %get3A_94 = vector.load %arg13[%get3A_92, %get3A_93] : memref<128x128xf32, #tpu.memory_space<vmem>>, vector<128x128xf32>
    %dot_general3A_95 = arith.constant dense<0.000000e+00> : vector<1000x128xf32>
    %dot_general3A_96 = tpu.matmul %div3A_50, %get3A_94, %dot_general3A_95 {dimension_numbers = #tpu.dot_dimension_numbers<[1], [0], [0], [1], [0, 0, 1, 1], [], []>, transpose_lhs_hint = false} : vector<1000x128xf32>, vector<128x128xf32>, vector<1000x128xf32> -> vector<1000x128xf32>
    %get3A_97 = arith.constant 0 : index
    %get3A_98 = arith.constant 0 : index
    %get3A_99 = vector.load %arg14[%get3A_97, %get3A_98] : memref<1x128xf32, #tpu.memory_space<vmem>>, vector<1x128xf32>
    %add3A_100 = vector.broadcast %get3A_99 : vector<1x128xf32> to vector<1000x128xf32>
    %add3A_101 = arith.addf %dot_general3A_96, %add3A_100 : vector<1000x128xf32>
    %tanh3A_102 = math.tanh %add3A_101 : vector<1000x128xf32>
    %get3A_103 = arith.constant 0 : index
    %get3A_104 = arith.constant 0 : index
    %get3A_105 = vector.load %arg15[%get3A_103, %get3A_104] : memref<128x1xf32, #tpu.memory_space<vmem>>, vector<128x1xf32>
    %dot_general3A_106 = arith.constant dense<0.000000e+00> : vector<1000x1xf32>
    %dot_general3A_107 = tpu.matmul %tanh3A, %get3A_105, %dot_general3A_106 {dimension_numbers = #tpu.dot_dimension_numbers<[1], [0], [0], [1], [0, 0, 1, 1], [], []>, transpose_lhs_hint = false} : vector<1000x128xf32>, vector<128x1xf32>, vector<1000x1xf32> -> vector<1000x1xf32>
    %get3A_108 = arith.constant 0 : index
    %get3A_109 = arith.constant 0 : index
    %get3A_110 = vector.load %arg15[%get3A_108, %get3A_109] : memref<128x1xf32, #tpu.memory_space<vmem>>, vector<128x1xf32>
    %dot_general3A_111 = arith.constant dense<0.000000e+00> : vector<1000x1xf32>
    %dot_general3A_112 = tpu.matmul %tanh3A_102, %get3A_110, %dot_general3A_111 {dimension_numbers = #tpu.dot_dimension_numbers<[1], [0], [0], [1], [0, 0, 1, 1], [], []>, transpose_lhs_hint = false} : vector<1000x128xf32>, vector<128x1xf32>, vector<1000x1xf32> -> vector<1000x1xf32>
    %max3A_113 = arith.maximumf %dot_general3A_107, %dot_general3A_112 : vector<1000x1xf32>
    %sub3A = arith.subf %dot_general3A_107, %max3A_113 : vector<1000x1xf32>
    %exp3A = math.exp %sub3A : vector<1000x1xf32>
    %sub3A_114 = arith.subf %dot_general3A_112, %max3A_113 : vector<1000x1xf32>
    %exp3A_115 = math.exp %sub3A_114 : vector<1000x1xf32>
    %mul3A = vector.broadcast %exp3A : vector<1000x1xf32> to vector<1000x128xf32>
    %mul3A_116 = arith.mulf %mul3A, %add3A_12 : vector<1000x128xf32>
    %mul3A_117 = vector.broadcast %exp3A_115 : vector<1000x1xf32> to vector<1000x128xf32>
    %mul3A_118 = arith.mulf %mul3A_117, %div3A_50 : vector<1000x128xf32>
    %add3A_119 = arith.addf %mul3A_116, %mul3A_118 : vector<1000x128xf32>
    %add3A_120 = arith.addf %exp3A, %exp3A_115 : vector<1000x1xf32>
    %div3A_121 = vector.broadcast %add3A_120 : vector<1000x1xf32> to vector<1000x128xf32>
    %div3A_122 = arith.divf %add3A_119, %div3A_121 : vector<1000x128xf32>
    %swap3A = arith.constant 0 : index
    %swap3A_123 = arith.constant 0 : index
    %swap3A_124 = vector.load %arg16[%swap3A, %swap3A_123] : memref<1000x128xf32, #tpu.memory_space<vmem>>, vector<1000x128xf32>
    tpu.vector_store %arg16[%swap3A, %swap3A_123], %div3A_122 {strides = array<i32>} : memref<1000x128xf32, #tpu.memory_space<vmem>>, vector<1000x128xf32>,
    %get3A_125 = arith.constant 0 : index
    %get3A_126 = arith.constant 0 : index
    %get3A_127 = vector.load %arg13[%get3A_125, %get3A_126] : memref<128x128xf32, #tpu.memory_space<vmem>>, vector<128x128xf32>
    %dot_general3A_128 = arith.constant dense<0.000000e+00> : vector<1000x128xf32>
    %dot_general3A_129 = tpu.matmul %add3A_22, %get3A_127, %dot_general3A_128 {dimension_numbers = #tpu.dot_dimension_numbers<[1], [0], [0], [1], [0, 0, 1, 1], [], []>, transpose_lhs_hint = false} : vector<1000x128xf32>, vector<128x128xf32>, vector<1000x128xf32> -> vector<1000x128xf32>
    %get3A_130 = arith.constant 0 : index
    %get3A_131 = arith.constant 0 : index
    %get3A_132 = vector.load %arg14[%get3A_130, %get3A_131] : memref<1x128xf32, #tpu.memory_space<vmem>>, vector<1x128xf32>
    %add3A_133 = vector.broadcast %get3A_132 : vector<1x128xf32> to vector<1000x128xf32>
    %add3A_134 = arith.addf %dot_general3A_129, %add3A_133 : vector<1000x128xf32>
    %tanh3A_135 = math.tanh %add3A_134 : vector<1000x128xf32>
    %get3A_136 = arith.constant 0 : index
    %get3A_137 = arith.constant 0 : index
    %get3A_138 = vector.load %arg13[%get3A_136, %get3A_137] : memref<128x128xf32, #tpu.memory_space<vmem>>, vector<128x128xf32>
    %dot_general3A_139 = arith.constant dense<0.000000e+00> : vector<1000x128xf32>
    %dot_general3A_140 = tpu.matmul %div3A_81, %get3A_138, %dot_general3A_139 {dimension_numbers = #tpu.dot_dimension_numbers<[1], [0], [0], [1], [0, 0, 1, 1], [], []>, transpose_lhs_hint = false} : vector<1000x128xf32>, vector<128x128xf32>, vector<1000x128xf32> -> vector<1000x128xf32>
    %get3A_141 = arith.constant 0 : index
    %get3A_142 = arith.constant 0 : index
    %get3A_143 = vector.load %arg14[%get3A_141, %get3A_142] : memref<1x128xf32, #tpu.memory_space<vmem>>, vector<1x128xf32>
    %add3A_144 = vector.broadcast %get3A_143 : vector<1x128xf32> to vector<1000x128xf32>
    %add3A_145 = arith.addf %dot_general3A_140, %add3A_144 : vector<1000x128xf32>
    %tanh3A_146 = math.tanh %add3A_145 : vector<1000x128xf32>
    %get3A_147 = arith.constant 0 : index
    %get3A_148 = arith.constant 0 : index
    %get3A_149 = vector.load %arg15[%get3A_147, %get3A_148] : memref<128x1xf32, #tpu.memory_space<vmem>>, vector<128x1xf32>
    %dot_general3A_150 = arith.constant dense<0.000000e+00> : vector<1000x1xf32>
    %dot_general3A_151 = tpu.matmul %tanh3A_135, %get3A_149, %dot_general3A_150 {dimension_numbers = #tpu.dot_dimension_numbers<[1], [0], [0], [1], [0, 0, 1, 1], [], []>, transpose_lhs_hint = false} : vector<1000x128xf32>, vector<128x1xf32>, vector<1000x1xf32> -> vector<1000x1xf32>
    %get3A_152 = arith.constant 0 : index
    %get3A_153 = arith.constant 0 : index
    %get3A_154 = vector.load %arg15[%get3A_152, %get3A_153] : memref<128x1xf32, #tpu.memory_space<vmem>>, vector<128x1xf32>
    %dot_general3A_155 = arith.constant dense<0.000000e+00> : vector<1000x1xf32>
    %dot_general3A_156 = tpu.matmul %tanh3A_146, %get3A_154, %dot_general3A_155 {dimension_numbers = #tpu.dot_dimension_numbers<[1], [0], [0], [1], [0, 0, 1, 1], [], []>, transpose_lhs_hint = false} : vector<1000x128xf32>, vector<128x1xf32>, vector<1000x1xf32> -> vector<1000x1xf32>
    %max3A_157 = arith.maximumf %dot_general3A_151, %dot_general3A_156 : vector<1000x1xf32>
    %sub3A_158 = arith.subf %dot_general3A_151, %max3A_157 : vector<1000x1xf32>
    %exp3A_159 = math.exp %sub3A_158 : vector<1000x1xf32>
    %sub3A_160 = arith.subf %dot_general3A_156, %max3A_157 : vector<1000x1xf32>
    %exp3A_161 = math.exp %sub3A_160 : vector<1000x1xf32>
    %mul3A_162 = vector.broadcast %exp3A_159 : vector<1000x1xf32> to vector<1000x128xf32>
    %mul3A_163 = arith.mulf %mul3A_162, %add3A_22 : vector<1000x128xf32>
    %mul3A_164 = vector.broadcast %exp3A_161 : vector<1000x1xf32> to vector<1000x128xf32>
    %mul3A_165 = arith.mulf %mul3A_164, %div3A_81 : vector<1000x128xf32>
    %add3A_166 = arith.addf %mul3A_163, %mul3A_165 : vector<1000x128xf32>
    %add3A_167 = arith.addf %exp3A_159, %exp3A_161 : vector<1000x1xf32>
    %div3A_168 = vector.broadcast %add3A_167 : vector<1000x1xf32> to vector<1000x128xf32>
    %div3A_169 = arith.divf %add3A_166, %div3A_168 : vector<1000x128xf32>
    %swap3A_170 = arith.constant 0 : index
    %swap3A_171 = arith.constant 0 : index
    %swap3A_172 = vector.load %arg17[%swap3A_170, %swap3A_171] : memref<1000x128xf32, #tpu.memory_space<vmem>>, vector<1000x128xf32>
    tpu.vector_store %arg17[%swap3A_170, %swap3A_171], %div3A_169 {strides = array<i32>} : memref<1000x128xf32, #tpu.memory_space<vmem>>, vector<1000x128xf32>,
    return
  }
  func.func @transform_0(%arg0: i32) -> (i32, i32) {
    %c0_i32 = arith.constant 0 : i32
    %c0_i32_0 = arith.constant 0 : i32
    return %arg0, %c0_i32 : i32, i32
  }
  func.func @transform_1(%arg0: i32) -> (i32, i32) {
    %c0_i32 = arith.constant 0 : i32
    %c0_i32_0 = arith.constant 0 : i32
    return %arg0, %c0_i32 : i32, i32
  }
  func.func @transform_2(%arg0: i32) -> (i32, i32, i32) {
    %c0_i32 = arith.constant 0 : i32
    %c0_i32_0 = arith.constant 0 : i32
    %c0_i32_1 = arith.constant 0 : i32
    return %c0_i32, %arg0, %c0_i32_0 : i32, i32, i32
  }
  func.func @transform_3(%arg0: i32) -> (i32, i32) {
    %c0_i32 = arith.constant 0 : i32
    %c0_i32_0 = arith.constant 0 : i32
    return %arg0, %c0_i32 : i32, i32
  }
  func.func @transform_4(%arg0: i32) -> (i32, i32, i32) {
    %c0_i32 = arith.constant 0 : i32
    %c0_i32_0 = arith.constant 0 : i32
    %c0_i32_1 = arith.constant 0 : i32
    return %c0_i32, %arg0, %c0_i32_0 : i32, i32, i32
  }
  func.func @transform_5(%arg0: i32) -> (i32, i32) {
    %c0_i32 = arith.constant 0 : i32
    %c0_i32_0 = arith.constant 0 : i32
    return %arg0, %c0_i32 : i32, i32
  }
  func.func @transform_6(%arg0: i32) -> (i32, i32) {
    %c0_i32 = arith.constant 0 : i32
    %c0_i32_0 = arith.constant 0 : i32
    %c0_i32_1 = arith.constant 0 : i32
    return %c0_i32, %c0_i32_0 : i32, i32
  }
  func.func @transform_7(%arg0: i32) -> (i32, i32) {
    %c0_i32 = arith.constant 0 : i32
    %c0_i32_0 = arith.constant 0 : i32
    %c0_i32_1 = arith.constant 0 : i32
    return %c0_i32, %c0_i32_0 : i32, i32
  }
  func.func @transform_8(%arg0: i32) -> (i32, i32) {
    %c0_i32 = arith.constant 0 : i32
    %c0_i32_0 = arith.constant 0 : i32
    %c0_i32_1 = arith.constant 0 : i32
    return %c0_i32, %c0_i32_0 : i32, i32
  }
  func.func @transform_9(%arg0: i32) -> (i32, i32) {
    %c0_i32 = arith.constant 0 : i32
    %c0_i32_0 = arith.constant 0 : i32
    %c0_i32_1 = arith.constant 0 : i32
    return %c0_i32, %c0_i32_0 : i32, i32
  }
  func.func @transform_10(%arg0: i32) -> (i32, i32) {
    %c0_i32 = arith.constant 0 : i32
    %c0_i32_0 = arith.constant 0 : i32
    %c0_i32_1 = arith.constant 0 : i32
    return %c0_i32, %c0_i32_0 : i32, i32
  }
  func.func @transform_11(%arg0: i32) -> (i32, i32) {
    %c0_i32 = arith.constant 0 : i32
    %c0_i32_0 = arith.constant 0 : i32
    %c0_i32_1 = arith.constant 0 : i32
    return %c0_i32, %c0_i32_0 : i32, i32
  }
  func.func @transform_12(%arg0: i32) -> (i32, i32) {
    %c0_i32 = arith.constant 0 : i32
    %c0_i32_0 = arith.constant 0 : i32
    %c0_i32_1 = arith.constant 0 : i32
    return %c0_i32, %c0_i32_0 : i32, i32
  }
  func.func @transform_13(%arg0: i32) -> (i32, i32) {
    %c0_i32 = arith.constant 0 : i32
    %c0_i32_0 = arith.constant 0 : i32
    %c0_i32_1 = arith.constant 0 : i32
    return %c0_i32, %c0_i32_0 : i32, i32
  }
  func.func @transform_14(%arg0: i32) -> (i32, i32) {
    %c0_i32 = arith.constant 0 : i32
    %c0_i32_0 = arith.constant 0 : i32
    %c0_i32_1 = arith.constant 0 : i32
    return %c0_i32, %c0_i32_0 : i32, i32
  }
  func.func @transform_15(%arg0: i32) -> (i32, i32) {
    %c0_i32 = arith.constant 0 : i32
    %c0_i32_0 = arith.constant 0 : i32
    return %arg0, %c0_i32 : i32, i32
  }
  func.func @transform_16(%arg0: i32) -> (i32, i32) {
    %c0_i32 = arith.constant 0 : i32
    %c0_i32_0 = arith.constant 0 : i32
    return %arg0, %c0_i32 : i32, i32
  }
}

</mosaic_0001>

<sc_bundles>
// kernel: kernel.4.cloned.1.call-start
scs
__scs_entry_jumppad:
0x0: {  	(pc) =	sbr.rel $0x88, $3  }
0x1: {  	(tag) =	ssettag $0x0;
	lr =	simm.s32 $0x1  }
0x2: {  	[smem:$0x3F94] =	sst lr;
	_ =	strace $0xD0000000  }
0x3: {  	_ = 	snop  }
0x4: {  	_ = 	snop  }
0x5: {  	_ = 	snop  }
0x6: {  	_ = 	snop  }
0x7: {  	_ = 	snop  }
__scs_overlays_trampoline_lowered:
0x8: {  	[smem:$0x3FA3] =	sst s0  }
0x9: {  	[smem:$0x3FA4] =	sst s1  }
0xa: {  	[smem:$0x3FA5] =	sst s2  }
0xb: {  	[smem:$0x3FA6] =	sst s3  }
0xc: {  	[smem:$0x3FA7] =	sst s4  }
0xd: {  	[smem:$0x3FA8] =	sst s5  }
0xe: {  	[smem:$0x3FA9] =	sst s6  }
0xf: {  	[smem:$0x3FAA] =	sst s7  }
0x10: {  	[smem:$0x3FAB] =	sst s8  }
0x11: {  	[smem:$0x3FAC] =	sst s9;
	s0 =	simm.s32 @!p0 $0x0  }
0x12: {  	s1 =	sld [smem:$0x3F92];
	s0 =	simm.s32 @p0 $0x1  }
0x13: {  	[smem:$0x3FAD] =	sst s0;
	s0 =	simm.s32 @!p1 $0x0  }
0x14: {  	s2 =	sld [smem:$0x3F91];
	s0 =	simm.s32 @p1 $0x1  }
0x15: {  	[smem:$0x3FAE] =	sst s0;
	s0 =	simm.s32 @!p2 $0x0  }
0x16: {  	s3 =	sld [smem:$0x3FDB];
	s0 =	simm.s32 @p2 $0x1  }
0x17: {  	s4 =	simm.s32 $0x1BF5;
	[smem:$0x3FB0] =	sst s0  }
0x18: {  	s0 =	sld [smem:$0x3F93];
	_ =	swait.ge [sflag:s4], $0x0  }
0x19: {  	s7 =	sld [smem:$0x3F94]  }
0x1a: {  	s8 =	sadd.s32 $0xFFFFE003, lr  }
0x1b: {  	s9 =	sadd.s32 $0xFFFFFEF7, lr;
	s5 =	simm.s32 $0xFFFFFFFF;
	p2 =	slt.u32 s8, $0xFFFFF086  }
0x1c: {  	p1 =	slt.u32 s9, $0xF7A;
	s5 =	simm.s32 @!p2 $0x0  }
0x1d: {  	s5 =	simm.s32 @p1 $0x1;
	p0 =	seq.s32 s7, s2  }
0x1e: {  	s7 =	smul.u32 @!p0 $0xF7A, s2;
	p2 =	seq.s32 @!p0 s5, $0x0  }
0x1f: {  	s9 =	smul.u32 $0xF7A, s1;
	s8 =	simm.s32 @!p0 $0x1BF5;
	p2 =	por !p2, p0  }
0x20: {  	[sflag:s8] =	ssyncset.s32 @!p0 $0xFFFFF086;
	s6 =	sadd.s32 @!p0 s3, s7;
	s7 =	simm.s32 @!p0 $0x108  }
0x21: {  	s3 =	sadd.s32 s3, s9;
	s6 =	sadd.s32 @!p0 $0x88, s6;
	s7 =	simm.s32 @p2 $0x1082  }
0x22: {  	[simem:s7], [sflag:s8] =	dma.local @!p0 [hbm:s6], $0xF7A  }
0x23: {  	s9 =	sor.u32 $0xD0000000, s2;
	s6 =	simm.s32 $0x108;
	_ =	swait.ge @!p0 [sflag:s8], $0x0  }
0x24: {  	s3 =	sadd.s32 $0x88, s3;
	s6 =	simm.s32 @!p1 $0x1082;
	[sflag:s4] =	ssyncset.s32 $0xFFFFF086  }
0x25: {  	[simem:s6], [sflag:s4] =	dma.local [hbm:s3], $0xF7A  }
0x26: {  	[smem:$0x3F94] =	sst s1;
	(tag) =	ssettag s2;
	_ =	strace s9  }
0x27: {  	s1 =	sld [smem:$0x3FA4]  }
0x28: {  	s2 =	sld [smem:$0x3FA5]  }
0x29: {  	s4 =	sld [smem:$0x3FA7]  }
0x2a: {  	p0 =	seq.s32 s5, $0x0;
	s5 =	sld [smem:$0x3FA8]  }
0x2b: {  	s6 =	sld [smem:$0x3FA9]  }
0x2c: {  	s7 =	sld [smem:$0x3FAA]  }
0x2d: {  	s3 =	simm.s32 $0x108;
	s8 =	sld [smem:$0x3FAB]  }
0x2e: {  	s3 =	simm.s32 @!p0 $0x1082;
	s9 =	sld [smem:$0x3FAC]  }
0x2f: {  	lr =	sadd.s32 s0, s3;
	s0 =	sld [smem:$0x3FA3]  }
0x30: {  	s3 =	sld [smem:$0x3FA6]  }
0x31: {  	[smem:$0x3FAF] =	sst s10  }
0x32: {  	s10 =	sld [smem:$0x3FAD];
	_ =	sdelay $0x3  }
0x33: {  	p0 =	seq.s32 s10, $0x1;
	s10 =	sld [smem:$0x3FAF];
	_ =	sdelay $0x3  }
0x34: {  	[smem:$0x3FAF] =	sst s10  }
0x35: {  	s10 =	sld [smem:$0x3FAE];
	_ =	sdelay $0x3  }
0x36: {  	p1 =	seq.s32 s10, $0x1;
	s10 =	sld [smem:$0x3FAF];
	_ =	sdelay $0x3  }
0x37: {  	[smem:$0x3FAF] =	sst s10  }
0x38: {  	s10 =	sld [smem:$0x3FB0]  }
0x39: {  	_ = 	snop;
	(pc) =	sbr.ind lr, $3  }
0x3a: {  	_ = 	snop  }
0x3b: {  	_ = 	snop  }
0x3c: {  	p2 =	seq.s32 s10, $0x1;
	s10 =	sld [smem:$0x3FAF]  }
0x3d: {  	_ =	shalt  }
0x3e: {  	_ =	shalt  }
0x3f: {  	_ =	shalt  }
0x40: {  	_ =	shalt  }
0x41: {  	_ =	shalt  }
0x42: {  	_ =	shalt  }
0x43: {  	_ =	shalt  }
0x44: {  	_ =	shalt  }
0x45: {  	_ =	shalt  }
0x46: {  	_ =	shalt  }
0x47: {  	_ =	shalt  }
0x48: {  	_ =	shalt  }
0x49: {  	_ =	shalt  }
0x4a: {  	_ =	shalt  }
0x4b: {  	_ =	shalt  }
0x4c: {  	_ =	shalt  }
0x4d: {  	_ =	shalt  }
0x4e: {  	_ =	shalt  }
0x4f: {  	_ =	shalt  }
0x50: {  	_ =	shalt  }
0x51: {  	_ =	shalt  }
0x52: {  	_ =	shalt  }
0x53: {  	_ =	shalt  }
0x54: {  	_ =	shalt  }
0x55: {  	_ =	shalt  }
0x56: {  	_ =	shalt  }
0x57: {  	_ =	shalt  }
0x58: {  	_ =	shalt  }
0x59: {  	_ =	shalt  }
0x5a: {  	_ =	shalt  }
0x5b: {  	_ =	shalt  }
0x5c: {  	_ =	shalt  }
0x5d: {  	_ =	shalt  }
0x5e: {  	_ =	shalt  }
0x5f: {  	_ =	shalt  }
0x60: {  	_ =	shalt  }
0x61: {  	_ =	shalt  }
0x62: {  	_ =	shalt  }
0x63: {  	_ =	shalt  }
0x64: {  	_ =	shalt  }
0x65: {  	_ =	shalt  }
0x66: {  	_ =	shalt  }
0x67: {  	_ =	shalt  }
0x68: {  	_ =	shalt  }
0x69: {  	_ =	shalt  }
0x6a: {  	_ =	shalt  }
0x6b: {  	_ =	shalt  }
0x6c: {  	_ =	shalt  }
0x6d: {  	_ =	shalt  }
0x6e: {  	_ =	shalt  }
0x6f: {  	_ =	shalt  }
0x70: {  	_ =	shalt  }
0x71: {  	_ =	shalt  }
0x72: {  	_ =	shalt  }
0x73: {  	_ =	shalt  }
0x74: {  	_ =	shalt  }
0x75: {  	_ =	shalt  }
0x76: {  	_ =	shalt  }
0x77: {  	_ =	shalt  }
0x78: {  	_ =	shalt  }
0x79: {  	_ =	shalt  }
0x7a: {  	_ =	shalt  }
0x7b: {  	_ =	shalt  }
0x7c: {  	_ =	shalt  }
0x7d: {  	_ =	shalt  }
0x7e: {  	_ =	shalt  }
0x7f: {  	_ =	shalt  }
0x80: {  	_ =	shalt  }
0x81: {  	_ =	shalt  }
0x82: {  	_ =	shalt  }
0x83: {  	_ =	shalt  }
0x84: {  	_ =	shalt  }
0x85: {  	_ =	shalt  }
0x86: {  	_ =	shalt  }
0x87: {  	_ =	shalt  }
.Lfunc_end0:
.L_simem_size_0:
called_computation_lowered:
.L_overlay_start_0:
0x88: {  	s2 =	sld [smem:$0x3FD9]  }
0x89: {  	s3 =	sld [smem:$0x3FFE];
	_ =	sdelay $0x1  }
0x8a: {  	s1 =	srdreg.scid  }
0x8b: {  	s0 =	sand.u32 $0x1, s1  }
0x8c: {  	s14 =	sshll.u32 s0, $0xA;
	s2 =	sadd.s32 s3, s2  }
0x8d: {  	s2 =	sadd.s32 s2, s14  }
0x8e: {  	[smem:$0x3FBB] =	sst s2  }
0x8f: {  	_ = 	snop  }
0x90: {  	s2 =	sld [smem:$0x3FD0];
	_ =	sdelay $0x1  }
0x91: {  	s15 =	sld [smem:$0x3FC9]  }
0x92: {  	s5 =	simm.s32 $0xA;
	s6 =	simm.s32 $0x10;
	s4 =	sld [smem:$0x3FC8]  }
0x93: {  	[smem:s6], [sflag:s5] =	dma.local [hbm:s2], $0x1  }
0x94: {  	_ =	swait.eq [sflag:s5], $0x1  }
0x95: {  	[sflag:s5] =	ssyncset.done $0x0  }
0x96: {  	s16 =	sld [smem:$0x10];
	[sflag:s5] =	ssyncadd.s32 $0xFFFFFFFF  }
0x97: {  	s17 =	sld [smem:$0x11];
	(tm) =	ssettm $0x1  }
0x98: {  	s18 =	sld [smem:$0x3FFB];
	_ =	sdelay $0x3  }
0x99: {  	_ =	strace s18  }
0x9a: {  	s6 =	sld [smem:$0x3FFC];
	_ =	sdelay $0x3  }
0x9b: {  	_ =	strace s6  }
0x9c: {  	s6 =	sld [smem:$0x3FFD];
	_ =	sdelay $0x3  }
0x9d: {  	_ =	strace s6  }
0x9e: {  	_ =	strace $0x8FFFFFFF  }
0x9f: {  	s19 =	sld [smem:$0x3FDB];
	_ =	sdelay $0x1  }
0xa0: {  	s7 =	simm.s32 $_scs_section_size  }
0xa1: {  	s8 =	simm.s32 $_size__tile_overlayer_lowered;
	s9 =	simm.s32 $_tile_overlayer_lowered  }
0xa2: {  	s22 =	simm.s32 $0x1BFF;
	s21 =	sshll.u32 s9, $0x1;
	s6 =	sadd.s32 s7, s19  }
0xa3: {  	s10 =	simm.s32 $0x0;
	s20 =	sshll.u32 s8, $0x1;
	s8 =	sadd.s32 s21, s6  }
0xa4: {  	[timem:s10], [sflag:s22] =	dma.local [hbm:s8], s20  }
0xa5: {  	_ =	swait.ge [sflag:s22], s20  }
0xa6: {  	s7 =	ssub.s32 $0x0, s20;
	[sflag:s22] =	ssyncset.done $0x0  }
0xa7: {  	[sflag:s22] =	ssyncadd.s32 s7;
	_ =	sdelay $0x1  }
0xa8: {  	s23 =	simm.s32 $0x1B8B  }
0xa9: {  	_ =	swait.ge [sflag:s23], $0x1  }
0xaa: {  	[sflag:s23] =	ssyncset.done $0x0  }
0xab: {  	s25 =	simm.s32 $0x1B8E;
	s24 =	sld [smem:$0x3FFE];
	[sflag:s23] =	ssyncadd.s32 $0xFFFFFFFF  }
0xac: {  	s26 =	simm.s32 $execute0_lowered;
	[smem:$0x3FD2] =	sst s25  }
0xad: {  	s8 =	sshll.u32 s26, $0x1;
	_ =	strace $0x80000046;
	[dreg:$0x1] =	wrdreg $0xFFFFFFFF  }
0xae: {  	s28 =	simm.s32 $_size_execute0_lowered;
	s6 =	sadd.s32 s6, s8;
	[dreg:$0x0] =	wrdreg $0x0  }
0xaf: {  	s8 =	sshll.u32 s28, $0x1;
	[dreg:$0x2] =	wrdreg s6  }
0xb0: {  	[dreg:$0x3] =	wrdreg s8  }
0xb1: {  	[dreg:$0x4] =	wrdreg $0xC0  }
0xb2: {  	_ =	task [dreg:s10], $0x5FFFF  }
0xb3: {  	[dreg:$0x1] =	wrdreg $0xFFFFFFFF  }
0xb4: {  	[dreg:$0x0] =	wrdreg $0x60  }
0xb5: {  	[dreg:$0x2] =	wrdreg s15  }
0xb6: {  	[dreg:$0x3] =	wrdreg s4  }
0xb7: {  	[dreg:$0x4] =	wrdreg s17  }
0xb8: {  	[dreg:$0x5] =	wrdreg s24  }
0xb9: {  	[dreg:$0x6] =	wrdreg s16  }
0xba: {  	[dreg:$0x7] =	wrdreg $0x0  }
0xbb: {  	[dreg:$0x8] =	wrdreg $0x140000  }
0xbc: {  	[dreg:$0x9] =	wrdreg $0x9  }
0xbd: {  	_ =	task.clear_ibuf [dreg:s10], $0xAFFFF;
	_ =	strace $0x90000046  }
0xbe: {  	s29 =	simm.s32 $0x9;
	_ =	strace $0x80000048  }
0xbf: {  	_ =	swait.ge [sflag:s29], $0x1  }
0xc0: {  	[sflag:s29] =	ssyncadd.s32 $0xFFFFFFFF  }
0xc1: {  	_ =	strace $0x90000048  }
0xc2: {  	_ =	sfence  }
0xc3: {  	s30 =	sld [smem:$0x0];
	_ =	sdelay $0x2  }
0xc4: {  	s31 =	sshll.u32 s1, $0xD;
	s1 =	sshrl.u32 s1, $0x2  }
0xc5: {  	s3 =	sand.u32 $0x4000, s31;
	s1 =	sadd.s32 s1, s30  }
0xc6: {  	s0 =	sor.u32 s3, s0;
	s1 =	sshll.u32 s1, $0x11  }
0xc7: {  	s0 =	sor.u32 s1, s0  }
0xc8: {  	s0 =	sadd.s32 $0x8F2B, s0  }
0xc9: {  	[sflag:s0] =	ssyncadd.remote.s32 $0x1  }
0xca: {  	_ =	sfence.sel $0xFFFF  }
0xcb: {  	[dreg:$0x0] =	wrdreg $0xFFFFFFFF;
	(pc) =	sbr.abs _section_cstart, $3  }
0xcc: {  	[dreg:$0x1] =	wrdreg $0xFFFFFFFF  }
0xcd: {  	_ =	task.clear_ibuf [dreg:s10], $0x2FFFF;
	_ =	strace $0x9FFFFFFF  }
0xce: {  	(tm) =	ssettm $0x7FFFFFFF  }
0xcf: {  	_ =	shalt  }
tec
execute0_lowered:
.L_overlay_start_1:
0x0: {  	(tag) =	ssettag $0x1  }
0x1: {  	s1 =	rddreg [dreg:$0x1]  }
0x2: {  	s9 =	rddreg [dreg:$0x2]  }
0x3: {  	s2 =	rddreg [dreg:$0x3]  }
0x4: {  	s7 =	rddreg [dreg:$0x4]  }
0x5: {  	s5 =	srdreg.scid;
	s21 =	stileid.u32  }
0x6: {  	s3 =	rddreg [dreg:$0x5];
	s10 =	sand.u32 $0x1, s5;
	s11 =	smul.u32 $0x2800, s21  }
0x7: {  	s4 =	rddreg [dreg:$0x6];
	s6 =	simm.s32 $0x0;
	s5 =	smul.u32 $0x28000, s10  }
0x8: {  	[smem:$0x7FF] =	sst s6;
	s12 =	sadd.s32 $0xBE00, s2  }
0x9: {  	_ =	strace $0x80000047;
	s13 =	sshll.u32 s10, $0x4;
	s5 =	sadd.s32 s11, s5  }
0xa: {  	s25 =	ssub.s32 $0x2, s10;
	s13 =	sor.u32 s21, s13;
	s14 =	sor.u32 $0x400, s5  }
0xb: {  	s15 =	sshrl.u32 s25, $0x1;
	s13 =	smul.u32 $0x2800, s13;
	s14 =	sshrl.u32 s14, $0x3  }
0xc: {  	s17 =	sor.u32 $0x380, s5;
	s18 =	sor.u32 $0x300, s5;
	s16 =	sadd.s32 s14, s12  }
0xd: {  	s17 =	sshrl.u32 s17, $0x3;
	s26 =	sadd.s32 s14, s9;
	[dreg:$0x8] =	wrdreg s16  }
0xe: {  	s5 =	sor.u32 $0x280, s5;
	s0 =	sadd.s32 s17, s12;
	[dreg:$0x9] =	wrdreg s26  }
0xf: {  	s18 =	sshrl.u32 s18, $0x3;
	s19 =	sadd.s32 s17, s9;
	[dreg:$0xa] =	wrdreg s0  }
0x10: {  	s13 =	sshrl.u32 s13, $0x3;
	s20 =	sadd.s32 s18, s12;
	[dreg:$0xb] =	wrdreg s19  }
0x11: {  	s22 =	sadd.s32 s18, s9;
	[dreg:$0xc] =	wrdreg s20;
	s19 =	sshrl.u32 s5, $0x3  }
0x12: {  	s5 =	ssub.s32 s25, s15;
	[dreg:$0xd] =	wrdreg s22;
	s25 =	sadd.s32 s9, s13  }
0x13: {  	s0 =	sadd.s32 s12, s13;
	[dreg:$0x18] =	wrdreg s25  }
0x14: {  	s8 =	sadd.s32 $0x1E00, s2;
	s26 =	sadd.s32 s14, s7;
	[dreg:$0x19] =	wrdreg s0  }
0x15: {  	s15 =	sadd.s32 s14, s8;
	[dreg:$0x10] =	wrdreg s26  }
0x16: {  	s16 =	sadd.s32 s17, s7;
	[dreg:$0x11] =	wrdreg s15  }
0x17: {  	s22 =	sadd.s32 s17, s8;
	[dreg:$0x12] =	wrdreg s16  }
0x18: {  	s23 =	sadd.s32 s19, s12;
	[dreg:$0x13] =	wrdreg s22  }
0x19: {  	s14 =	sor.u32 $0x10, s13;
	s24 =	sadd.s32 s19, s9;
	[dreg:$0xe] =	wrdreg s23  }
0x1a: {  	s20 =	sadd.s32 s9, s14;
	[dreg:$0xf] =	wrdreg s24  }
0x1b: {  	s25 =	sadd.s32 s18, s8;
	[dreg:$0x1a] =	wrdreg s20  }
0x1c: {  	s0 =	sadd.s32 s19, s7;
	[dreg:$0x15] =	wrdreg s25  }
0x1d: {  	s23 =	sadd.s32 s12, s14;
	[dreg:$0x16] =	wrdreg s0  }
0x1e: {  	s15 =	sor.u32 $0x20, s13;
	s24 =	sadd.s32 s18, s7;
	[dreg:$0x1b] =	wrdreg s23  }
0x1f: {  	s16 =	sor.u32 $0x30, s13;
	s26 =	sadd.s32 s9, s15;
	[dreg:$0x14] =	wrdreg s24  }
0x20: {  	s17 =	sor.u32 $0x40, s13;
	s18 =	sadd.s32 s9, s16;
	[dreg:$0x1c] =	wrdreg s26  }
0x21: {  	s9 =	sadd.s32 s9, s17;
	[dreg:$0x1d] =	wrdreg s18  }
0x22: {  	s20 =	sadd.s32 s12, s15;
	[dreg:$0x1e] =	wrdreg s9  }
0x23: {  	s22 =	sadd.s32 s12, s16;
	[dreg:$0x1f] =	wrdreg s20  }
0x24: {  	s25 =	sadd.s32 s8, s13;
	[smem:$0x7DD] =	sst s22  }
0x25: {  	s0 =	sadd.s32 s8, s14;
	[smem:$0x7DF] =	sst s25  }
0x26: {  	s23 =	sadd.s32 s12, s17;
	[smem:$0x7E1] =	sst s0  }
0x27: {  	s28 =	simm.s32 $0x14300;
	s26 =	sadd.s32 s7, s13;
	[smem:$0x7DE] =	sst s23  }
0x28: {  	s29 =	simm.s32 $0x14500;
	s12 =	sadd.s32 s7, s14;
	[smem:$0x7E0] =	sst s26  }
0x29: {  	s30 =	simm.s32 $0x14380;
	s13 =	sadd.s32 s8, s15;
	[smem:$0x7E2] =	sst s12  }
0x2a: {  	s31 =	simm.s32 $0x14580;
	s14 =	sadd.s32 s7, s15;
	[smem:$0x7E3] =	sst s13  }
0x2b: {  	s11 =	smul.u32 $0x280, s21;
	s15 =	sadd.s32 s8, s16;
	[smem:$0x7E4] =	sst s14  }
0x2c: {  	s24 =	smul.u32 $0x2800, s10;
	s16 =	sadd.s32 s7, s16;
	[smem:$0x7E5] =	sst s15  }
0x2d: {  	s10 =	smul.u32 $0x140000, s10;
	s7 =	sadd.s32 s7, s17;
	[smem:$0x7E6] =	sst s16  }
0x2e: {  	s18 =	sadd.s32 s8, s17;
	s20 =	sshll.u32 s11, $0x7;
	[smem:$0x7E7] =	sst s7  }
0x2f: {  	s22 =	smul.u32 $0x14000, s21;
	[smem:$0x7E8] =	sst s18;
	s7 =	sadd.s32 s19, s8  }
0x30: {  	s13 =	sadd.s32 $0x4000, s20;
	s14 =	sadd.s32 $0x8000, s20;
	s15 =	sadd.s32 $0xC000, s20  }
0x31: {  	s8 =	sadd.s32 $0x10000, s20;
	s26 =	sadd.s32 $0x66800, s2;
	s9 =	sadd.s32 s11, s24  }
0x32: {  	s12 =	sadd.s32 s22, s10;
	s23 =	sadd.s32 s10, s13;
	s24 =	sadd.s32 s10, s14  }
0x33: {  	s25 =	sadd.s32 s10, s15;
	s10 =	sadd.s32 s10, s8;
	s12 =	sshrl.u32 s12, $0x3  }
0x34: {  	[dreg:$0x17] =	wrdreg s7;
	s16 =	sshrl.u32 s23, $0x3;
	s22 =	sadd.s32 s26, s12  }
0x35: {  	s17 =	sshrl.u32 s24, $0x3;
	s0 =	sadd.s32 s26, s16;
	[smem:$0x7E9] =	sst s22  }
0x36: {  	s18 =	sshrl.u32 s25, $0x3;
	s23 =	sadd.s32 s26, s17;
	[smem:$0x7EA] =	sst s0  }
0x37: {  	s10 =	sshrl.u32 s10, $0x3;
	s24 =	sadd.s32 s26, s18;
	[smem:$0x7EB] =	sst s23  }
0x38: {  	s20 =	sadd.s32 $0x16800, s2;
	s19 =	sadd.s32 s26, s10;
	[smem:$0x7EC] =	sst s24  }
0x39: {  	s12 =	sadd.s32 s20, s12;
	s25 =	sadd.s32 s20, s16;
	[smem:$0x7ED] =	sst s19  }
0x3a: {  	s26 =	sadd.s32 s20, s17;
	s16 =	smul.u32 $0x50000, s21;
	[smem:$0x7EE] =	sst s12  }
0x3b: {  	s10 =	sadd.s32 s20, s10;
	s17 =	sshrl.u32 s9, $0x3;
	[smem:$0x7EF] =	sst s25  }
0x3c: {  	s9 =	simm.s32 $0x1;
	[smem:$0x7F0] =	sst s26;
	s0 =	sadd.s32 s20, s18  }
0x3d: {  	[smem:$0x7F2] =	sst s10;
	s7 =	sadd.s32 s17, s2;
	s19 =	sadd.s32 $0x15E00, s2  }
0x3e: {  	s2 =	sadd.s32 $0x16600, s2;
	s20 =	sadd.s32 s13, s3;
	s23 =	sadd.s32 s15, s3  }
0x3f: {  	s24 =	sadd.s32 s8, s3;
	s25 =	sadd.s32 s11, s4;
	[smem:$0x7F1] =	sst s0  }
0x40: {  	s26 =	smax.u32 s5, $0x1;
	s17 =	simm.s32 $0x1C700;
	[smem:$0x7F3] =	sst s19  }
0x41: {  	s5 =	simm.s32 $0x80;
	s8 =	simm.s32 $0x18680;
	[smem:$0x7F4] =	sst s2  }
0x42: {  	s10 =	simm.s32 $0x1C680;
	s11 =	simm.s32 $0x7;
	[smem:$0x7F6] =	sst s20  }
0x43: {  	s12 =	simm.s32 $0x2;
	s13 =	simm.s32 $0x6;
	[smem:$0x7F9] =	sst s26  }
0x44: {  	s18 =	sshrl.u32 s16, $0x2;
	s21 =	sadd.s32 $0xB7200, s7;
	[smem:$0x7FB] =	sst s23  }
0x45: {  	s22 =	sadd.s32 $0xB6800, s7;
	s26 =	simm.s32 $0x14480;
	[smem:$0x7FC] =	sst s24  }
0x46: {  	s2 =	simm.s32 $0x3;
	s7 =	simm.s32 $0x4;
	[smem:$0x7FD] =	sst s25  }
0x47: {  	s19 =	simm.s32 $0x14400;
	s20 =	simm.s32 $0x14600;
	[smem:$0x7F7] =	sst s21  }
0x48: {  	s0 =	sadd.s32 s18, s3;
	s18 =	sadd.s32 s14, s3;
	[smem:$0x7F8] =	sst s22  }
0x49: {  	s22 =	simm.s32 $0x14680;
	s21 =	simm.s32 $0x5;
	[smem:$0x7F5] =	sst s0  }
0x4a: {  	v0 =	vimm.f32 $1.000000000e+00;
	s14 =	simm.s32 $0x8;
	s0 =	simm.s32 $0x0;
	[smem:$0x7FA] =	sst s18  }
.LBB2_1:
0x4b: {  	[tilespmem:$0x1C680] =	vst v0  }
0x4c: {  	[tilespmem:$0x1C690] =	vst v0  }
0x4d: {  	[tilespmem:$0x1C6A0] =	vst v0  }
0x4e: {  	[tilespmem:$0x1C6B0] =	vst v0  }
0x4f: {  	[tilespmem:$0x1C6C0] =	vst v0  }
0x50: {  	[tilespmem:$0x1C6D0] =	vst v0;
	s15 =	sld [smem:$0x7F3]  }
0x51: {  	[tilespmem:$0x1C6E0] =	vst v0  }
0x52: {  	[smem:$0x7DC] =	sst s0;
	[tilespmem:$0x1C6F0] =	vst v0;
	s16 =	simm.s32 $0x9  }
0x53: {  	[tilespmem:s22], [sflag:$0x9] =	stream.linear.gather [hbm4b:s15+s6], $0x4000, $0x38;
	[tilespmem:$0x1C980] =	vst v63  }
0x54: {  	_ =	swait.ge [sflag:s16], $0x4000  }
0x55: {  	s15 =	sld [smem:$0x7F5]  }
0x56: {  	[sflag:s16] =	ssyncset.done $0x0  }
0x57: {  	[sflag:s16] =	ssyncadd.s32 $0xFFFFC000  }
0x58: {  	[spmem:s15] =	stream.linear.scatter [tilespmem:s22], [sflag:$0x9], $0x4000, $0x38;
	[tilespmem:$0x1C980] =	vst v63  }
0x59: {  	_ =	swait.ge [sflag:s16], $0x4000  }
0x5a: {  	s15 =	sld [smem:$0x7F6]  }
0x5b: {  	[sflag:s16] =	ssyncset.done $0x0  }
0x5c: {  	[sflag:s16] =	ssyncadd.s32 $0xFFFFC000  }
0x5d: {  	[spmem:s15] =	stream.linear.scatter [tilespmem:s22], [sflag:$0x9], $0x4000, $0x38;
	[tilespmem:$0x1C980] =	vst v63  }
0x5e: {  	_ =	swait.ge [sflag:s16], $0x4000  }
0x5f: {  	[sflag:s16] =	ssyncset.done $0x0  }
0x60: {  	[sflag:s16] =	ssyncadd.s32 $0xFFFFC000  }
0x61: {  	[spmem:s18] =	stream.linear.scatter [tilespmem:s22], [sflag:$0x9], $0x4000, $0x38;
	[tilespmem:$0x1C980] =	vst v63  }
0x62: {  	_ =	swait.ge [sflag:s16], $0x4000  }
0x63: {  	[sflag:s16] =	ssyncset.done $0x0  }
0x64: {  	[sflag:s16] =	ssyncadd.s32 $0xFFFFC000  }
0x65: {  	[spmem:s23] =	stream.linear.scatter [tilespmem:s22], [sflag:$0x9], $0x4000, $0x38;
	[tilespmem:$0x1C980] =	vst v63  }
0x66: {  	_ =	swait.ge [sflag:s16], $0x4000  }
0x67: {  	[sflag:s16] =	ssyncset.done $0x0  }
0x68: {  	[sflag:s16] =	ssyncadd.s32 $0xFFFFC000  }
0x69: {  	[spmem:s24] =	stream.linear.scatter [tilespmem:s22], [sflag:$0x9], $0x4000, $0x38;
	[tilespmem:$0x1C980] =	vst v63  }
0x6a: {  	_ =	swait.ge [sflag:s16], $0x4000  }
0x6b: {  	s0 =	sld [smem:$0x7F4]  }
0x6c: {  	[sflag:s16] =	ssyncset.done $0x0  }
0x6d: {  	[sflag:s16] =	ssyncadd.s32 $0xFFFFC000  }
0x6e: {  	[tilespmem:s17], [sflag:$0x9] =	stream.linear.gather [hbm4b:s0+s6], $0x280, $0x38;
	[tilespmem:$0x1C980] =	vst v63  }
0x6f: {  	_ =	swait.ge [sflag:s16], $0x280  }
0x70: {  	[sflag:s16] =	ssyncset.done $0x0  }
0x71: {  	[sflag:s16] =	ssyncadd.s32 $0xFFFFFD80  }
0x72: {  	[spmem:s25] =	stream.linear.scatter [tilespmem:s17], [sflag:$0x9], $0x280, $0x38;
	[tilespmem:$0x1C980] =	vst v63  }
0x73: {  	_ =	swait.ge [sflag:s16], $0x280  }
0x74: {  	[sflag:s16] =	ssyncset.done $0x0  }
0x75: {  	[sflag:s16] =	ssyncadd.s32 $0xFFFFFD80  }
0x76: {  	[bflag:$0x0] =	sbarrier.arrive $0xFFFF  }
0x77: {  	s18 =	simm.s32 $0x14280;
	s16 =	rddreg [dreg:$0x18]  }
0x78: {  	[tilespmem:s18], [sflag:$0x3] =	stream.linear.gather [hbm4b:s16+s6], $0x80, $0x38;
	[tilespmem:$0x1C980] =	vst v63  }
0x79: {  	s17 =	rddreg [dreg:$0x19]  }
0x7a: {  	[tilespmem:s26], [sflag:$0x3] =	stream.linear.gather [hbm4b:s17+s6], $0x80, $0x38;
	[tilespmem:$0x1C980] =	vst v63  }
0x7b: {  	s23 =	rddreg [dreg:$0x1a]  }
0x7c: {  	[tilespmem:s28], [sflag:$0x4] =	stream.linear.gather [hbm4b:s23+s6], $0x80, $0x38;
	[tilespmem:$0x1C980] =	vst v63  }
0x7d: {  	s24 =	rddreg [dreg:$0x1b]  }
0x7e: {  	[tilespmem:s29], [sflag:$0x4] =	stream.linear.gather [hbm4b:s24+s6], $0x80, $0x38;
	[tilespmem:$0x1C980] =	vst v63  }
0x7f: {  	s25 =	rddreg [dreg:$0x1c]  }
0x80: {  	[tilespmem:s30], [sflag:$0x5] =	stream.linear.gather [hbm4b:s25+s6], $0x80, $0x38;
	[tilespmem:$0x1C980] =	vst v63  }
0x81: {  	s0 =	rddreg [dreg:$0x1f]  }
0x82: {  	[tilespmem:s31], [sflag:$0x5] =	stream.linear.gather [hbm4b:s0+s6], $0x80, $0x38;
	[tilespmem:$0x1C980] =	vst v63  }
0x83: {  	_ =	swait.ge [sflag:s2], $0x80  }
0x84: {  	[sflag:s2] =	ssyncset.done $0x0  }
0x85: {  	[sflag:s2] =	ssyncadd.s32 $0xFFFFFF80  }
0x86: {  	_ =	swait.ge [sflag:s2], $0x80  }
0x87: {  	[sflag:s2] =	ssyncset.done $0x0  }
0x88: {  	[sflag:s2] =	ssyncadd.s32 $0xFFFFFF80  }
0x89: {  	s25 =	rddreg [dreg:$0x0]  }
0x8a: {  	[tilespmem:s22], [sflag:$0x1] =	stream.indirect.gather [hbm4b:s25+s5], $0x80, s18, s5, $0xb8;
	[tilespmem:$0x1C980] =	vst v63  }
0x8b: {  	_ =	swait.ge [sflag:s7], $0x80  }
0x8c: {  	[sflag:s7] =	ssyncset.done $0x0  }
0x8d: {  	[sflag:s7] =	ssyncadd.s32 $0xFFFFFF80  }
0x8e: {  	_ =	swait.ge [sflag:s7], $0x80  }
0x8f: {  	[sflag:s7] =	ssyncset.done $0x0  }
0x90: {  	[sflag:s7] =	ssyncadd.s32 $0xFFFFFF80  }
0x91: {  	[tilespmem:s8], [sflag:$0x2] =	stream.indirect.gather [hbm4b:s25+s5], $0x80, s28, s5, $0xb8;
	[tilespmem:$0x1C980] =	vst v63  }
0x92: {  	_ =	swait.ge [sflag:s9], $0x4000  }
0x93: {  	[sflag:s9] =	ssyncset.done $0x0  }
0x94: {  	[sflag:s9] =	ssyncadd.s32 $0xFFFFC000  }
0x95: {  	[spmem:s3] =	stream.indirect.scatter.add.f32 [tilespmem:s22], [sflag:$0x7], $0x80, s26, s5, $0xb8;
	[tilespmem:$0x1C980] =	vst v63  }
0x96: {  	s16 =	rddreg [dreg:$0x1d]  }
0x97: {  	[spmem:s4] =	stream.indirect.scatter.add.f32 [tilespmem:s10], [sflag:$0x7], $0x1, s26, s5, $0xb8;
	[tilespmem:$0x1C980] =	vst v63  }
0x98: {  	s17 =	sld [smem:$0x7DD]  }
0x99: {  	[tilespmem:s19], [sflag:$0x6] =	stream.linear.gather [hbm4b:s16+s6], $0x80, $0x38;
	[tilespmem:$0x1C980] =	vst v63  }
0x9a: {  	_ = 	snop  }
0x9b: {  	[tilespmem:s20], [sflag:$0x6] =	stream.linear.gather [hbm4b:s17+s6], $0x80, $0x38;
	[tilespmem:$0x1C980] =	vst v63  }
0x9c: {  	_ =	swait.ge [sflag:s21], $0x80  }
0x9d: {  	[sflag:s21] =	ssyncset.done $0x0  }
0x9e: {  	[sflag:s21] =	ssyncadd.s32 $0xFFFFFF80  }
0x9f: {  	_ =	swait.ge [sflag:s21], $0x80  }
0xa0: {  	[sflag:s21] =	ssyncset.done $0x0  }
0xa1: {  	[sflag:s21] =	ssyncadd.s32 $0xFFFFFF80  }
0xa2: {  	_ =	swait.ge [sflag:s11], $0x4000  }
0xa3: {  	[sflag:s11] =	ssyncset.done $0x0  }
0xa4: {  	[sflag:s11] =	ssyncadd.s32 $0xFFFFC000  }
0xa5: {  	_ =	swait.ge [sflag:s11], $0x80  }
0xa6: {  	[sflag:s11] =	ssyncset.done $0x0  }
0xa7: {  	[sflag:s11] =	ssyncadd.s32 $0xFFFFFF80  }
0xa8: {  	[tilespmem:s22], [sflag:$0x1] =	stream.indirect.gather [hbm4b:s25+s5], $0x80, s30, s5, $0xb8;
	[tilespmem:$0x1C980] =	vst v63  }
0xa9: {  	_ =	swait.ge [sflag:s12], $0x4000  }
0xaa: {  	[sflag:s12] =	ssyncset.done $0x0  }
0xab: {  	[sflag:s12] =	ssyncadd.s32 $0xFFFFC000  }
0xac: {  	[spmem:s3] =	stream.indirect.scatter.add.f32 [tilespmem:s8], [sflag:$0x8], $0x80, s29, s5, $0xb8;
	[tilespmem:$0x1C980] =	vst v63  }
0xad: {  	s23 =	rddreg [dreg:$0x1e]  }
0xae: {  	[spmem:s4] =	stream.indirect.scatter.add.f32 [tilespmem:s10], [sflag:$0x8], $0x1, s29, s5, $0xb8;
	[tilespmem:$0x1C980] =	vst v63  }
0xaf: {  	s24 =	sld [smem:$0x7DE]  }
0xb0: {  	[tilespmem:s18], [sflag:$0x3] =	stream.linear.gather [hbm4b:s23+s6], $0x80, $0x38;
	[tilespmem:$0x1C980] =	vst v63  }
0xb1: {  	_ = 	snop  }
0xb2: {  	[tilespmem:s26], [sflag:$0x3] =	stream.linear.gather [hbm4b:s24+s6], $0x80, $0x38;
	[tilespmem:$0x1C980] =	vst v63  }
0xb3: {  	_ =	swait.ge [sflag:s13], $0x80  }
0xb4: {  	[sflag:s13] =	ssyncset.done $0x0  }
0xb5: {  	[sflag:s13] =	ssyncadd.s32 $0xFFFFFF80  }
0xb6: {  	_ =	swait.ge [sflag:s13], $0x80  }
0xb7: {  	[sflag:s13] =	ssyncset.done $0x0  }
0xb8: {  	[sflag:s13] =	ssyncadd.s32 $0xFFFFFF80  }
0xb9: {  	_ =	swait.ge [sflag:s14], $0x4000  }
0xba: {  	[sflag:s14] =	ssyncset.done $0x0  }
0xbb: {  	[sflag:s14] =	ssyncadd.s32 $0xFFFFC000  }
0xbc: {  	_ =	swait.ge [sflag:s14], $0x80  }
0xbd: {  	[sflag:s14] =	ssyncset.done $0x0  }
0xbe: {  	[sflag:s14] =	ssyncadd.s32 $0xFFFFFF80  }
0xbf: {  	[tilespmem:s8], [sflag:$0x2] =	stream.indirect.gather [hbm4b:s25+s5], $0x80, s19, s5, $0xb8;
	[tilespmem:$0x1C980] =	vst v63  }
0xc0: {  	_ =	swait.ge [sflag:s9], $0x4000  }
0xc1: {  	[sflag:s9] =	ssyncset.done $0x0  }
0xc2: {  	[sflag:s9] =	ssyncadd.s32 $0xFFFFC000  }
0xc3: {  	[spmem:s3] =	stream.indirect.scatter.add.f32 [tilespmem:s22], [sflag:$0x7], $0x80, s31, s5, $0xb8;
	[tilespmem:$0x1C980] =	vst v63  }
0xc4: {  	s0 =	rddreg [dreg:$0xf]  }
0xc5: {  	[spmem:s4] =	stream.indirect.scatter.add.f32 [tilespmem:s10], [sflag:$0x7], $0x1, s31, s5, $0xb8;
	[tilespmem:$0x1C980] =	vst v63  }
0xc6: {  	s15 =	rddreg [dreg:$0xe];
	s16 =	sadd.s32 $0x0, s0  }
0xc7: {  	[tilespmem:s28], [sflag:$0x4] =	stream.linear.gather [hbm4b:s16+s6], $0x80, $0x38;
	[tilespmem:$0x1C980] =	vst v63  }
0xc8: {  	s23 =	sadd.s32 $0x0, s15  }
0xc9: {  	[tilespmem:s29], [sflag:$0x4] =	stream.linear.gather [hbm4b:s23+s6], $0x80, $0x38;
	[tilespmem:$0x1C980] =	vst v63  }
0xca: {  	_ =	swait.ge [sflag:s2], $0x80  }
0xcb: {  	[sflag:s2] =	ssyncset.done $0x0  }
0xcc: {  	[sflag:s2] =	ssyncadd.s32 $0xFFFFFF80  }
0xcd: {  	_ =	swait.ge [sflag:s2], $0x80  }
0xce: {  	[sflag:s2] =	ssyncset.done $0x0  }
0xcf: {  	[sflag:s2] =	ssyncadd.s32 $0xFFFFFF80  }
0xd0: {  	_ =	swait.ge [sflag:s11], $0x4000  }
0xd1: {  	[sflag:s11] =	ssyncset.done $0x0  }
0xd2: {  	[sflag:s11] =	ssyncadd.s32 $0xFFFFC000  }
0xd3: {  	_ =	swait.ge [sflag:s11], $0x80  }
0xd4: {  	[sflag:s11] =	ssyncset.done $0x0  }
0xd5: {  	[sflag:s11] =	ssyncadd.s32 $0xFFFFFF80  }
0xd6: {  	[tilespmem:s22], [sflag:$0x1] =	stream.indirect.gather [hbm4b:s25+s5], $0x80, s18, s5, $0xb8;
	[tilespmem:$0x1C980] =	vst v63  }
0xd7: {  	_ =	swait.ge [sflag:s12], $0x4000  }
0xd8: {  	[sflag:s12] =	ssyncset.done $0x0  }
0xd9: {  	[sflag:s12] =	ssyncadd.s32 $0xFFFFC000  }
0xda: {  	[spmem:s3] =	stream.indirect.scatter.add.f32 [tilespmem:s8], [sflag:$0x8], $0x80, s20, s5, $0xb8;
	[tilespmem:$0x1C980] =	vst v63  }
0xdb: {  	s24 =	rddreg [dreg:$0xd]  }
0xdc: {  	[spmem:s4] =	stream.indirect.scatter.add.f32 [tilespmem:s10], [sflag:$0x8], $0x1, s20, s5, $0xb8;
	[tilespmem:$0x1C980] =	vst v63  }
0xdd: {  	s15 =	rddreg [dreg:$0xc];
	s16 =	sadd.s32 $0x0, s24  }
0xde: {  	[tilespmem:s30], [sflag:$0x5] =	stream.linear.gather [hbm4b:s16+s6], $0x80, $0x38;
	[tilespmem:$0x1C980] =	vst v63  }
0xdf: {  	s17 =	sadd.s32 $0x0, s15  }
0xe0: {  	[tilespmem:s31], [sflag:$0x5] =	stream.linear.gather [hbm4b:s17+s6], $0x80, $0x38;
	[tilespmem:$0x1C980] =	vst v63  }
0xe1: {  	_ =	swait.ge [sflag:s7], $0x80  }
0xe2: {  	[sflag:s7] =	ssyncset.done $0x0  }
0xe3: {  	[sflag:s7] =	ssyncadd.s32 $0xFFFFFF80  }
0xe4: {  	_ =	swait.ge [sflag:s7], $0x80  }
0xe5: {  	[sflag:s7] =	ssyncset.done $0x0  }
0xe6: {  	[sflag:s7] =	ssyncadd.s32 $0xFFFFFF80  }
0xe7: {  	_ =	swait.ge [sflag:s14], $0x4000  }
0xe8: {  	[sflag:s14] =	ssyncset.done $0x0  }
0xe9: {  	[sflag:s14] =	ssyncadd.s32 $0xFFFFC000  }
0xea: {  	_ =	swait.ge [sflag:s14], $0x80  }
0xeb: {  	[sflag:s14] =	ssyncset.done $0x0  }
0xec: {  	[sflag:s14] =	ssyncadd.s32 $0xFFFFFF80  }
0xed: {  	[tilespmem:s8], [sflag:$0x2] =	stream.indirect.gather [hbm4b:s25+s5], $0x80, s28, s5, $0xb8;
	[tilespmem:$0x1C980] =	vst v63  }
0xee: {  	_ =	swait.ge [sflag:s9], $0x4000  }
0xef: {  	[sflag:s9] =	ssyncset.done $0x0  }
0xf0: {  	[sflag:s9] =	ssyncadd.s32 $0xFFFFC000  }
0xf1: {  	[spmem:s3] =	stream.indirect.scatter.add.f32 [tilespmem:s22], [sflag:$0x7], $0x80, s26, s5, $0xb8;
	[tilespmem:$0x1C980] =	vst v63  }
0xf2: {  	s18 =	rddreg [dreg:$0xb]  }
0xf3: {  	[spmem:s4] =	stream.indirect.scatter.add.f32 [tilespmem:s10], [sflag:$0x7], $0x1, s26, s5, $0xb8;
	[tilespmem:$0x1C980] =	vst v63  }
0xf4: {  	s23 =	rddreg [dreg:$0xa];
	s16 =	sadd.s32 $0x0, s18  }
0xf5: {  	[tilespmem:s19], [sflag:$0x6] =	stream.linear.gather [hbm4b:s16+s6], $0x80, $0x38;
	[tilespmem:$0x1C980] =	vst v63  }
0xf6: {  	s24 =	sadd.s32 $0x0, s23  }
0xf7: {  	[tilespmem:s20], [sflag:$0x6] =	stream.linear.gather [hbm4b:s24+s6], $0x80, $0x38;
	[tilespmem:$0x1C980] =	vst v63  }
0xf8: {  	_ =	swait.ge [sflag:s21], $0x80  }
0xf9: {  	[sflag:s21] =	ssyncset.done $0x0  }
0xfa: {  	[sflag:s21] =	ssyncadd.s32 $0xFFFFFF80  }
0xfb: {  	_ =	swait.ge [sflag:s21], $0x80  }
0xfc: {  	[sflag:s21] =	ssyncset.done $0x0  }
0xfd: {  	[sflag:s21] =	ssyncadd.s32 $0xFFFFFF80  }
0xfe: {  	_ =	swait.ge [sflag:s11], $0x4000  }
0xff: {  	[sflag:s11] =	ssyncset.done $0x0  }
0x100: {  	[sflag:s11] =	ssyncadd.s32 $0xFFFFC000  }
0x101: {  	_ =	swait.ge [sflag:s11], $0x80  }
0x102: {  	[sflag:s11] =	ssyncset.done $0x0  }
0x103: {  	[sflag:s11] =	ssyncadd.s32 $0xFFFFFF80  }
0x104: {  	[tilespmem:s22], [sflag:$0x1] =	stream.indirect.gather [hbm4b:s25+s5], $0x80, s30, s5, $0xb8;
	[tilespmem:$0x1C980] =	vst v63  }
0x105: {  	_ =	swait.ge [sflag:s12], $0x4000  }
0x106: {  	[sflag:s12] =	ssyncset.done $0x0  }
0x107: {  	p0 =	por $0x0, $0x0;
	[sflag:s12] =	ssyncadd.s32 $0xFFFFC000  }
0x108: {  	[spmem:s3] =	stream.indirect.scatter.add.f32 [tilespmem:s8], [sflag:$0x8], $0x80, s29, s5, $0xb8;
	[tilespmem:$0x1C980] =	vst v63  }
0x109: {  	s18 =	simm.s32 @!p0 $0x0;
	s16 =	rddreg [dreg:$0x9]  }
0x10a: {  	[spmem:s4] =	stream.indirect.scatter.add.f32 [tilespmem:s10], [sflag:$0x8], $0x1, s29, s5, $0xb8;
	[tilespmem:$0x1C980] =	vst v63  }
0x10b: {  	s24 =	simm.s32 @!p0 $0x14280;
	s17 =	rddreg [dreg:$0x8];
	s16 =	sadd.s32 @!p0 $0x0, s16  }
0x10c: {  	[tilespmem:s24], [sflag:$0x3] =	stream.linear.gather @!p0 [hbm4b:s16+s18], $0x80, $0x38;
	[tilespmem:$0x1C980] =	vst v63  }
0x10d: {  	s16 =	sadd.s32 @!p0 $0x0, s17;
	s17 =	simm.s32 @!p0 $0x14480  }
0x10e: {  	[tilespmem:s17], [sflag:$0x3] =	stream.linear.gather @!p0 [hbm4b:s16+s18], $0x80, $0x38;
	[tilespmem:$0x1C980] =	vst v63  }
0x10f: {  	_ =	swait.ge [sflag:s13], $0x80  }
0x110: {  	[sflag:s13] =	ssyncset.done $0x0  }
0x111: {  	[sflag:s13] =	ssyncadd.s32 $0xFFFFFF80  }
0x112: {  	_ =	swait.ge [sflag:s13], $0x80  }
0x113: {  	[sflag:s13] =	ssyncset.done $0x0  }
0x114: {  	[sflag:s13] =	ssyncadd.s32 $0xFFFFFF80  }
0x115: {  	_ =	swait.ge [sflag:s14], $0x4000  }
0x116: {  	[sflag:s14] =	ssyncset.done $0x0  }
0x117: {  	[sflag:s14] =	ssyncadd.s32 $0xFFFFC000  }
0x118: {  	_ =	swait.ge [sflag:s14], $0x80  }
0x119: {  	[sflag:s14] =	ssyncset.done $0x0  }
0x11a: {  	[sflag:s14] =	ssyncadd.s32 $0xFFFFFF80  }
0x11b: {  	[tilespmem:s8], [sflag:$0x2] =	stream.indirect.gather [hbm4b:s25+s5], $0x80, s19, s5, $0xb8;
	[tilespmem:$0x1C980] =	vst v63  }
0x11c: {  	s0 =	simm.s32 $0x14280;
	_ =	swait.ge [sflag:s9], $0x4000  }
0x11d: {  	s16 =	simm.s32 $0x40;
	[sflag:s9] =	ssyncset.done $0x0;
	s24 =	rddreg [dreg:$0xe]  }
0x11e: {  	s17 =	simm.s32 $0x80;
	s18 =	rddreg [dreg:$0xf];
	[sflag:s9] =	ssyncadd.s32 $0xFFFFC000  }
0x11f: {  	[spmem:s3] =	stream.indirect.scatter.add.f32 [tilespmem:s22], [sflag:$0x7], $0x80, s31, s5, $0xb8;
	[tilespmem:$0x1C980] =	vst v63  }
.LBB2_2:
0x120: {  	[spmem:s4] =	stream.indirect.scatter.add.f32 [tilespmem:s10], [sflag:$0x7], $0x1, s31, s5, $0xb8;
	[tilespmem:$0x1C980] =	vst v63  }
0x121: {  	s15 =	sadd.s32 s16, s18  }
0x122: {  	[tilespmem:s28], [sflag:$0x4] =	stream.linear.gather [hbm4b:s15+s6], $0x80, $0x38;
	[tilespmem:$0x1C980] =	vst v63  }
0x123: {  	s23 =	sadd.s32 s16, s24  }
0x124: {  	[tilespmem:s29], [sflag:$0x4] =	stream.linear.gather [hbm4b:s23+s6], $0x80, $0x38;
	[tilespmem:$0x1C980] =	vst v63  }
0x125: {  	_ =	swait.ge [sflag:s2], $0x80  }
0x126: {  	[sflag:s2] =	ssyncset.done $0x0  }
0x127: {  	[sflag:s2] =	ssyncadd.s32 $0xFFFFFF80  }
0x128: {  	_ =	swait.ge [sflag:s2], $0x80  }
0x129: {  	[sflag:s2] =	ssyncset.done $0x0  }
0x12a: {  	[sflag:s2] =	ssyncadd.s32 $0xFFFFFF80  }
0x12b: {  	_ =	swait.ge [sflag:s11], $0x4000  }
0x12c: {  	[sflag:s11] =	ssyncset.done $0x0  }
0x12d: {  	[sflag:s11] =	ssyncadd.s32 $0xFFFFC000  }
0x12e: {  	_ =	swait.ge [sflag:s11], $0x80  }
0x12f: {  	[sflag:s11] =	ssyncset.done $0x0  }
0x130: {  	[sflag:s11] =	ssyncadd.s32 $0xFFFFFF80  }
0x131: {  	[tilespmem:s22], [sflag:$0x1] =	stream.indirect.gather [hbm4b:s25+s5], $0x80, s0, s5, $0xb8;
	[tilespmem:$0x1C980] =	vst v63  }
0x132: {  	_ =	swait.ge [sflag:s12], $0x4000  }
0x133: {  	[sflag:s12] =	ssyncset.done $0x0  }
0x134: {  	[sflag:s12] =	ssyncadd.s32 $0xFFFFC000  }
0x135: {  	[spmem:s3] =	stream.indirect.scatter.add.f32 [tilespmem:s8], [sflag:$0x8], $0x80, s20, s5, $0xb8;
	[tilespmem:$0x1C980] =	vst v63  }
0x136: {  	s24 =	rddreg [dreg:$0xd]  }
0x137: {  	[spmem:s4] =	stream.indirect.scatter.add.f32 [tilespmem:s10], [sflag:$0x8], $0x1, s20, s5, $0xb8;
	[tilespmem:$0x1C980] =	vst v63  }
0x138: {  	s23 =	rddreg [dreg:$0xc];
	s15 =	sadd.s32 s16, s24  }
0x139: {  	[tilespmem:s30], [sflag:$0x5] =	stream.linear.gather [hbm4b:s15+s6], $0x80, $0x38;
	[tilespmem:$0x1C980] =	vst v63  }
0x13a: {  	s23 =	sadd.s32 s16, s23  }
0x13b: {  	[tilespmem:s31], [sflag:$0x5] =	stream.linear.gather [hbm4b:s23+s6], $0x80, $0x38;
	[tilespmem:$0x1C980] =	vst v63  }
0x13c: {  	_ =	swait.ge [sflag:s7], $0x80  }
0x13d: {  	[sflag:s7] =	ssyncset.done $0x0  }
0x13e: {  	[sflag:s7] =	ssyncadd.s32 $0xFFFFFF80  }
0x13f: {  	_ =	swait.ge [sflag:s7], $0x80  }
0x140: {  	[sflag:s7] =	ssyncset.done $0x0  }
0x141: {  	[sflag:s7] =	ssyncadd.s32 $0xFFFFFF80  }
0x142: {  	_ =	swait.ge [sflag:s14], $0x4000  }
0x143: {  	[sflag:s14] =	ssyncset.done $0x0  }
0x144: {  	[sflag:s14] =	ssyncadd.s32 $0xFFFFC000  }
0x145: {  	_ =	swait.ge [sflag:s14], $0x80  }
0x146: {  	[sflag:s14] =	ssyncset.done $0x0  }
0x147: {  	[sflag:s14] =	ssyncadd.s32 $0xFFFFFF80  }
0x148: {  	[tilespmem:s8], [sflag:$0x2] =	stream.indirect.gather [hbm4b:s25+s5], $0x80, s28, s5, $0xb8;
	[tilespmem:$0x1C980] =	vst v63  }
0x149: {  	_ =	swait.ge [sflag:s9], $0x4000  }
0x14a: {  	[sflag:s9] =	ssyncset.done $0x0  }
0x14b: {  	[sflag:s9] =	ssyncadd.s32 $0xFFFFC000  }
0x14c: {  	[spmem:s3] =	stream.indirect.scatter.add.f32 [tilespmem:s22], [sflag:$0x7], $0x80, s26, s5, $0xb8;
	[tilespmem:$0x1C980] =	vst v63  }
0x14d: {  	s24 =	rddreg [dreg:$0xb]  }
0x14e: {  	[spmem:s4] =	stream.indirect.scatter.add.f32 [tilespmem:s10], [sflag:$0x7], $0x1, s26, s5, $0xb8;
	[tilespmem:$0x1C980] =	vst v63  }
0x14f: {  	s23 =	rddreg [dreg:$0xa];
	s15 =	sadd.s32 s16, s24  }
0x150: {  	[tilespmem:s19], [sflag:$0x6] =	stream.linear.gather [hbm4b:s15+s6], $0x80, $0x38;
	[tilespmem:$0x1C980] =	vst v63  }
0x151: {  	s24 =	sadd.s32 s16, s23  }
0x152: {  	[tilespmem:s20], [sflag:$0x6] =	stream.linear.gather [hbm4b:s24+s6], $0x80, $0x38;
	[tilespmem:$0x1C980] =	vst v63  }
0x153: {  	_ =	swait.ge [sflag:s21], $0x80  }
0x154: {  	[sflag:s21] =	ssyncset.done $0x0  }
0x155: {  	[sflag:s21] =	ssyncadd.s32 $0xFFFFFF80  }
0x156: {  	_ =	swait.ge [sflag:s21], $0x80  }
0x157: {  	[sflag:s21] =	ssyncset.done $0x0  }
0x158: {  	[sflag:s21] =	ssyncadd.s32 $0xFFFFFF80  }
0x159: {  	_ =	swait.ge [sflag:s11], $0x4000  }
0x15a: {  	[sflag:s11] =	ssyncset.done $0x0  }
0x15b: {  	[sflag:s11] =	ssyncadd.s32 $0xFFFFC000  }
0x15c: {  	_ =	swait.ge [sflag:s11], $0x80  }
0x15d: {  	[sflag:s11] =	ssyncset.done $0x0  }
0x15e: {  	[sflag:s11] =	ssyncadd.s32 $0xFFFFFF80  }
0x15f: {  	[tilespmem:s22], [sflag:$0x1] =	stream.indirect.gather [hbm4b:s25+s5], $0x80, s30, s5, $0xb8;
	[tilespmem:$0x1C980] =	vst v63  }
0x160: {  	_ =	swait.ge [sflag:s12], $0x4000  }
0x161: {  	[sflag:s12] =	ssyncset.done $0x0  }
0x162: {  	p1 =	seq.s32 s16, $0x480;
	[sflag:s12] =	ssyncadd.s32 $0xFFFFC000  }
0x163: {  	[spmem:s3] =	stream.indirect.scatter.add.f32 [tilespmem:s8], [sflag:$0x8], $0x80, s29, s5, $0xb8;
	[tilespmem:$0x1C980] =	vst v63  }
0x164: {  	s23 =	simm.s32 @!p1 $0x0;
	s15 =	rddreg [dreg:$0x9]  }
0x165: {  	[spmem:s4] =	stream.indirect.scatter.add.f32 [tilespmem:s10], [sflag:$0x8], $0x1, s29, s5, $0xb8;
	[tilespmem:$0x1C980] =	vst v63  }
0x166: {  	s25 =	simm.s32 @!p1 $0x14280;
	s24 =	rddreg [dreg:$0x8];
	s15 =	sadd.s32 @!p1 s16, s15  }
0x167: {  	[tilespmem:s25], [sflag:$0x3] =	stream.linear.gather @!p1 [hbm4b:s15+s23], $0x80, $0x38;
	[tilespmem:$0x1C980] =	vst v63  }
0x168: {  	s15 =	sadd.s32 @!p1 s16, s24;
	s24 =	simm.s32 @!p1 $0x14480  }
0x169: {  	[tilespmem:s24], [sflag:$0x3] =	stream.linear.gather @!p1 [hbm4b:s15+s23], $0x80, $0x38;
	[tilespmem:$0x1C980] =	vst v63  }
0x16a: {  	s25 =	rddreg [dreg:$0x0];
	_ =	swait.ge [sflag:s13], $0x80  }
0x16b: {  	[sflag:s13] =	ssyncset.done $0x0  }
0x16c: {  	[sflag:s13] =	ssyncadd.s32 $0xFFFFFF80  }
0x16d: {  	_ =	swait.ge [sflag:s13], $0x80  }
0x16e: {  	[sflag:s13] =	ssyncset.done $0x0  }
0x16f: {  	[sflag:s13] =	ssyncadd.s32 $0xFFFFFF80  }
0x170: {  	_ =	swait.ge [sflag:s14], $0x4000  }
0x171: {  	[sflag:s14] =	ssyncset.done $0x0  }
0x172: {  	[sflag:s14] =	ssyncadd.s32 $0xFFFFC000  }
0x173: {  	_ =	swait.ge [sflag:s14], $0x80  }
0x174: {  	s18 =	smov.u32 s17;
	s17 =	sadd.s32 $0x40, s17;
	[sflag:s14] =	ssyncset.done $0x0  }
0x175: {  	p0 =	sne.s32 s17, $0x4C0;
	[sflag:s14] =	ssyncadd.s32 $0xFFFFFF80  }
0x176: {  	[tilespmem:s8], [sflag:$0x2] =	stream.indirect.gather [hbm4b:s25+s5], $0x80, s19, s5, $0xb8;
	[tilespmem:$0x1C980] =	vst v63  }
.Ltmp0:
0x177: {  	_ = 	snop;
	(pc) =	sbr.rel @p0 .LBB2_2-.Ltmp0, $4  }
0x178: {  	_ =	swait.ge [sflag:s9], $0x4000  }
0x179: {  	s24 =	rddreg [dreg:$0xe];
	[sflag:s9] =	ssyncset.done $0x0  }
0x17a: {  	s16 =	smov.u32 s18;
	s18 =	rddreg [dreg:$0xf];
	[sflag:s9] =	ssyncadd.s32 $0xFFFFC000  }
0x17b: {  	[spmem:s3] =	stream.indirect.scatter.add.f32 [tilespmem:s22], [sflag:$0x7], $0x80, s31, s5, $0xb8;
	[tilespmem:$0x1C980] =	vst v63  }
0x17c: {  	[spmem:s4] =	stream.indirect.scatter.add.f32 [tilespmem:s10], [sflag:$0x7], $0x1, s31, s5, $0xb8;
	[tilespmem:$0x1C980] =	vst v63  }
0x17d: {  	s15 =	sadd.s32 s16, s18  }
0x17e: {  	[tilespmem:s28], [sflag:$0x4] =	stream.linear.gather [hbm4b:s15+s6], $0x80, $0x38;
	[tilespmem:$0x1C980] =	vst v63  }
0x17f: {  	s24 =	sadd.s32 s16, s24  }
0x180: {  	[tilespmem:s29], [sflag:$0x4] =	stream.linear.gather [hbm4b:s24+s6], $0x80, $0x38;
	[tilespmem:$0x1C980] =	vst v63  }
0x181: {  	_ =	swait.ge [sflag:s2], $0x80  }
0x182: {  	[sflag:s2] =	ssyncset.done $0x0  }
0x183: {  	[sflag:s2] =	ssyncadd.s32 $0xFFFFFF80  }
0x184: {  	_ =	swait.ge [sflag:s2], $0x80  }
0x185: {  	[sflag:s2] =	ssyncset.done $0x0  }
0x186: {  	[sflag:s2] =	ssyncadd.s32 $0xFFFFFF80  }
0x187: {  	_ =	swait.ge [sflag:s11], $0x4000  }
0x188: {  	[sflag:s11] =	ssyncset.done $0x0  }
0x189: {  	[sflag:s11] =	ssyncadd.s32 $0xFFFFC000  }
0x18a: {  	_ =	swait.ge [sflag:s11], $0x80  }
0x18b: {  	[sflag:s11] =	ssyncset.done $0x0  }
0x18c: {  	s0 =	simm.s32 $0x14280;
	[sflag:s11] =	ssyncadd.s32 $0xFFFFFF80  }
0x18d: {  	[tilespmem:s22], [sflag:$0x1] =	stream.indirect.gather [hbm4b:s25+s5], $0x80, s0, s5, $0xb8;
	[tilespmem:$0x1C980] =	vst v63  }
0x18e: {  	_ =	swait.ge [sflag:s12], $0x4000  }
0x18f: {  	[sflag:s12] =	ssyncset.done $0x0  }
0x190: {  	[sflag:s12] =	ssyncadd.s32 $0xFFFFC000  }
0x191: {  	[spmem:s3] =	stream.indirect.scatter.add.f32 [tilespmem:s8], [sflag:$0x8], $0x80, s20, s5, $0xb8;
	[tilespmem:$0x1C980] =	vst v63  }
0x192: {  	s0 =	rddreg [dreg:$0xd]  }
0x193: {  	[spmem:s4] =	stream.indirect.scatter.add.f32 [tilespmem:s10], [sflag:$0x8], $0x1, s20, s5, $0xb8;
	[tilespmem:$0x1C980] =	vst v63  }
0x194: {  	s17 =	rddreg [dreg:$0xc];
	s15 =	sadd.s32 s16, s0  }
0x195: {  	[tilespmem:s30], [sflag:$0x5] =	stream.linear.gather [hbm4b:s15+s6], $0x80, $0x38;
	[tilespmem:$0x1C980] =	vst v63  }
0x196: {  	s18 =	sadd.s32 s16, s17  }
0x197: {  	[tilespmem:s31], [sflag:$0x5] =	stream.linear.gather [hbm4b:s18+s6], $0x80, $0x38;
	[tilespmem:$0x1C980] =	vst v63  }
0x198: {  	_ =	swait.ge [sflag:s7], $0x80  }
0x199: {  	[sflag:s7] =	ssyncset.done $0x0  }
0x19a: {  	[sflag:s7] =	ssyncadd.s32 $0xFFFFFF80  }
0x19b: {  	_ =	swait.ge [sflag:s7], $0x80  }
0x19c: {  	[sflag:s7] =	ssyncset.done $0x0  }
0x19d: {  	[sflag:s7] =	ssyncadd.s32 $0xFFFFFF80  }
0x19e: {  	_ =	swait.ge [sflag:s14], $0x4000  }
0x19f: {  	[sflag:s14] =	ssyncset.done $0x0  }
0x1a0: {  	[sflag:s14] =	ssyncadd.s32 $0xFFFFC000  }
0x1a1: {  	_ =	swait.ge [sflag:s14], $0x80  }
0x1a2: {  	[sflag:s14] =	ssyncset.done $0x0  }
0x1a3: {  	[sflag:s14] =	ssyncadd.s32 $0xFFFFFF80  }
0x1a4: {  	[tilespmem:s8], [sflag:$0x2] =	stream.indirect.gather [hbm4b:s25+s5], $0x80, s28, s5, $0xb8;
	[tilespmem:$0x1C980] =	vst v63  }
0x1a5: {  	_ =	swait.ge [sflag:s9], $0x4000  }
0x1a6: {  	[sflag:s9] =	ssyncset.done $0x0  }
0x1a7: {  	[sflag:s9] =	ssyncadd.s32 $0xFFFFC000  }
0x1a8: {  	[spmem:s3] =	stream.indirect.scatter.add.f32 [tilespmem:s22], [sflag:$0x7], $0x80, s26, s5, $0xb8;
	[tilespmem:$0x1C980] =	vst v63  }
0x1a9: {  	s23 =	rddreg [dreg:$0xb]  }
0x1aa: {  	[spmem:s4] =	stream.indirect.scatter.add.f32 [tilespmem:s10], [sflag:$0x7], $0x1, s26, s5, $0xb8;
	[tilespmem:$0x1C980] =	vst v63  }
0x1ab: {  	s24 =	rddreg [dreg:$0xa];
	s15 =	sadd.s32 s16, s23  }
0x1ac: {  	[tilespmem:s19], [sflag:$0x6] =	stream.linear.gather [hbm4b:s15+s6], $0x80, $0x38;
	[tilespmem:$0x1C980] =	vst v63  }
0x1ad: {  	s0 =	sadd.s32 s16, s24  }
0x1ae: {  	[tilespmem:s20], [sflag:$0x6] =	stream.linear.gather [hbm4b:s0+s6], $0x80, $0x38;
	[tilespmem:$0x1C980] =	vst v63  }
0x1af: {  	_ =	swait.ge [sflag:s21], $0x80  }
0x1b0: {  	[sflag:s21] =	ssyncset.done $0x0  }
0x1b1: {  	[sflag:s21] =	ssyncadd.s32 $0xFFFFFF80  }
0x1b2: {  	_ =	swait.ge [sflag:s21], $0x80  }
0x1b3: {  	[sflag:s21] =	ssyncset.done $0x0  }
0x1b4: {  	[sflag:s21] =	ssyncadd.s32 $0xFFFFFF80  }
0x1b5: {  	_ =	swait.ge [sflag:s11], $0x4000  }
0x1b6: {  	[sflag:s11] =	ssyncset.done $0x0  }
0x1b7: {  	[sflag:s11] =	ssyncadd.s32 $0xFFFFC000  }
0x1b8: {  	_ =	swait.ge [sflag:s11], $0x80  }
0x1b9: {  	[sflag:s11] =	ssyncset.done $0x0  }
0x1ba: {  	[sflag:s11] =	ssyncadd.s32 $0xFFFFFF80  }
0x1bb: {  	[tilespmem:s22], [sflag:$0x1] =	stream.indirect.gather [hbm4b:s25+s5], $0x80, s30, s5, $0xb8;
	[tilespmem:$0x1C980] =	vst v63  }
0x1bc: {  	_ =	swait.ge [sflag:s12], $0x4000  }
0x1bd: {  	[sflag:s12] =	ssyncset.done $0x0  }
0x1be: {  	p0 =	seq.s32 s16, $0x480;
	[sflag:s12] =	ssyncadd.s32 $0xFFFFC000  }
0x1bf: {  	[spmem:s3] =	stream.indirect.scatter.add.f32 [tilespmem:s8], [sflag:$0x8], $0x80, s29, s5, $0xb8;
	[tilespmem:$0x1C980] =	vst v63  }
0x1c0: {  	s18 =	simm.s32 @!p0 $0x0;
	s15 =	rddreg [dreg:$0x9]  }
0x1c1: {  	[spmem:s4] =	stream.indirect.scatter.add.f32 [tilespmem:s10], [sflag:$0x8], $0x1, s29, s5, $0xb8;
	[tilespmem:$0x1C980] =	vst v63  }
0x1c2: {  	s23 =	simm.s32 @!p0 $0x14280;
	s17 =	rddreg [dreg:$0x8];
	s15 =	sadd.s32 @!p0 s16, s15  }
0x1c3: {  	[tilespmem:s23], [sflag:$0x3] =	stream.linear.gather @!p0 [hbm4b:s15+s18], $0x80, $0x38;
	[tilespmem:$0x1C980] =	vst v63  }
0x1c4: {  	s15 =	sadd.s32 @!p0 s16, s17;
	s16 =	simm.s32 @!p0 $0x14480  }
0x1c5: {  	[tilespmem:s16], [sflag:$0x3] =	stream.linear.gather @!p0 [hbm4b:s15+s18], $0x80, $0x38;
	[tilespmem:$0x1C980] =	vst v63  }
0x1c6: {  	_ =	swait.ge [sflag:s13], $0x80  }
0x1c7: {  	[sflag:s13] =	ssyncset.done $0x0  }
0x1c8: {  	[sflag:s13] =	ssyncadd.s32 $0xFFFFFF80  }
0x1c9: {  	_ =	swait.ge [sflag:s13], $0x80  }
0x1ca: {  	[sflag:s13] =	ssyncset.done $0x0  }
0x1cb: {  	[sflag:s13] =	ssyncadd.s32 $0xFFFFFF80  }
0x1cc: {  	_ =	swait.ge [sflag:s14], $0x4000  }
0x1cd: {  	[sflag:s14] =	ssyncset.done $0x0  }
0x1ce: {  	[sflag:s14] =	ssyncadd.s32 $0xFFFFC000  }
0x1cf: {  	_ =	swait.ge [sflag:s14], $0x80  }
0x1d0: {  	[sflag:s14] =	ssyncset.done $0x0  }
0x1d1: {  	[sflag:s14] =	ssyncadd.s32 $0xFFFFFF80  }
0x1d2: {  	[tilespmem:s8], [sflag:$0x2] =	stream.indirect.gather [hbm4b:s25+s5], $0x80, s19, s5, $0xb8;
	[tilespmem:$0x1C980] =	vst v63  }
0x1d3: {  	_ =	swait.ge [sflag:s9], $0x4000  }
0x1d4: {  	[sflag:s9] =	ssyncset.done $0x0  }
0x1d5: {  	[sflag:s9] =	ssyncadd.s32 $0xFFFFC000  }
0x1d6: {  	[spmem:s3] =	stream.indirect.scatter.add.f32 [tilespmem:s22], [sflag:$0x7], $0x80, s31, s5, $0xb8;
	[tilespmem:$0x1C980] =	vst v63  }
0x1d7: {  	_ = 	snop  }
0x1d8: {  	[spmem:s4] =	stream.indirect.scatter.add.f32 [tilespmem:s10], [sflag:$0x7], $0x1, s31, s5, $0xb8;
	[tilespmem:$0x1C980] =	vst v63  }
0x1d9: {  	_ =	swait.ge [sflag:s12], $0x4000  }
0x1da: {  	[sflag:s12] =	ssyncset.done $0x0  }
0x1db: {  	[sflag:s12] =	ssyncadd.s32 $0xFFFFC000  }
0x1dc: {  	[spmem:s3] =	stream.indirect.scatter.add.f32 [tilespmem:s8], [sflag:$0x8], $0x80, s20, s5, $0xb8;
	[tilespmem:$0x1C980] =	vst v63  }
0x1dd: {  	_ = 	snop  }
0x1de: {  	[spmem:s4] =	stream.indirect.scatter.add.f32 [tilespmem:s10], [sflag:$0x8], $0x1, s20, s5, $0xb8;
	[tilespmem:$0x1C980] =	vst v63  }
0x1df: {  	_ =	swait.ge [sflag:s11], $0x4000  }
0x1e0: {  	[sflag:s11] =	ssyncset.done $0x0  }
0x1e1: {  	[sflag:s11] =	ssyncadd.s32 $0xFFFFC000  }
0x1e2: {  	_ =	swait.ge [sflag:s11], $0x80  }
0x1e3: {  	[sflag:s11] =	ssyncset.done $0x0  }
0x1e4: {  	[sflag:s11] =	ssyncadd.s32 $0xFFFFFF80  }
0x1e5: {  	_ =	swait.ge [sflag:s14], $0x4000  }
0x1e6: {  	[sflag:s14] =	ssyncset.done $0x0  }
0x1e7: {  	[sflag:s14] =	ssyncadd.s32 $0xFFFFC000  }
0x1e8: {  	_ =	swait.ge [sflag:s14], $0x80  }
0x1e9: {  	[sflag:s14] =	ssyncset.done $0x0  }
0x1ea: {  	[sflag:s14] =	ssyncadd.s32 $0xFFFFFF80  }
0x1eb: {  	[bflag:$0x0] =	sbarrier.arrive $0xFFFF  }
0x1ec: {  	s17 =	sld [smem:$0x7F5];
	_ =	sdelay $0x1  }
0x1ed: {  	s16 =	simm.s32 $0x9  }
0x1ee: {  	[tilespmem:s22], [sflag:$0x9] =	stream.linear.gather [spmem:s17], $0x4000, $0x38;
	[tilespmem:$0x1C980] =	vst v63  }
0x1ef: {  	_ =	swait.ge [sflag:s16], $0x4000  }
0x1f0: {  	s18 =	sld [smem:$0x7E9]  }
0x1f1: {  	[sflag:s16] =	ssyncset.done $0x0  }
0x1f2: {  	s17 =	simm.s32 $0x0;
	[sflag:s16] =	ssyncadd.s32 $0xFFFFC000  }
0x1f3: {  	[hbm4b:s18+s17] =	stream.linear.scatter [tilespmem:s22], [sflag:$0x9], $0x4000, $0x38;
	[tilespmem:$0x1C980] =	vst v63  }
0x1f4: {  	_ =	swait.ge [sflag:s16], $0x4000  }
0x1f5: {  	s23 =	sld [smem:$0x7F6]  }
0x1f6: {  	[sflag:s16] =	ssyncset.done $0x0  }
0x1f7: {  	[sflag:s16] =	ssyncadd.s32 $0xFFFFC000  }
0x1f8: {  	[tilespmem:s22], [sflag:$0x9] =	stream.linear.gather [spmem:s23], $0x4000, $0x38;
	[tilespmem:$0x1C980] =	vst v63  }
0x1f9: {  	_ =	swait.ge [sflag:s16], $0x4000  }
0x1fa: {  	s24 =	sld [smem:$0x7EA]  }
0x1fb: {  	[sflag:s16] =	ssyncset.done $0x0  }
0x1fc: {  	[sflag:s16] =	ssyncadd.s32 $0xFFFFC000  }
0x1fd: {  	[hbm4b:s24+s17] =	stream.linear.scatter [tilespmem:s22], [sflag:$0x9], $0x4000, $0x38;
	[tilespmem:$0x1C980] =	vst v63  }
0x1fe: {  	_ =	swait.ge [sflag:s16], $0x4000  }
0x1ff: {  	s23 =	sld [smem:$0x7FA]  }
0x200: {  	[sflag:s16] =	ssyncset.done $0x0  }
0x201: {  	[sflag:s16] =	ssyncadd.s32 $0xFFFFC000  }
0x202: {  	[tilespmem:s22], [sflag:$0x9] =	stream.linear.gather [spmem:s23], $0x4000, $0x38;
	[tilespmem:$0x1C980] =	vst v63  }
0x203: {  	_ =	swait.ge [sflag:s16], $0x4000  }
0x204: {  	s25 =	sld [smem:$0x7EB]  }
0x205: {  	[sflag:s16] =	ssyncset.done $0x0  }
0x206: {  	[sflag:s16] =	ssyncadd.s32 $0xFFFFC000  }
0x207: {  	[hbm4b:s25+s17] =	stream.linear.scatter [tilespmem:s22], [sflag:$0x9], $0x4000, $0x38;
	[tilespmem:$0x1C980] =	vst v63  }
0x208: {  	_ =	swait.ge [sflag:s16], $0x4000  }
0x209: {  	s24 =	sld [smem:$0x7FB]  }
0x20a: {  	[sflag:s16] =	ssyncset.done $0x0  }
0x20b: {  	[sflag:s16] =	ssyncadd.s32 $0xFFFFC000  }
0x20c: {  	[tilespmem:s22], [sflag:$0x9] =	stream.linear.gather [spmem:s24], $0x4000, $0x38;
	[tilespmem:$0x1C980] =	vst v63  }
0x20d: {  	_ =	swait.ge [sflag:s16], $0x4000  }
0x20e: {  	s0 =	sld [smem:$0x7EC]  }
0x20f: {  	[sflag:s16] =	ssyncset.done $0x0  }
0x210: {  	[sflag:s16] =	ssyncadd.s32 $0xFFFFC000  }
0x211: {  	[hbm4b:s0+s17] =	stream.linear.scatter [tilespmem:s22], [sflag:$0x9], $0x4000, $0x38;
	[tilespmem:$0x1C980] =	vst v63  }
0x212: {  	_ =	swait.ge [sflag:s16], $0x4000  }
0x213: {  	s25 =	sld [smem:$0x7FC]  }
0x214: {  	[sflag:s16] =	ssyncset.done $0x0  }
0x215: {  	[sflag:s16] =	ssyncadd.s32 $0xFFFFC000  }
0x216: {  	[tilespmem:s22], [sflag:$0x9] =	stream.linear.gather [spmem:s25], $0x4000, $0x38;
	[tilespmem:$0x1C980] =	vst v63  }
0x217: {  	_ =	swait.ge [sflag:s16], $0x4000  }
0x218: {  	s18 =	sld [smem:$0x7ED]  }
0x219: {  	[sflag:s16] =	ssyncset.done $0x0  }
0x21a: {  	[sflag:s16] =	ssyncadd.s32 $0xFFFFC000  }
0x21b: {  	[hbm4b:s18+s17] =	stream.linear.scatter [tilespmem:s22], [sflag:$0x9], $0x4000, $0x38;
	[tilespmem:$0x1C980] =	vst v63  }
0x21c: {  	_ =	swait.ge [sflag:s16], $0x4000  }
0x21d: {  	s18 =	sld [smem:$0x7FD]  }
0x21e: {  	[sflag:s16] =	ssyncset.done $0x0  }
0x21f: {  	s0 =	simm.s32 $0x1C700;
	[sflag:s16] =	ssyncadd.s32 $0xFFFFC000  }
0x220: {  	[tilespmem:s0], [sflag:$0x9] =	stream.linear.gather [spmem:s18], $0x280, $0x38;
	[tilespmem:$0x1C980] =	vst v63  }
0x221: {  	_ =	swait.ge [sflag:s16], $0x280  }
0x222: {  	s15 =	sld [smem:$0x7F7]  }
0x223: {  	[sflag:s16] =	ssyncset.done $0x0  }
0x224: {  	s0 =	simm.s32 $0x1C700;
	[sflag:s16] =	ssyncadd.s32 $0xFFFFFD80  }
0x225: {  	[hbm4b:s15+s17] =	stream.linear.scatter [tilespmem:s0], [sflag:$0x9], $0x280, $0x38;
	[tilespmem:$0x1C980] =	vst v63  }
0x226: {  	_ =	swait.ge [sflag:s16], $0x280  }
0x227: {  	s0 =	sld [smem:$0x7F3]  }
0x228: {  	[sflag:s16] =	ssyncset.done $0x0  }
0x229: {  	[sflag:s16] =	ssyncadd.s32 $0xFFFFFD80  }
0x22a: {  	[tilespmem:s22], [sflag:$0x9] =	stream.linear.gather [hbm4b:s0+s17], $0x4000, $0x38;
	[tilespmem:$0x1C980] =	vst v63  }
0x22b: {  	_ =	swait.ge [sflag:s16], $0x4000  }
0x22c: {  	s15 =	sld [smem:$0x7F5]  }
0x22d: {  	[sflag:s16] =	ssyncset.done $0x0  }
0x22e: {  	[sflag:s16] =	ssyncadd.s32 $0xFFFFC000  }
0x22f: {  	[spmem:s15] =	stream.linear.scatter [tilespmem:s22], [sflag:$0x9], $0x4000, $0x38;
	[tilespmem:$0x1C980] =	vst v63  }
0x230: {  	_ =	swait.ge [sflag:s16], $0x4000  }
0x231: {  	s15 =	sld [smem:$0x7F6]  }
0x232: {  	[sflag:s16] =	ssyncset.done $0x0  }
0x233: {  	[sflag:s16] =	ssyncadd.s32 $0xFFFFC000  }
0x234: {  	[spmem:s15] =	stream.linear.scatter [tilespmem:s22], [sflag:$0x9], $0x4000, $0x38;
	[tilespmem:$0x1C980] =	vst v63  }
0x235: {  	_ =	swait.ge [sflag:s16], $0x4000  }
0x236: {  	[sflag:s16] =	ssyncset.done $0x0  }
0x237: {  	[sflag:s16] =	ssyncadd.s32 $0xFFFFC000  }
0x238: {  	[spmem:s23] =	stream.linear.scatter [tilespmem:s22], [sflag:$0x9], $0x4000, $0x38;
	[tilespmem:$0x1C980] =	vst v63  }
0x239: {  	_ =	swait.ge [sflag:s16], $0x4000  }
0x23a: {  	[sflag:s16] =	ssyncset.done $0x0  }
0x23b: {  	[sflag:s16] =	ssyncadd.s32 $0xFFFFC000  }
0x23c: {  	[spmem:s24] =	stream.linear.scatter [tilespmem:s22], [sflag:$0x9], $0x4000, $0x38;
	[tilespmem:$0x1C980] =	vst v63  }
0x23d: {  	_ =	swait.ge [sflag:s16], $0x4000  }
0x23e: {  	[sflag:s16] =	ssyncset.done $0x0  }
0x23f: {  	[sflag:s16] =	ssyncadd.s32 $0xFFFFC000  }
0x240: {  	[spmem:s25] =	stream.linear.scatter [tilespmem:s22], [sflag:$0x9], $0x4000, $0x38;
	[tilespmem:$0x1C980] =	vst v63  }
0x241: {  	_ =	swait.ge [sflag:s16], $0x4000  }
0x242: {  	s0 =	sld [smem:$0x7F4]  }
0x243: {  	[sflag:s16] =	ssyncset.done $0x0  }
0x244: {  	s23 =	simm.s32 $0x1C700;
	[sflag:s16] =	ssyncadd.s32 $0xFFFFC000  }
0x245: {  	[tilespmem:s23], [sflag:$0x9] =	stream.linear.gather [hbm4b:s0+s17], $0x280, $0x38;
	[tilespmem:$0x1C980] =	vst v63  }
0x246: {  	_ =	swait.ge [sflag:s16], $0x280  }
0x247: {  	[sflag:s16] =	ssyncset.done $0x0  }
0x248: {  	[sflag:s16] =	ssyncadd.s32 $0xFFFFFD80  }
0x249: {  	[spmem:s18] =	stream.linear.scatter [tilespmem:s23], [sflag:$0x9], $0x280, $0x38;
	[tilespmem:$0x1C980] =	vst v63  }
0x24a: {  	_ =	swait.ge [sflag:s16], $0x280  }
0x24b: {  	[sflag:s16] =	ssyncset.done $0x0  }
0x24c: {  	[sflag:s16] =	ssyncadd.s32 $0xFFFFFD80  }
0x24d: {  	[bflag:$0x0] =	sbarrier.arrive $0xFFFF  }
0x24e: {  	s24 =	sld [smem:$0x7DF];
	_ =	sdelay $0x1  }
0x24f: {  	s0 =	simm.s32 $0x14280;
	s25 =	sld [smem:$0x7E0]  }
0x250: {  	[tilespmem:s0], [sflag:$0x3] =	stream.linear.gather [hbm4b:s24+s17], $0x80, $0x38;
	[tilespmem:$0x1C980] =	vst v63  }
0x251: {  	s16 =	sld [smem:$0x7E1]  }
0x252: {  	[tilespmem:s26], [sflag:$0x3] =	stream.linear.gather [hbm4b:s25+s17], $0x80, $0x38;
	[tilespmem:$0x1C980] =	vst v63  }
0x253: {  	s18 =	sld [smem:$0x7E2]  }
0x254: {  	[tilespmem:s28], [sflag:$0x4] =	stream.linear.gather [hbm4b:s16+s17], $0x80, $0x38;
	[tilespmem:$0x1C980] =	vst v63  }
0x255: {  	s23 =	sld [smem:$0x7E3]  }
0x256: {  	[tilespmem:s29], [sflag:$0x4] =	stream.linear.gather [hbm4b:s18+s17], $0x80, $0x38;
	[tilespmem:$0x1C980] =	vst v63  }
0x257: {  	s24 =	sld [smem:$0x7E4]  }
0x258: {  	[tilespmem:s30], [sflag:$0x5] =	stream.linear.gather [hbm4b:s23+s17], $0x80, $0x38;
	[tilespmem:$0x1C980] =	vst v63  }
0x259: {  	_ = 	snop  }
0x25a: {  	[tilespmem:s31], [sflag:$0x5] =	stream.linear.gather [hbm4b:s24+s17], $0x80, $0x38;
	[tilespmem:$0x1C980] =	vst v63  }
0x25b: {  	_ =	swait.ge [sflag:s2], $0x80  }
0x25c: {  	[sflag:s2] =	ssyncset.done $0x0  }
0x25d: {  	[sflag:s2] =	ssyncadd.s32 $0xFFFFFF80  }
0x25e: {  	_ =	swait.ge [sflag:s2], $0x80  }
0x25f: {  	[sflag:s2] =	ssyncset.done $0x0  }
0x260: {  	[sflag:s2] =	ssyncadd.s32 $0xFFFFFF80  }
0x261: {  	[tilespmem:s22], [sflag:$0x1] =	stream.indirect.gather [hbm4b:s1+s5], $0x80, s0, s5, $0xb8;
	[tilespmem:$0x1C980] =	vst v63  }
0x262: {  	_ =	swait.ge [sflag:s7], $0x80  }
0x263: {  	[sflag:s7] =	ssyncset.done $0x0  }
0x264: {  	[sflag:s7] =	ssyncadd.s32 $0xFFFFFF80  }
0x265: {  	_ =	swait.ge [sflag:s7], $0x80  }
0x266: {  	[sflag:s7] =	ssyncset.done $0x0  }
0x267: {  	[sflag:s7] =	ssyncadd.s32 $0xFFFFFF80  }
0x268: {  	[tilespmem:s8], [sflag:$0x2] =	stream.indirect.gather [hbm4b:s1+s5], $0x80, s28, s5, $0xb8;
	[tilespmem:$0x1C980] =	vst v63  }
0x269: {  	_ =	swait.ge [sflag:s9], $0x4000  }
0x26a: {  	[sflag:s9] =	ssyncset.done $0x0  }
0x26b: {  	[sflag:s9] =	ssyncadd.s32 $0xFFFFC000  }
0x26c: {  	[spmem:s3] =	stream.indirect.scatter.add.f32 [tilespmem:s22], [sflag:$0x7], $0x80, s26, s5, $0xb8;
	[tilespmem:$0x1C980] =	vst v63  }
0x26d: {  	s25 =	sld [smem:$0x7E5]  }
0x26e: {  	[spmem:s4] =	stream.indirect.scatter.add.f32 [tilespmem:s10], [sflag:$0x7], $0x1, s26, s5, $0xb8;
	[tilespmem:$0x1C980] =	vst v63  }
0x26f: {  	s0 =	sld [smem:$0x7E6]  }
0x270: {  	[tilespmem:s19], [sflag:$0x6] =	stream.linear.gather [hbm4b:s25+s17], $0x80, $0x38;
	[tilespmem:$0x1C980] =	vst v63  }
0x271: {  	_ = 	snop  }
0x272: {  	[tilespmem:s20], [sflag:$0x6] =	stream.linear.gather [hbm4b:s0+s17], $0x80, $0x38;
	[tilespmem:$0x1C980] =	vst v63  }
0x273: {  	_ =	swait.ge [sflag:s21], $0x80  }
0x274: {  	[sflag:s21] =	ssyncset.done $0x0  }
0x275: {  	[sflag:s21] =	ssyncadd.s32 $0xFFFFFF80  }
0x276: {  	_ =	swait.ge [sflag:s21], $0x80  }
0x277: {  	[sflag:s21] =	ssyncset.done $0x0  }
0x278: {  	[sflag:s21] =	ssyncadd.s32 $0xFFFFFF80  }
0x279: {  	_ =	swait.ge [sflag:s11], $0x4000  }
0x27a: {  	[sflag:s11] =	ssyncset.done $0x0  }
0x27b: {  	[sflag:s11] =	ssyncadd.s32 $0xFFFFC000  }
0x27c: {  	_ =	swait.ge [sflag:s11], $0x80  }
0x27d: {  	[sflag:s11] =	ssyncset.done $0x0  }
0x27e: {  	[sflag:s11] =	ssyncadd.s32 $0xFFFFFF80  }
0x27f: {  	[tilespmem:s22], [sflag:$0x1] =	stream.indirect.gather [hbm4b:s1+s5], $0x80, s30, s5, $0xb8;
	[tilespmem:$0x1C980] =	vst v63  }
0x280: {  	_ =	swait.ge [sflag:s12], $0x4000  }
0x281: {  	[sflag:s12] =	ssyncset.done $0x0  }
0x282: {  	[sflag:s12] =	ssyncadd.s32 $0xFFFFC000  }
0x283: {  	[spmem:s3] =	stream.indirect.scatter.add.f32 [tilespmem:s8], [sflag:$0x8], $0x80, s29, s5, $0xb8;
	[tilespmem:$0x1C980] =	vst v63  }
0x284: {  	s16 =	sld [smem:$0x7E8]  }
0x285: {  	[spmem:s4] =	stream.indirect.scatter.add.f32 [tilespmem:s10], [sflag:$0x8], $0x1, s29, s5, $0xb8;
	[tilespmem:$0x1C980] =	vst v63  }
0x286: {  	s18 =	simm.s32 $0x14280;
	s23 =	sld [smem:$0x7E7]  }
0x287: {  	[tilespmem:s18], [sflag:$0x3] =	stream.linear.gather [hbm4b:s16+s17], $0x80, $0x38;
	[tilespmem:$0x1C980] =	vst v63  }
0x288: {  	_ = 	snop  }
0x289: {  	[tilespmem:s26], [sflag:$0x3] =	stream.linear.gather [hbm4b:s23+s17], $0x80, $0x38;
	[tilespmem:$0x1C980] =	vst v63  }
0x28a: {  	_ =	swait.ge [sflag:s13], $0x80  }
0x28b: {  	[sflag:s13] =	ssyncset.done $0x0  }
0x28c: {  	[sflag:s13] =	ssyncadd.s32 $0xFFFFFF80  }
0x28d: {  	_ =	swait.ge [sflag:s13], $0x80  }
0x28e: {  	[sflag:s13] =	ssyncset.done $0x0  }
0x28f: {  	[sflag:s13] =	ssyncadd.s32 $0xFFFFFF80  }
0x290: {  	_ =	swait.ge [sflag:s14], $0x4000  }
0x291: {  	[sflag:s14] =	ssyncset.done $0x0  }
0x292: {  	[sflag:s14] =	ssyncadd.s32 $0xFFFFC000  }
0x293: {  	_ =	swait.ge [sflag:s14], $0x80  }
0x294: {  	[sflag:s14] =	ssyncset.done $0x0  }
0x295: {  	[sflag:s14] =	ssyncadd.s32 $0xFFFFFF80  }
0x296: {  	[tilespmem:s8], [sflag:$0x2] =	stream.indirect.gather [hbm4b:s1+s5], $0x80, s19, s5, $0xb8;
	[tilespmem:$0x1C980] =	vst v63  }
0x297: {  	_ =	swait.ge [sflag:s9], $0x4000  }
0x298: {  	[sflag:s9] =	ssyncset.done $0x0  }
0x299: {  	[sflag:s9] =	ssyncadd.s32 $0xFFFFC000  }
0x29a: {  	[spmem:s3] =	stream.indirect.scatter.add.f32 [tilespmem:s22], [sflag:$0x7], $0x80, s31, s5, $0xb8;
	[tilespmem:$0x1C980] =	vst v63  }
0x29b: {  	s24 =	rddreg [dreg:$0x17]  }
0x29c: {  	[spmem:s4] =	stream.indirect.scatter.add.f32 [tilespmem:s10], [sflag:$0x7], $0x1, s31, s5, $0xb8;
	[tilespmem:$0x1C980] =	vst v63  }
0x29d: {  	s25 =	rddreg [dreg:$0x16];
	s15 =	sadd.s32 $0x0, s24  }
0x29e: {  	[tilespmem:s28], [sflag:$0x4] =	stream.linear.gather [hbm4b:s15+s6], $0x80, $0x38;
	[tilespmem:$0x1C980] =	vst v63  }
0x29f: {  	s0 =	sadd.s32 $0x0, s25  }
0x2a0: {  	[tilespmem:s29], [sflag:$0x4] =	stream.linear.gather [hbm4b:s0+s6], $0x80, $0x38;
	[tilespmem:$0x1C980] =	vst v63  }
0x2a1: {  	_ =	swait.ge [sflag:s2], $0x80  }
0x2a2: {  	[sflag:s2] =	ssyncset.done $0x0  }
0x2a3: {  	[sflag:s2] =	ssyncadd.s32 $0xFFFFFF80  }
0x2a4: {  	_ =	swait.ge [sflag:s2], $0x80  }
0x2a5: {  	[sflag:s2] =	ssyncset.done $0x0  }
0x2a6: {  	[sflag:s2] =	ssyncadd.s32 $0xFFFFFF80  }
0x2a7: {  	_ =	swait.ge [sflag:s11], $0x4000  }
0x2a8: {  	[sflag:s11] =	ssyncset.done $0x0  }
0x2a9: {  	[sflag:s11] =	ssyncadd.s32 $0xFFFFC000  }
0x2aa: {  	_ =	swait.ge [sflag:s11], $0x80  }
0x2ab: {  	[sflag:s11] =	ssyncset.done $0x0  }
0x2ac: {  	[sflag:s11] =	ssyncadd.s32 $0xFFFFFF80  }
0x2ad: {  	[tilespmem:s22], [sflag:$0x1] =	stream.indirect.gather [hbm4b:s1+s5], $0x80, s18, s5, $0xb8;
	[tilespmem:$0x1C980] =	vst v63  }
0x2ae: {  	_ =	swait.ge [sflag:s12], $0x4000  }
0x2af: {  	[sflag:s12] =	ssyncset.done $0x0  }
0x2b0: {  	[sflag:s12] =	ssyncadd.s32 $0xFFFFC000  }
0x2b1: {  	[spmem:s3] =	stream.indirect.scatter.add.f32 [tilespmem:s8], [sflag:$0x8], $0x80, s20, s5, $0xb8;
	[tilespmem:$0x1C980] =	vst v63  }
0x2b2: {  	s16 =	rddreg [dreg:$0x15]  }
0x2b3: {  	[spmem:s4] =	stream.indirect.scatter.add.f32 [tilespmem:s10], [sflag:$0x8], $0x1, s20, s5, $0xb8;
	[tilespmem:$0x1C980] =	vst v63  }
0x2b4: {  	s17 =	rddreg [dreg:$0x14];
	s15 =	sadd.s32 $0x0, s16  }
0x2b5: {  	[tilespmem:s30], [sflag:$0x5] =	stream.linear.gather [hbm4b:s15+s6], $0x80, $0x38;
	[tilespmem:$0x1C980] =	vst v63  }
0x2b6: {  	s18 =	sadd.s32 $0x0, s17  }
0x2b7: {  	[tilespmem:s31], [sflag:$0x5] =	stream.linear.gather [hbm4b:s18+s6], $0x80, $0x38;
	[tilespmem:$0x1C980] =	vst v63  }
0x2b8: {  	_ =	swait.ge [sflag:s7], $0x80  }
0x2b9: {  	[sflag:s7] =	ssyncset.done $0x0  }
0x2ba: {  	[sflag:s7] =	ssyncadd.s32 $0xFFFFFF80  }
0x2bb: {  	_ =	swait.ge [sflag:s7], $0x80  }
0x2bc: {  	[sflag:s7] =	ssyncset.done $0x0  }
0x2bd: {  	[sflag:s7] =	ssyncadd.s32 $0xFFFFFF80  }
0x2be: {  	_ =	swait.ge [sflag:s14], $0x4000  }
0x2bf: {  	[sflag:s14] =	ssyncset.done $0x0  }
0x2c0: {  	[sflag:s14] =	ssyncadd.s32 $0xFFFFC000  }
0x2c1: {  	_ =	swait.ge [sflag:s14], $0x80  }
0x2c2: {  	[sflag:s14] =	ssyncset.done $0x0  }
0x2c3: {  	[sflag:s14] =	ssyncadd.s32 $0xFFFFFF80  }
0x2c4: {  	[tilespmem:s8], [sflag:$0x2] =	stream.indirect.gather [hbm4b:s1+s5], $0x80, s28, s5, $0xb8;
	[tilespmem:$0x1C980] =	vst v63  }
0x2c5: {  	_ =	swait.ge [sflag:s9], $0x4000  }
0x2c6: {  	[sflag:s9] =	ssyncset.done $0x0  }
0x2c7: {  	[sflag:s9] =	ssyncadd.s32 $0xFFFFC000  }
0x2c8: {  	[spmem:s3] =	stream.indirect.scatter.add.f32 [tilespmem:s22], [sflag:$0x7], $0x80, s26, s5, $0xb8;
	[tilespmem:$0x1C980] =	vst v63  }
0x2c9: {  	s23 =	rddreg [dreg:$0x13]  }
0x2ca: {  	[spmem:s4] =	stream.indirect.scatter.add.f32 [tilespmem:s10], [sflag:$0x7], $0x1, s26, s5, $0xb8;
	[tilespmem:$0x1C980] =	vst v63  }
0x2cb: {  	s24 =	rddreg [dreg:$0x12];
	s15 =	sadd.s32 $0x0, s23  }
0x2cc: {  	[tilespmem:s19], [sflag:$0x6] =	stream.linear.gather [hbm4b:s15+s6], $0x80, $0x38;
	[tilespmem:$0x1C980] =	vst v63  }
0x2cd: {  	s25 =	sadd.s32 $0x0, s24  }
0x2ce: {  	[tilespmem:s20], [sflag:$0x6] =	stream.linear.gather [hbm4b:s25+s6], $0x80, $0x38;
	[tilespmem:$0x1C980] =	vst v63  }
0x2cf: {  	_ =	swait.ge [sflag:s21], $0x80  }
0x2d0: {  	[sflag:s21] =	ssyncset.done $0x0  }
0x2d1: {  	[sflag:s21] =	ssyncadd.s32 $0xFFFFFF80  }
0x2d2: {  	_ =	swait.ge [sflag:s21], $0x80  }
0x2d3: {  	[sflag:s21] =	ssyncset.done $0x0  }
0x2d4: {  	[sflag:s21] =	ssyncadd.s32 $0xFFFFFF80  }
0x2d5: {  	_ =	swait.ge [sflag:s11], $0x4000  }
0x2d6: {  	[sflag:s11] =	ssyncset.done $0x0  }
0x2d7: {  	[sflag:s11] =	ssyncadd.s32 $0xFFFFC000  }
0x2d8: {  	_ =	swait.ge [sflag:s11], $0x80  }
0x2d9: {  	[sflag:s11] =	ssyncset.done $0x0  }
0x2da: {  	[sflag:s11] =	ssyncadd.s32 $0xFFFFFF80  }
0x2db: {  	[tilespmem:s22], [sflag:$0x1] =	stream.indirect.gather [hbm4b:s1+s5], $0x80, s30, s5, $0xb8;
	[tilespmem:$0x1C980] =	vst v63  }
0x2dc: {  	_ =	swait.ge [sflag:s12], $0x4000  }
0x2dd: {  	[sflag:s12] =	ssyncset.done $0x0  }
0x2de: {  	p0 =	por $0x0, $0x0;
	[sflag:s12] =	ssyncadd.s32 $0xFFFFC000  }
0x2df: {  	[spmem:s3] =	stream.indirect.scatter.add.f32 [tilespmem:s8], [sflag:$0x8], $0x80, s29, s5, $0xb8;
	[tilespmem:$0x1C980] =	vst v63  }
0x2e0: {  	s17 =	simm.s32 @!p0 $0x0;
	s15 =	rddreg [dreg:$0x11]  }
0x2e1: {  	[spmem:s4] =	stream.indirect.scatter.add.f32 [tilespmem:s10], [sflag:$0x8], $0x1, s29, s5, $0xb8;
	[tilespmem:$0x1C980] =	vst v63  }
0x2e2: {  	s18 =	simm.s32 @!p0 $0x14280;
	s16 =	rddreg [dreg:$0x10];
	s15 =	sadd.s32 @!p0 $0x0, s15  }
0x2e3: {  	[tilespmem:s18], [sflag:$0x3] =	stream.linear.gather @!p0 [hbm4b:s15+s17], $0x80, $0x38;
	[tilespmem:$0x1C980] =	vst v63  }
0x2e4: {  	s15 =	sadd.s32 @!p0 $0x0, s16;
	s16 =	simm.s32 @!p0 $0x14480  }
0x2e5: {  	[tilespmem:s16], [sflag:$0x3] =	stream.linear.gather @!p0 [hbm4b:s15+s17], $0x80, $0x38;
	[tilespmem:$0x1C980] =	vst v63  }
0x2e6: {  	_ =	swait.ge [sflag:s13], $0x80  }
0x2e7: {  	[sflag:s13] =	ssyncset.done $0x0  }
0x2e8: {  	[sflag:s13] =	ssyncadd.s32 $0xFFFFFF80  }
0x2e9: {  	_ =	swait.ge [sflag:s13], $0x80  }
0x2ea: {  	[sflag:s13] =	ssyncset.done $0x0  }
0x2eb: {  	[sflag:s13] =	ssyncadd.s32 $0xFFFFFF80  }
0x2ec: {  	_ =	swait.ge [sflag:s14], $0x4000  }
0x2ed: {  	[sflag:s14] =	ssyncset.done $0x0  }
0x2ee: {  	[sflag:s14] =	ssyncadd.s32 $0xFFFFC000  }
0x2ef: {  	_ =	swait.ge [sflag:s14], $0x80  }
0x2f0: {  	[sflag:s14] =	ssyncset.done $0x0  }
0x2f1: {  	[sflag:s14] =	ssyncadd.s32 $0xFFFFFF80  }
0x2f2: {  	[tilespmem:s8], [sflag:$0x2] =	stream.indirect.gather [hbm4b:s1+s5], $0x80, s19, s5, $0xb8;
	[tilespmem:$0x1C980] =	vst v63  }
0x2f3: {  	s0 =	simm.s32 $0x14280;
	_ =	swait.ge [sflag:s9], $0x4000  }
0x2f4: {  	s16 =	simm.s32 $0x40;
	[sflag:s9] =	ssyncset.done $0x0;
	s24 =	rddreg [dreg:$0x16]  }
0x2f5: {  	s17 =	simm.s32 $0x80;
	s18 =	rddreg [dreg:$0x17];
	[sflag:s9] =	ssyncadd.s32 $0xFFFFC000  }
0x2f6: {  	[spmem:s3] =	stream.indirect.scatter.add.f32 [tilespmem:s22], [sflag:$0x7], $0x80, s31, s5, $0xb8;
	[tilespmem:$0x1C980] =	vst v63  }
.LBB2_4:
0x2f7: {  	[spmem:s4] =	stream.indirect.scatter.add.f32 [tilespmem:s10], [sflag:$0x7], $0x1, s31, s5, $0xb8;
	[tilespmem:$0x1C980] =	vst v63  }
0x2f8: {  	s15 =	sadd.s32 s16, s18  }
0x2f9: {  	[tilespmem:s28], [sflag:$0x4] =	stream.linear.gather [hbm4b:s15+s6], $0x80, $0x38;
	[tilespmem:$0x1C980] =	vst v63  }
0x2fa: {  	s23 =	sadd.s32 s16, s24  }
0x2fb: {  	[tilespmem:s29], [sflag:$0x4] =	stream.linear.gather [hbm4b:s23+s6], $0x80, $0x38;
	[tilespmem:$0x1C980] =	vst v63  }
0x2fc: {  	_ =	swait.ge [sflag:s2], $0x80  }
0x2fd: {  	[sflag:s2] =	ssyncset.done $0x0  }
0x2fe: {  	[sflag:s2] =	ssyncadd.s32 $0xFFFFFF80  }
0x2ff: {  	_ =	swait.ge [sflag:s2], $0x80  }
0x300: {  	[sflag:s2] =	ssyncset.done $0x0  }
0x301: {  	[sflag:s2] =	ssyncadd.s32 $0xFFFFFF80  }
0x302: {  	_ =	swait.ge [sflag:s11], $0x4000  }
0x303: {  	[sflag:s11] =	ssyncset.done $0x0  }
0x304: {  	[sflag:s11] =	ssyncadd.s32 $0xFFFFC000  }
0x305: {  	_ =	swait.ge [sflag:s11], $0x80  }
0x306: {  	[sflag:s11] =	ssyncset.done $0x0  }
0x307: {  	[sflag:s11] =	ssyncadd.s32 $0xFFFFFF80  }
0x308: {  	[tilespmem:s22], [sflag:$0x1] =	stream.indirect.gather [hbm4b:s1+s5], $0x80, s0, s5, $0xb8;
	[tilespmem:$0x1C980] =	vst v63  }
0x309: {  	_ =	swait.ge [sflag:s12], $0x4000  }
0x30a: {  	[sflag:s12] =	ssyncset.done $0x0  }
0x30b: {  	[sflag:s12] =	ssyncadd.s32 $0xFFFFC000  }
0x30c: {  	[spmem:s3] =	stream.indirect.scatter.add.f32 [tilespmem:s8], [sflag:$0x8], $0x80, s20, s5, $0xb8;
	[tilespmem:$0x1C980] =	vst v63  }
0x30d: {  	s24 =	rddreg [dreg:$0x15]  }
0x30e: {  	[spmem:s4] =	stream.indirect.scatter.add.f32 [tilespmem:s10], [sflag:$0x8], $0x1, s20, s5, $0xb8;
	[tilespmem:$0x1C980] =	vst v63  }
0x30f: {  	s23 =	rddreg [dreg:$0x14];
	s15 =	sadd.s32 s16, s24  }
0x310: {  	[tilespmem:s30], [sflag:$0x5] =	stream.linear.gather [hbm4b:s15+s6], $0x80, $0x38;
	[tilespmem:$0x1C980] =	vst v63  }
0x311: {  	s25 =	sadd.s32 s16, s23  }
0x312: {  	[tilespmem:s31], [sflag:$0x5] =	stream.linear.gather [hbm4b:s25+s6], $0x80, $0x38;
	[tilespmem:$0x1C980] =	vst v63  }
0x313: {  	_ =	swait.ge [sflag:s7], $0x80  }
0x314: {  	[sflag:s7] =	ssyncset.done $0x0  }
0x315: {  	[sflag:s7] =	ssyncadd.s32 $0xFFFFFF80  }
0x316: {  	_ =	swait.ge [sflag:s7], $0x80  }
0x317: {  	[sflag:s7] =	ssyncset.done $0x0  }
0x318: {  	[sflag:s7] =	ssyncadd.s32 $0xFFFFFF80  }
0x319: {  	_ =	swait.ge [sflag:s14], $0x4000  }
0x31a: {  	[sflag:s14] =	ssyncset.done $0x0  }
0x31b: {  	[sflag:s14] =	ssyncadd.s32 $0xFFFFC000  }
0x31c: {  	_ =	swait.ge [sflag:s14], $0x80  }
0x31d: {  	[sflag:s14] =	ssyncset.done $0x0  }
0x31e: {  	[sflag:s14] =	ssyncadd.s32 $0xFFFFFF80  }
0x31f: {  	[tilespmem:s8], [sflag:$0x2] =	stream.indirect.gather [hbm4b:s1+s5], $0x80, s28, s5, $0xb8;
	[tilespmem:$0x1C980] =	vst v63  }
0x320: {  	_ =	swait.ge [sflag:s9], $0x4000  }
0x321: {  	[sflag:s9] =	ssyncset.done $0x0  }
0x322: {  	[sflag:s9] =	ssyncadd.s32 $0xFFFFC000  }
0x323: {  	[spmem:s3] =	stream.indirect.scatter.add.f32 [tilespmem:s22], [sflag:$0x7], $0x80, s26, s5, $0xb8;
	[tilespmem:$0x1C980] =	vst v63  }
0x324: {  	s23 =	rddreg [dreg:$0x13]  }
0x325: {  	[spmem:s4] =	stream.indirect.scatter.add.f32 [tilespmem:s10], [sflag:$0x7], $0x1, s26, s5, $0xb8;
	[tilespmem:$0x1C980] =	vst v63  }
0x326: {  	s24 =	rddreg [dreg:$0x12];
	s15 =	sadd.s32 s16, s23  }
0x327: {  	[tilespmem:s19], [sflag:$0x6] =	stream.linear.gather [hbm4b:s15+s6], $0x80, $0x38;
	[tilespmem:$0x1C980] =	vst v63  }
0x328: {  	s25 =	sadd.s32 s16, s24  }
0x329: {  	[tilespmem:s20], [sflag:$0x6] =	stream.linear.gather [hbm4b:s25+s6], $0x80, $0x38;
	[tilespmem:$0x1C980] =	vst v63  }
0x32a: {  	_ =	swait.ge [sflag:s21], $0x80  }
0x32b: {  	[sflag:s21] =	ssyncset.done $0x0  }
0x32c: {  	[sflag:s21] =	ssyncadd.s32 $0xFFFFFF80  }
0x32d: {  	_ =	swait.ge [sflag:s21], $0x80  }
0x32e: {  	[sflag:s21] =	ssyncset.done $0x0  }
0x32f: {  	[sflag:s21] =	ssyncadd.s32 $0xFFFFFF80  }
0x330: {  	_ =	swait.ge [sflag:s11], $0x4000  }
0x331: {  	[sflag:s11] =	ssyncset.done $0x0  }
0x332: {  	[sflag:s11] =	ssyncadd.s32 $0xFFFFC000  }
0x333: {  	_ =	swait.ge [sflag:s11], $0x80  }
0x334: {  	[sflag:s11] =	ssyncset.done $0x0  }
0x335: {  	[sflag:s11] =	ssyncadd.s32 $0xFFFFFF80  }
0x336: {  	[tilespmem:s22], [sflag:$0x1] =	stream.indirect.gather [hbm4b:s1+s5], $0x80, s30, s5, $0xb8;
	[tilespmem:$0x1C980] =	vst v63  }
0x337: {  	_ =	swait.ge [sflag:s12], $0x4000  }
0x338: {  	[sflag:s12] =	ssyncset.done $0x0  }
0x339: {  	p1 =	seq.s32 s16, $0x480;
	[sflag:s12] =	ssyncadd.s32 $0xFFFFC000  }
0x33a: {  	[spmem:s3] =	stream.indirect.scatter.add.f32 [tilespmem:s8], [sflag:$0x8], $0x80, s29, s5, $0xb8;
	[tilespmem:$0x1C980] =	vst v63  }
0x33b: {  	s24 =	simm.s32 @!p1 $0x0;
	s15 =	rddreg [dreg:$0x11]  }
0x33c: {  	[spmem:s4] =	stream.indirect.scatter.add.f32 [tilespmem:s10], [sflag:$0x8], $0x1, s29, s5, $0xb8;
	[tilespmem:$0x1C980] =	vst v63  }
0x33d: {  	s25 =	simm.s32 @!p1 $0x14280;
	s23 =	rddreg [dreg:$0x10];
	s15 =	sadd.s32 @!p1 s16, s15  }
0x33e: {  	[tilespmem:s25], [sflag:$0x3] =	stream.linear.gather @!p1 [hbm4b:s15+s24], $0x80, $0x38;
	[tilespmem:$0x1C980] =	vst v63  }
0x33f: {  	s15 =	sadd.s32 @!p1 s16, s23;
	s23 =	simm.s32 @!p1 $0x14480  }
0x340: {  	[tilespmem:s23], [sflag:$0x3] =	stream.linear.gather @!p1 [hbm4b:s15+s24], $0x80, $0x38;
	[tilespmem:$0x1C980] =	vst v63  }
0x341: {  	_ =	swait.ge [sflag:s13], $0x80  }
0x342: {  	[sflag:s13] =	ssyncset.done $0x0  }
0x343: {  	[sflag:s13] =	ssyncadd.s32 $0xFFFFFF80  }
0x344: {  	_ =	swait.ge [sflag:s13], $0x80  }
0x345: {  	[sflag:s13] =	ssyncset.done $0x0  }
0x346: {  	[sflag:s13] =	ssyncadd.s32 $0xFFFFFF80  }
0x347: {  	_ =	swait.ge [sflag:s14], $0x4000  }
0x348: {  	[sflag:s14] =	ssyncset.done $0x0  }
0x349: {  	[sflag:s14] =	ssyncadd.s32 $0xFFFFC000  }
0x34a: {  	_ =	swait.ge [sflag:s14], $0x80  }
0x34b: {  	s18 =	smov.u32 s17;
	s17 =	sadd.s32 $0x40, s17;
	[sflag:s14] =	ssyncset.done $0x0  }
0x34c: {  	p0 =	sne.s32 s17, $0x4C0;
	[sflag:s14] =	ssyncadd.s32 $0xFFFFFF80  }
0x34d: {  	[tilespmem:s8], [sflag:$0x2] =	stream.indirect.gather [hbm4b:s1+s5], $0x80, s19, s5, $0xb8;
	[tilespmem:$0x1C980] =	vst v63  }
.Ltmp1:
0x34e: {  	_ = 	snop;
	(pc) =	sbr.rel @p0 .LBB2_4-.Ltmp1, $4  }
0x34f: {  	_ =	swait.ge [sflag:s9], $0x4000  }
0x350: {  	s24 =	rddreg [dreg:$0x16];
	[sflag:s9] =	ssyncset.done $0x0  }
0x351: {  	s16 =	smov.u32 s18;
	s18 =	rddreg [dreg:$0x17];
	[sflag:s9] =	ssyncadd.s32 $0xFFFFC000  }
0x352: {  	[spmem:s3] =	stream.indirect.scatter.add.f32 [tilespmem:s22], [sflag:$0x7], $0x80, s31, s5, $0xb8;
	[tilespmem:$0x1C980] =	vst v63  }
0x353: {  	[spmem:s4] =	stream.indirect.scatter.add.f32 [tilespmem:s10], [sflag:$0x7], $0x1, s31, s5, $0xb8;
	[tilespmem:$0x1C980] =	vst v63  }
0x354: {  	s15 =	sadd.s32 s16, s18  }
0x355: {  	[tilespmem:s28], [sflag:$0x4] =	stream.linear.gather [hbm4b:s15+s6], $0x80, $0x38;
	[tilespmem:$0x1C980] =	vst v63  }
0x356: {  	s25 =	sadd.s32 s16, s24  }
0x357: {  	[tilespmem:s29], [sflag:$0x4] =	stream.linear.gather [hbm4b:s25+s6], $0x80, $0x38;
	[tilespmem:$0x1C980] =	vst v63  }
0x358: {  	_ =	swait.ge [sflag:s2], $0x80  }
0x359: {  	[sflag:s2] =	ssyncset.done $0x0  }
0x35a: {  	[sflag:s2] =	ssyncadd.s32 $0xFFFFFF80  }
0x35b: {  	_ =	swait.ge [sflag:s2], $0x80  }
0x35c: {  	[sflag:s2] =	ssyncset.done $0x0  }
0x35d: {  	[sflag:s2] =	ssyncadd.s32 $0xFFFFFF80  }
0x35e: {  	_ =	swait.ge [sflag:s11], $0x4000  }
0x35f: {  	[sflag:s11] =	ssyncset.done $0x0  }
0x360: {  	[sflag:s11] =	ssyncadd.s32 $0xFFFFC000  }
0x361: {  	_ =	swait.ge [sflag:s11], $0x80  }
0x362: {  	[sflag:s11] =	ssyncset.done $0x0  }
0x363: {  	[sflag:s11] =	ssyncadd.s32 $0xFFFFFF80  }
0x364: {  	[tilespmem:s22], [sflag:$0x1] =	stream.indirect.gather [hbm4b:s1+s5], $0x80, s0, s5, $0xb8;
	[tilespmem:$0x1C980] =	vst v63  }
0x365: {  	_ =	swait.ge [sflag:s12], $0x4000  }
0x366: {  	[sflag:s12] =	ssyncset.done $0x0  }
0x367: {  	[sflag:s12] =	ssyncadd.s32 $0xFFFFC000  }
0x368: {  	[spmem:s3] =	stream.indirect.scatter.add.f32 [tilespmem:s8], [sflag:$0x8], $0x80, s20, s5, $0xb8;
	[tilespmem:$0x1C980] =	vst v63  }
0x369: {  	s0 =	rddreg [dreg:$0x15]  }
0x36a: {  	[spmem:s4] =	stream.indirect.scatter.add.f32 [tilespmem:s10], [sflag:$0x8], $0x1, s20, s5, $0xb8;
	[tilespmem:$0x1C980] =	vst v63  }
0x36b: {  	s17 =	rddreg [dreg:$0x14];
	s15 =	sadd.s32 s16, s0  }
0x36c: {  	[tilespmem:s30], [sflag:$0x5] =	stream.linear.gather [hbm4b:s15+s6], $0x80, $0x38;
	[tilespmem:$0x1C980] =	vst v63  }
0x36d: {  	s17 =	sadd.s32 s16, s17  }
0x36e: {  	[tilespmem:s31], [sflag:$0x5] =	stream.linear.gather [hbm4b:s17+s6], $0x80, $0x38;
	[tilespmem:$0x1C980] =	vst v63  }
0x36f: {  	_ =	swait.ge [sflag:s7], $0x80  }
0x370: {  	[sflag:s7] =	ssyncset.done $0x0  }
0x371: {  	[sflag:s7] =	ssyncadd.s32 $0xFFFFFF80  }
0x372: {  	_ =	swait.ge [sflag:s7], $0x80  }
0x373: {  	[sflag:s7] =	ssyncset.done $0x0  }
0x374: {  	[sflag:s7] =	ssyncadd.s32 $0xFFFFFF80  }
0x375: {  	_ =	swait.ge [sflag:s14], $0x4000  }
0x376: {  	[sflag:s14] =	ssyncset.done $0x0  }
0x377: {  	[sflag:s14] =	ssyncadd.s32 $0xFFFFC000  }
0x378: {  	_ =	swait.ge [sflag:s14], $0x80  }
0x379: {  	[sflag:s14] =	ssyncset.done $0x0  }
0x37a: {  	[sflag:s14] =	ssyncadd.s32 $0xFFFFFF80  }
0x37b: {  	[tilespmem:s8], [sflag:$0x2] =	stream.indirect.gather [hbm4b:s1+s5], $0x80, s28, s5, $0xb8;
	[tilespmem:$0x1C980] =	vst v63  }
0x37c: {  	_ =	swait.ge [sflag:s9], $0x4000  }
0x37d: {  	[sflag:s9] =	ssyncset.done $0x0  }
0x37e: {  	[sflag:s9] =	ssyncadd.s32 $0xFFFFC000  }
0x37f: {  	[spmem:s3] =	stream.indirect.scatter.add.f32 [tilespmem:s22], [sflag:$0x7], $0x80, s26, s5, $0xb8;
	[tilespmem:$0x1C980] =	vst v63  }
0x380: {  	s18 =	rddreg [dreg:$0x13]  }
0x381: {  	[spmem:s4] =	stream.indirect.scatter.add.f32 [tilespmem:s10], [sflag:$0x7], $0x1, s26, s5, $0xb8;
	[tilespmem:$0x1C980] =	vst v63  }
0x382: {  	s23 =	rddreg [dreg:$0x12];
	s15 =	sadd.s32 s16, s18  }
0x383: {  	[tilespmem:s19], [sflag:$0x6] =	stream.linear.gather [hbm4b:s15+s6], $0x80, $0x38;
	[tilespmem:$0x1C980] =	vst v63  }
0x384: {  	s24 =	sadd.s32 s16, s23  }
0x385: {  	[tilespmem:s20], [sflag:$0x6] =	stream.linear.gather [hbm4b:s24+s6], $0x80, $0x38;
	[tilespmem:$0x1C980] =	vst v63  }
0x386: {  	_ =	swait.ge [sflag:s21], $0x80  }
0x387: {  	[sflag:s21] =	ssyncset.done $0x0  }
0x388: {  	[sflag:s21] =	ssyncadd.s32 $0xFFFFFF80  }
0x389: {  	_ =	swait.ge [sflag:s21], $0x80  }
0x38a: {  	[sflag:s21] =	ssyncset.done $0x0  }
0x38b: {  	[sflag:s21] =	ssyncadd.s32 $0xFFFFFF80  }
0x38c: {  	_ =	swait.ge [sflag:s11], $0x4000  }
0x38d: {  	[sflag:s11] =	ssyncset.done $0x0  }
0x38e: {  	[sflag:s11] =	ssyncadd.s32 $0xFFFFC000  }
0x38f: {  	_ =	swait.ge [sflag:s11], $0x80  }
0x390: {  	[sflag:s11] =	ssyncset.done $0x0  }
0x391: {  	[sflag:s11] =	ssyncadd.s32 $0xFFFFFF80  }
0x392: {  	[tilespmem:s22], [sflag:$0x1] =	stream.indirect.gather [hbm4b:s1+s5], $0x80, s30, s5, $0xb8;
	[tilespmem:$0x1C980] =	vst v63  }
0x393: {  	_ =	swait.ge [sflag:s12], $0x4000  }
0x394: {  	[sflag:s12] =	ssyncset.done $0x0  }
0x395: {  	p0 =	seq.s32 s16, $0x480;
	[sflag:s12] =	ssyncadd.s32 $0xFFFFC000  }
0x396: {  	[spmem:s3] =	stream.indirect.scatter.add.f32 [tilespmem:s8], [sflag:$0x8], $0x80, s29, s5, $0xb8;
	[tilespmem:$0x1C980] =	vst v63  }
0x397: {  	s18 =	simm.s32 @!p0 $0x0;
	s15 =	rddreg [dreg:$0x11]  }
0x398: {  	[spmem:s4] =	stream.indirect.scatter.add.f32 [tilespmem:s10], [sflag:$0x8], $0x1, s29, s5, $0xb8;
	[tilespmem:$0x1C980] =	vst v63  }
0x399: {  	s23 =	simm.s32 @!p0 $0x14280;
	s17 =	rddreg [dreg:$0x10];
	s15 =	sadd.s32 @!p0 s16, s15  }
0x39a: {  	[tilespmem:s23], [sflag:$0x3] =	stream.linear.gather @!p0 [hbm4b:s15+s18], $0x80, $0x38;
	[tilespmem:$0x1C980] =	vst v63  }
0x39b: {  	s15 =	sadd.s32 @!p0 s16, s17;
	s16 =	simm.s32 @!p0 $0x14480  }
0x39c: {  	[tilespmem:s16], [sflag:$0x3] =	stream.linear.gather @!p0 [hbm4b:s15+s18], $0x80, $0x38;
	[tilespmem:$0x1C980] =	vst v63  }
0x39d: {  	_ =	swait.ge [sflag:s13], $0x80  }
0x39e: {  	[sflag:s13] =	ssyncset.done $0x0  }
0x39f: {  	[sflag:s13] =	ssyncadd.s32 $0xFFFFFF80  }
0x3a0: {  	_ =	swait.ge [sflag:s13], $0x80  }
0x3a1: {  	[sflag:s13] =	ssyncset.done $0x0  }
0x3a2: {  	[sflag:s13] =	ssyncadd.s32 $0xFFFFFF80  }
0x3a3: {  	_ =	swait.ge [sflag:s14], $0x4000  }
0x3a4: {  	[sflag:s14] =	ssyncset.done $0x0  }
0x3a5: {  	[sflag:s14] =	ssyncadd.s32 $0xFFFFC000  }
0x3a6: {  	_ =	swait.ge [sflag:s14], $0x80  }
0x3a7: {  	[sflag:s14] =	ssyncset.done $0x0  }
0x3a8: {  	[sflag:s14] =	ssyncadd.s32 $0xFFFFFF80  }
0x3a9: {  	[tilespmem:s8], [sflag:$0x2] =	stream.indirect.gather [hbm4b:s1+s5], $0x80, s19, s5, $0xb8;
	[tilespmem:$0x1C980] =	vst v63  }
0x3aa: {  	_ =	swait.ge [sflag:s9], $0x4000  }
0x3ab: {  	[sflag:s9] =	ssyncset.done $0x0  }
0x3ac: {  	[sflag:s9] =	ssyncadd.s32 $0xFFFFC000  }
0x3ad: {  	[spmem:s3] =	stream.indirect.scatter.add.f32 [tilespmem:s22], [sflag:$0x7], $0x80, s31, s5, $0xb8;
	[tilespmem:$0x1C980] =	vst v63  }
0x3ae: {  	_ = 	snop  }
0x3af: {  	[spmem:s4] =	stream.indirect.scatter.add.f32 [tilespmem:s10], [sflag:$0x7], $0x1, s31, s5, $0xb8;
	[tilespmem:$0x1C980] =	vst v63  }
0x3b0: {  	_ =	swait.ge [sflag:s12], $0x4000  }
0x3b1: {  	[sflag:s12] =	ssyncset.done $0x0  }
0x3b2: {  	[sflag:s12] =	ssyncadd.s32 $0xFFFFC000  }
0x3b3: {  	[spmem:s3] =	stream.indirect.scatter.add.f32 [tilespmem:s8], [sflag:$0x8], $0x80, s20, s5, $0xb8;
	[tilespmem:$0x1C980] =	vst v63  }
0x3b4: {  	_ = 	snop  }
0x3b5: {  	[spmem:s4] =	stream.indirect.scatter.add.f32 [tilespmem:s10], [sflag:$0x8], $0x1, s20, s5, $0xb8;
	[tilespmem:$0x1C980] =	vst v63  }
0x3b6: {  	_ =	swait.ge [sflag:s11], $0x4000  }
0x3b7: {  	[sflag:s11] =	ssyncset.done $0x0  }
0x3b8: {  	[sflag:s11] =	ssyncadd.s32 $0xFFFFC000  }
0x3b9: {  	_ =	swait.ge [sflag:s11], $0x80  }
0x3ba: {  	[sflag:s11] =	ssyncset.done $0x0  }
0x3bb: {  	[sflag:s11] =	ssyncadd.s32 $0xFFFFFF80  }
0x3bc: {  	_ =	swait.ge [sflag:s14], $0x4000  }
0x3bd: {  	[sflag:s14] =	ssyncset.done $0x0  }
0x3be: {  	[sflag:s14] =	ssyncadd.s32 $0xFFFFC000  }
0x3bf: {  	_ =	swait.ge [sflag:s14], $0x80  }
0x3c0: {  	[sflag:s14] =	ssyncset.done $0x0  }
0x3c1: {  	[sflag:s14] =	ssyncadd.s32 $0xFFFFFF80  }
0x3c2: {  	[bflag:$0x0] =	sbarrier.arrive $0xFFFF  }
0x3c3: {  	s25 =	sld [smem:$0x7F5];
	_ =	sdelay $0x1  }
0x3c4: {  	s16 =	simm.s32 $0x9  }
0x3c5: {  	[tilespmem:s22], [sflag:$0x9] =	stream.linear.gather [spmem:s25], $0x4000, $0x38;
	[tilespmem:$0x1C980] =	vst v63  }
0x3c6: {  	_ =	swait.ge [sflag:s16], $0x4000  }
0x3c7: {  	s0 =	sld [smem:$0x7EE]  }
0x3c8: {  	[sflag:s16] =	ssyncset.done $0x0  }
0x3c9: {  	[sflag:s16] =	ssyncadd.s32 $0xFFFFC000  }
0x3ca: {  	[hbm4b:s0+s6] =	stream.linear.scatter [tilespmem:s22], [sflag:$0x9], $0x4000, $0x38;
	[tilespmem:$0x1C980] =	vst v63  }
0x3cb: {  	_ =	swait.ge [sflag:s16], $0x4000  }
0x3cc: {  	s17 =	sld [smem:$0x7F6]  }
0x3cd: {  	[sflag:s16] =	ssyncset.done $0x0  }
0x3ce: {  	[sflag:s16] =	ssyncadd.s32 $0xFFFFC000  }
0x3cf: {  	[tilespmem:s22], [sflag:$0x9] =	stream.linear.gather [spmem:s17], $0x4000, $0x38;
	[tilespmem:$0x1C980] =	vst v63  }
0x3d0: {  	_ =	swait.ge [sflag:s16], $0x4000  }
0x3d1: {  	s18 =	sld [smem:$0x7EF]  }
0x3d2: {  	[sflag:s16] =	ssyncset.done $0x0  }
0x3d3: {  	[sflag:s16] =	ssyncadd.s32 $0xFFFFC000  }
0x3d4: {  	[hbm4b:s18+s6] =	stream.linear.scatter [tilespmem:s22], [sflag:$0x9], $0x4000, $0x38;
	[tilespmem:$0x1C980] =	vst v63  }
0x3d5: {  	_ =	swait.ge [sflag:s16], $0x4000  }
0x3d6: {  	s18 =	sld [smem:$0x7FA]  }
0x3d7: {  	[sflag:s16] =	ssyncset.done $0x0  }
0x3d8: {  	[sflag:s16] =	ssyncadd.s32 $0xFFFFC000  }
0x3d9: {  	[tilespmem:s22], [sflag:$0x9] =	stream.linear.gather [spmem:s18], $0x4000, $0x38;
	[tilespmem:$0x1C980] =	vst v63  }
0x3da: {  	_ =	swait.ge [sflag:s16], $0x4000  }
0x3db: {  	s23 =	sld [smem:$0x7F0]  }
0x3dc: {  	[sflag:s16] =	ssyncset.done $0x0  }
0x3dd: {  	[sflag:s16] =	ssyncadd.s32 $0xFFFFC000  }
0x3de: {  	[hbm4b:s23+s6] =	stream.linear.scatter [tilespmem:s22], [sflag:$0x9], $0x4000, $0x38;
	[tilespmem:$0x1C980] =	vst v63  }
0x3df: {  	_ =	swait.ge [sflag:s16], $0x4000  }
0x3e0: {  	s23 =	sld [smem:$0x7FB]  }
0x3e1: {  	[sflag:s16] =	ssyncset.done $0x0  }
0x3e2: {  	[sflag:s16] =	ssyncadd.s32 $0xFFFFC000  }
0x3e3: {  	[tilespmem:s22], [sflag:$0x9] =	stream.linear.gather [spmem:s23], $0x4000, $0x38;
	[tilespmem:$0x1C980] =	vst v63  }
0x3e4: {  	_ =	swait.ge [sflag:s16], $0x4000  }
0x3e5: {  	s24 =	sld [smem:$0x7F1]  }
0x3e6: {  	[sflag:s16] =	ssyncset.done $0x0  }
0x3e7: {  	[sflag:s16] =	ssyncadd.s32 $0xFFFFC000  }
0x3e8: {  	[hbm4b:s24+s6] =	stream.linear.scatter [tilespmem:s22], [sflag:$0x9], $0x4000, $0x38;
	[tilespmem:$0x1C980] =	vst v63  }
0x3e9: {  	_ =	swait.ge [sflag:s16], $0x4000  }
0x3ea: {  	s24 =	sld [smem:$0x7FC]  }
0x3eb: {  	[sflag:s16] =	ssyncset.done $0x0  }
0x3ec: {  	[sflag:s16] =	ssyncadd.s32 $0xFFFFC000  }
0x3ed: {  	[tilespmem:s22], [sflag:$0x9] =	stream.linear.gather [spmem:s24], $0x4000, $0x38;
	[tilespmem:$0x1C980] =	vst v63  }
0x3ee: {  	_ =	swait.ge [sflag:s16], $0x4000  }
0x3ef: {  	s25 =	sld [smem:$0x7F2]  }
0x3f0: {  	[sflag:s16] =	ssyncset.done $0x0  }
0x3f1: {  	[sflag:s16] =	ssyncadd.s32 $0xFFFFC000  }
0x3f2: {  	[hbm4b:s25+s6] =	stream.linear.scatter [tilespmem:s22], [sflag:$0x9], $0x4000, $0x38;
	[tilespmem:$0x1C980] =	vst v63  }
0x3f3: {  	_ =	swait.ge [sflag:s16], $0x4000  }
0x3f4: {  	s25 =	sld [smem:$0x7FD]  }
0x3f5: {  	[sflag:s16] =	ssyncset.done $0x0  }
0x3f6: {  	s17 =	simm.s32 $0x1C700;
	[sflag:s16] =	ssyncadd.s32 $0xFFFFC000  }
0x3f7: {  	[tilespmem:s17], [sflag:$0x9] =	stream.linear.gather [spmem:s25], $0x280, $0x38;
	[tilespmem:$0x1C980] =	vst v63  }
0x3f8: {  	_ =	swait.ge [sflag:s16], $0x280  }
0x3f9: {  	s0 =	sld [smem:$0x7F8]  }
0x3fa: {  	[sflag:s16] =	ssyncset.done $0x0  }
0x3fb: {  	[sflag:s16] =	ssyncadd.s32 $0xFFFFFD80  }
0x3fc: {  	[hbm4b:s0+s6] =	stream.linear.scatter [tilespmem:s17], [sflag:$0x9], $0x280, $0x38;
	[tilespmem:$0x1C980] =	vst v63  }
0x3fd: {  	_ =	swait.ge [sflag:s16], $0x280  }
0x3fe: {  	s15 =	sld [smem:$0x7DC]  }
0x3ff: {  	[sflag:s16] =	ssyncset.done $0x0;
	s16 =	sld [smem:$0x7F9];
	_ =	sdelay $0x1  }
0x400: {  	s0 =	sadd.s32 $0x1, s15  }
0x401: {  	p0 =	sne.s32 s0, s16  }
.Ltmp2:
0x402: {  	_ = 	snop;
	(pc) =	sbr.rel @p0 .LBB2_1-.Ltmp2, $3  }
0x403: {  	_ =	sdelay $0x1  }
0x404: {  	s16 =	simm.s32 $0x9  }
0x405: {  	[sflag:s16] =	ssyncadd.s32 $0xFFFFFD80  }
0x406: {  	_ =	sfence.sel $0x180000  }
0x407: {  	[bflag:$0x0] =	sbarrier.arrive $0xFFFF  }
0x408: {  	_ =	strace $0x90000047  }
0x409: {  	s0 =	stileid.u32;
	[bflag:$0x2] =	sbarrier.arrive $0xFFFF  }
0x40a: {  	p0 =	sne.s32 s0, $0x0;
	s0 =	rddreg [dreg:$0x7]  }
0x40b: {  	s0 =	sadd.s32 @!p0 $0x100000, s0  }
0x40c: {  	[sflag:s0] =	ssyncadd.tile.s32 @!p0 $0x1;
	_ =	shalt  }
.Lfunc_end2:
_tile_overlayer_lowered:
.L_overlay_start_2:
0x40d: {  	(tag) =	ssettag $0x2  }
0x40e: {  	s0 =	rddreg [dreg:$0x0];
	s2 =	stileid.u32  }
0x40f: {  	s1 =	rddreg [dreg:$0x1];
	p0 =	sne.s32 s2, $0x0  }
0x410: {  	s3 =	rddreg [dreg:$0x2];
	[bflag:$0x3] =	sbarrier.arrive $0xFFFF;
	s2 =	simm.s32 @!p0 $0x1C09  }
0x411: {  	[timem:s3], [sflag:s2] =	dma.local @!p0 [hbm:s0], s1  }
0x412: {  	s0 =	simm.s32 @!p0 $0x9  }
0x413: {  	_ =	swait.ge @!p0 [sflag:s0], s1  }
0x414: {  	s1 =	ssub.s32 @!p0 $0x0, s1;
	[sflag:s0] =	ssyncset.done @!p0 $0x0  }
0x415: {  	[sflag:s0] =	ssyncadd.s32 @!p0 s1  }
0x416: {  	[bflag:$0x3] =	sbarrier.arrive $0xFFFF  }
0x417: {  	_ =	shalt  }

</sc_bundles>
